<compile_context>
chip_gen: v7x
topology: tpu7x:2x2x1
jax: 0.10.2.dev20260603
libtpu: 0.0.44.dev20260713+nightly
codegen_flags: <defaults>
</compile_context>

<pallas_src>
import functools

import jax
import jax.numpy as jnp
from jax import lax
from jax.experimental import pallas as pl
from jax.experimental.pallas import tpu as pltpu
from jax.experimental.pallas import tpu_sc as plsc

_COLS = 1024
_ROWS_OUT = 65535
_NW = 32
_RPW = 2048
_C = 16
_NCH = _RPW // _C
_LAST_FULL = _ROWS_OUT - 23
_TAIL_START = _ROWS_OUT - 7
_NK = _COLS // 16

_mesh = plsc.VectorSubcoreMesh(core_axis_name="c", subcore_axis_name="s")


@functools.partial(
    pl.kernel,
    mesh=_mesh,
    compiler_params=pltpu.CompilerParams(needs_layout_passes=False),
    out_type=jax.ShapeDtypeStruct((_ROWS_OUT, _COLS + 1), jnp.float32),
    scratch_types=[
        pltpu.VMEM((_C, _COLS), jnp.float32),
        pltpu.VMEM((_C, _COLS), jnp.float32),
        pltpu.VMEM((_C, _COLS + 1), jnp.float32),
        pltpu.VMEM((_C, _COLS + 1), jnp.float32),
        pltpu.SemaphoreType.DMA,
        pltpu.SemaphoreType.DMA,
        pltpu.SemaphoreType.DMA,
        pltpu.SemaphoreType.DMA,
    ],
)
def _sc_scan(x_hbm, out_hbm, in0, in1, o0, o1, si0, si1, so0, so1):
    wid = lax.axis_index("s") * 2 + lax.axis_index("c")
    base = wid * _RPW
    ins = (in0, in1)
    outs = (o0, o1)
    isems = (si0, si1)
    osems = (so0, so1)

    lane = lax.iota(jnp.int32, 16)
    last_lane = lane == 15
    col_last = jnp.full((16,), _COLS, jnp.int32)

    def r0_of(i):
        return pl.multiple_of(jnp.minimum(base + i * _C, _LAST_FULL), 8)

    def do_chunk(ibuf, obuf, r):
        carry = jnp.zeros((16,), jnp.float32)
        for k in range(_NK):
            v = ibuf[r, pl.ds(k * 16, 16)]
            s = plsc.cumsum(v)
            sfx = lax.rev(plsc.cumsum(lax.rev(v, (0,))), (0,))
            e = s - v
            obuf[r, pl.ds(k * 16, 16)] = e + carry
            if k == _NK - 1:
                plsc.store_scatter(
                    obuf, [jnp.full((16,), r, jnp.int32), col_last],
                    s + carry, mask=last_lane)
            carry = carry + (e + sfx)
        return carry

    def scan_rows2(ibuf, obuf):
        def pair_body(q, _):
            do_chunk(ibuf, obuf, 2 * q)
            do_chunk(ibuf, obuf, 2 * q + 1)
            return 0

        lax.fori_loop(0, _C // 2, pair_body, 0)

    def scan_rows1(ibuf, obuf, nrows):
        def row_body(r, _):
            do_chunk(ibuf, obuf, r)
            return 0

        lax.fori_loop(0, nrows, row_body, 0)

    pltpu.async_copy(x_hbm.at[pl.ds(r0_of(0), _C)], ins[0], isems[0])

    def step(i, b):
        pltpu.make_async_copy(
            x_hbm.at[pl.ds(r0_of(i), _C)], ins[b], isems[b]).wait()

        @pl.when(i + 1 < _NCH)
        def _():
            pltpu.async_copy(
                x_hbm.at[pl.ds(r0_of(i + 1), _C)], ins[1 - b], isems[1 - b])

        @pl.when(i >= 2)
        def _():
            pltpu.make_async_copy(
                outs[b], out_hbm.at[pl.ds(r0_of(i - 2), _C)], osems[b]).wait()

        pltpu.async_copy(outs[b], out_hbm.at[pl.ds(r0_of(i), _C)], osems[b])

    def duo(i0, _):
        for b in range(2):
            step(i0 * 2 + b, b)
        return 0

    lax.fori_loop(0, _NCH // 2, duo, 0)

    pltpu.make_async_copy(
        outs[0], out_hbm.at[pl.ds(r0_of(_NCH - 2), _C)], osems[0]).wait()
    pltpu.make_async_copy(
        outs[1], out_hbm.at[pl.ds(r0_of(_NCH - 1), _C)], osems[1]).wait()

    @pl.when(wid == _NW - 1)
    def _():
        pltpu.sync_copy(x_hbm.at[pl.ds(_TAIL_START, 7)], in0.at[pl.ds(0, 7)])
        scan_rows1(in0, o0, 7)
        pltpu.sync_copy(o0.at[pl.ds(0, 7)], out_hbm.at[pl.ds(_TAIL_START, 7)])


def kernel(x):
    return _sc_scan(x)

# --- scband reference (transcript-rebuilt; emitter-appended) ---
"""Pipeline reference for scband-model-1735166788238 (READ-ONLY COPY).

The authoritative reference and input builder live on the scoring server;
editing this copy changes nothing except your own understanding.
"""

import jax, jax.numpy as jnp
import numpy as np

def setup_inputs(seed: int = 0) -> dict:
    key = jax.random.key(seed)
    x = jax.random.normal(key, (65536, 1024), dtype=jnp.float32)
    return {"x": x}

def reference(x):
    # Faithful translation of the torch forward with dim=1 (non-zero dim branch):
    #   exclusive_cumsum = torch.cat((zeros_like(x.select(1,0).unsqueeze(1)), x), dim=1)[:-1]
    #   return torch.cumsum(exclusive_cumsum, dim=1)
    # Note: [:-1] slices along dim 0 (a quirk of the original code), so the output
    # shape is [rows-1, cols+1].
    zeros_col = jnp.zeros_like(x[:, 0:1])
    padded = jnp.concatenate([zeros_col, x], axis=1)
    exclusive = padded[:-1]
    return jnp.cumsum(exclusive, axis=1)

if __name__ == "__main__":
    import jax
    _d = setup_inputs()
    print(jax.jit(kernel)(*tuple(_d.values())))

</pallas_src>

<mosaic_0001>
#map = affine_map<(d0, d1) -> (0, 0)>
module attributes {stable_mosaic.version = 14 : i64} {
  func.func @_sc_scan(%arg0: i32, %arg1: i32, %arg2: memref<65536x1024xf32, #tpu.memory_space<hbm>>, %arg3: memref<65535x1025xf32, #tpu.memory_space<hbm>>, %arg4: memref<16x1024xf32, #tpu.memory_space<vmem>>, %arg5: memref<16x1024xf32, #tpu.memory_space<vmem>>, %arg6: memref<16x1025xf32, #tpu.memory_space<vmem>>, %arg7: memref<16x1025xf32, #tpu.memory_space<vmem>>, %arg8: memref<!tpu.dma_semaphore, #tpu.memory_space<semaphore_mem>>, %arg9: memref<!tpu.dma_semaphore, #tpu.memory_space<semaphore_mem>>, %arg10: memref<!tpu.dma_semaphore, #tpu.memory_space<semaphore_mem>>, %arg11: memref<!tpu.dma_semaphore, #tpu.memory_space<semaphore_mem>>) attributes {dimension_semantics = [#tpu.dimension_semantics<core_parallel>, #tpu.dimension_semantics<subcore_parallel>], iteration_bounds = array<i64: 2, 16>, scalar_prefetch = 0 : i64, scratch_operands = 8 : i64, tpu.core_type = #tpu.core_type<sc_vector_subcore>, window_params = [{transform_indices = #map}, {transform_indices = #map}]} {
    %mul3A = arith.constant 2 : i32
    %mul3A_0 = arith.muli %arg1, %mul3A : i32
    %add3A = arith.addi %mul3A_0, %arg0 : i32
    %mul3A_1 = arith.constant 2048 : i32
    %mul3A_2 = arith.muli %add3A, %mul3A_1 : i32
    %iota3A = tpu.iota {dimensions = array<i32: 0>} : vector<16xi32>
    %eq3A = arith.constant 15 : i32
    %eq3A_3 = vector.broadcast %eq3A : i32 to vector<16xi32>
    %eq3A_4 = arith.cmpi eq, %iota3A, %eq3A_3 : vector<16xi32>
    %broadcast_in_dim3A = arith.constant 1024 : i32
    %broadcast_in_dim3A_5 = vector.broadcast %broadcast_in_dim3A : i32 to vector<16xi32>
    %add3A_6 = arith.constant 0 : i32
    %add3A_7 = arith.addi %mul3A_2, %add3A_6 : i32
    %min3A = arith.constant 65512 : i32
    %min3A_8 = arith.minsi %add3A_7, %min3A : i32
    %multiple_of3A = tpu.assume_multiple %min3A_8, 8 : i32
    %dma_start3A = arith.constant 0 : i32
    %dma_start3A_9 = tpu.memref_slice %arg2[%multiple_of3A, %dma_start3A] : memref<65536x1024xf32, #tpu.memory_space<hbm>> -> memref<16x1024xf32, #tpu.memory_space<hbm>>
    %dma_start3A_10 = arith.constant 0 : i32
    %dma_start3A_11 = tpu.memref_slice %arg2[%multiple_of3A, %dma_start3A_10] : memref<65536x1024xf32, #tpu.memory_space<hbm>> -> memref<16x1024xf32, #tpu.memory_space<hbm>>
    tpu.enqueue_dma source(%dma_start3A_11 : memref<16x1024xf32, #tpu.memory_space<hbm>>) target(%arg4 : memref<16x1024xf32, #tpu.memory_space<vmem>>) target_semaphore(%arg8 : memref<!tpu.dma_semaphore, #tpu.memory_space<semaphore_mem>>)
    %scan3A = arith.constant 0 : i32
    %scan3A_12 = arith.constant 0 : i32
    %scan3A_13 = arith.constant 64 : i32
    %scan3A_14 = arith.addi %scan3A_12, %scan3A_13 : i32
    %scan3A_15 = arith.constant 1 : i32
    %scan3A_16 = scf.for %scan3A_38 = %scan3A_12 to %scan3A_14 step %scan3A_15 iter_args(%scan3A_39 = %scan3A) -> (i32)  : i32 {
      %mul3A_40 = arith.constant 2 : i32
      %mul3A_41 = arith.muli %scan3A_38, %mul3A_40 : i32
      %add3A_42 = arith.constant 0 : i32
      %add3A_43 = arith.addi %mul3A_41, %add3A_42 : i32
      %mul3A_44 = arith.constant 16 : i32
      %mul3A_45 = arith.muli %add3A_43, %mul3A_44 : i32
      %add3A_46 = arith.addi %mul3A_2, %mul3A_45 : i32
      %min3A_47 = arith.constant 65512 : i32
      %min3A_48 = arith.minsi %add3A_46, %min3A_47 : i32
      %multiple_of3A_49 = tpu.assume_multiple %min3A_48, 8 : i32
      %dma_wait3A_50 = arith.constant 0 : i32
      %dma_wait3A_51 = tpu.memref_slice %arg2[%multiple_of3A_49, %dma_wait3A_50] : memref<65536x1024xf32, #tpu.memory_space<hbm>> -> memref<16x1024xf32, #tpu.memory_space<hbm>>
      %dma_wait3A_52 = arith.constant 0 : i32
      %dma_wait3A_53 = tpu.memref_slice %arg2[%multiple_of3A_49, %dma_wait3A_52] : memref<65536x1024xf32, #tpu.memory_space<hbm>> -> memref<16x1024xf32, #tpu.memory_space<hbm>>
      tpu.wait_dma2 semaphore(%arg8 : memref<!tpu.dma_semaphore, #tpu.memory_space<semaphore_mem>>) src(%dma_wait3A_53 : memref<16x1024xf32, #tpu.memory_space<hbm>>) dst(%arg4 : memref<16x1024xf32, #tpu.memory_space<vmem>>)
      %add3A_54 = arith.constant 1 : i32
      %add3A_55 = arith.addi %add3A_43, %add3A_54 : i32
      %lt3A = arith.constant 128 : i32
      %lt3A_56 = arith.cmpi slt, %add3A_55, %lt3A : i32
      %convert_element_type3A_57 = arith.extui %lt3A_56 : i1 to i32
      %cond3A_58 = arith.constant 0 : i32
      %cond3A_59 = arith.cmpi ne, %convert_element_type3A_57, %cond3A_58 : i32
      scf.if %cond3A_59 {
        %add3A_111 = arith.constant 1 : i32
        %add3A_112 = arith.addi %add3A_43, %add3A_111 : i32
        %mul3A_113 = arith.constant 16 : i32
        %mul3A_114 = arith.muli %add3A_112, %mul3A_113 : i32
        %add3A_115 = arith.addi %mul3A_2, %mul3A_114 : i32
        %min3A_116 = arith.constant 65512 : i32
        %min3A_117 = arith.minsi %add3A_115, %min3A_116 : i32
        %multiple_of3A_118 = tpu.assume_multiple %min3A_117, 8 : i32
        %dma_start3A_119 = arith.constant 0 : i32
        %dma_start3A_120 = tpu.memref_slice %arg2[%multiple_of3A_118, %dma_start3A_119] : memref<65536x1024xf32, #tpu.memory_space<hbm>> -> memref<16x1024xf32, #tpu.memory_space<hbm>>
        %dma_start3A_121 = arith.constant 0 : i32
        %dma_start3A_122 = tpu.memref_slice %arg2[%multiple_of3A_118, %dma_start3A_121] : memref<65536x1024xf32, #tpu.memory_space<hbm>> -> memref<16x1024xf32, #tpu.memory_space<hbm>>
        tpu.enqueue_dma source(%dma_start3A_122 : memref<16x1024xf32, #tpu.memory_space<hbm>>) target(%arg5 : memref<16x1024xf32, #tpu.memory_space<vmem>>) target_semaphore(%arg9 : memref<!tpu.dma_semaphore, #tpu.memory_space<semaphore_mem>>)
      } else {
      }
      %ge3A = arith.constant 2 : i32
      %ge3A_60 = arith.cmpi sge, %add3A_43, %ge3A : i32
      %convert_element_type3A_61 = arith.extui %ge3A_60 : i1 to i32
      %cond3A_62 = arith.constant 0 : i32
      %cond3A_63 = arith.cmpi ne, %convert_element_type3A_61, %cond3A_62 : i32
      scf.if %cond3A_63 {
        %sub3A = arith.constant 2 : i32
        %sub3A_111 = arith.subi %add3A_43, %sub3A : i32
        %mul3A_112 = arith.constant 16 : i32
        %mul3A_113 = arith.muli %sub3A_111, %mul3A_112 : i32
        %add3A_114 = arith.addi %mul3A_2, %mul3A_113 : i32
        %min3A_115 = arith.constant 65512 : i32
        %min3A_116 = arith.minsi %add3A_114, %min3A_115 : i32
        %multiple_of3A_117 = tpu.assume_multiple %min3A_116, 8 : i32
        %dma_wait3A_118 = arith.constant 0 : i32
        %dma_wait3A_119 = tpu.memref_slice %arg3[%multiple_of3A_117, %dma_wait3A_118] : memref<65535x1025xf32, #tpu.memory_space<hbm>> -> memref<16x1025xf32, #tpu.memory_space<hbm>>
        %dma_wait3A_120 = arith.constant 0 : i32
        %dma_wait3A_121 = tpu.memref_slice %arg3[%multiple_of3A_117, %dma_wait3A_120] : memref<65535x1025xf32, #tpu.memory_space<hbm>> -> memref<16x1025xf32, #tpu.memory_space<hbm>>
        tpu.wait_dma2 semaphore(%arg10 : memref<!tpu.dma_semaphore, #tpu.memory_space<semaphore_mem>>) src(%arg6 : memref<16x1025xf32, #tpu.memory_space<vmem>>) dst(%dma_wait3A_121 : memref<16x1025xf32, #tpu.memory_space<hbm>>)
      } else {
      }
      %mul3A_64 = arith.constant 16 : i32
      %mul3A_65 = arith.muli %add3A_43, %mul3A_64 : i32
      %add3A_66 = arith.addi %mul3A_2, %mul3A_65 : i32
      %min3A_67 = arith.constant 65512 : i32
      %min3A_68 = arith.minsi %add3A_66, %min3A_67 : i32
      %multiple_of3A_69 = tpu.assume_multiple %min3A_68, 8 : i32
      %dma_start3A_70 = arith.constant 0 : i32
      %dma_start3A_71 = tpu.memref_slice %arg3[%multiple_of3A_69, %dma_start3A_70] : memref<65535x1025xf32, #tpu.memory_space<hbm>> -> memref<16x1025xf32, #tpu.memory_space<hbm>>
      %dma_start3A_72 = arith.constant 0 : i32
      %dma_start3A_73 = tpu.memref_slice %arg3[%multiple_of3A_69, %dma_start3A_72] : memref<65535x1025xf32, #tpu.memory_space<hbm>> -> memref<16x1025xf32, #tpu.memory_space<hbm>>
      tpu.enqueue_dma source(%arg6 : memref<16x1025xf32, #tpu.memory_space<vmem>>) target(%dma_start3A_73 : memref<16x1025xf32, #tpu.memory_space<hbm>>) target_semaphore(%arg10 : memref<!tpu.dma_semaphore, #tpu.memory_space<semaphore_mem>>)
      %mul3A_74 = arith.constant 2 : i32
      %mul3A_75 = arith.muli %scan3A_38, %mul3A_74 : i32
      %add3A_76 = arith.constant 1 : i32
      %add3A_77 = arith.addi %mul3A_75, %add3A_76 : i32
      %mul3A_78 = arith.constant 16 : i32
      %mul3A_79 = arith.muli %add3A_77, %mul3A_78 : i32
      %add3A_80 = arith.addi %mul3A_2, %mul3A_79 : i32
      %min3A_81 = arith.constant 65512 : i32
      %min3A_82 = arith.minsi %add3A_80, %min3A_81 : i32
      %multiple_of3A_83 = tpu.assume_multiple %min3A_82, 8 : i32
      %dma_wait3A_84 = arith.constant 0 : i32
      %dma_wait3A_85 = tpu.memref_slice %arg2[%multiple_of3A_83, %dma_wait3A_84] : memref<65536x1024xf32, #tpu.memory_space<hbm>> -> memref<16x1024xf32, #tpu.memory_space<hbm>>
      %dma_wait3A_86 = arith.constant 0 : i32
      %dma_wait3A_87 = tpu.memref_slice %arg2[%multiple_of3A_83, %dma_wait3A_86] : memref<65536x1024xf32, #tpu.memory_space<hbm>> -> memref<16x1024xf32, #tpu.memory_space<hbm>>
      tpu.wait_dma2 semaphore(%arg9 : memref<!tpu.dma_semaphore, #tpu.memory_space<semaphore_mem>>) src(%dma_wait3A_87 : memref<16x1024xf32, #tpu.memory_space<hbm>>) dst(%arg5 : memref<16x1024xf32, #tpu.memory_space<vmem>>)
      %add3A_88 = arith.constant 1 : i32
      %add3A_89 = arith.addi %add3A_77, %add3A_88 : i32
      %lt3A_90 = arith.constant 128 : i32
      %lt3A_91 = arith.cmpi slt, %add3A_89, %lt3A_90 : i32
      %convert_element_type3A_92 = arith.extui %lt3A_91 : i1 to i32
      %cond3A_93 = arith.constant 0 : i32
      %cond3A_94 = arith.cmpi ne, %convert_element_type3A_92, %cond3A_93 : i32
      scf.if %cond3A_94 {
        %add3A_111 = arith.constant 1 : i32
        %add3A_112 = arith.addi %add3A_77, %add3A_111 : i32
        %mul3A_113 = arith.constant 16 : i32
        %mul3A_114 = arith.muli %add3A_112, %mul3A_113 : i32
        %add3A_115 = arith.addi %mul3A_2, %mul3A_114 : i32
        %min3A_116 = arith.constant 65512 : i32
        %min3A_117 = arith.minsi %add3A_115, %min3A_116 : i32
        %multiple_of3A_118 = tpu.assume_multiple %min3A_117, 8 : i32
        %dma_start3A_119 = arith.constant 0 : i32
        %dma_start3A_120 = tpu.memref_slice %arg2[%multiple_of3A_118, %dma_start3A_119] : memref<65536x1024xf32, #tpu.memory_space<hbm>> -> memref<16x1024xf32, #tpu.memory_space<hbm>>
        %dma_start3A_121 = arith.constant 0 : i32
        %dma_start3A_122 = tpu.memref_slice %arg2[%multiple_of3A_118, %dma_start3A_121] : memref<65536x1024xf32, #tpu.memory_space<hbm>> -> memref<16x1024xf32, #tpu.memory_space<hbm>>
        tpu.enqueue_dma source(%dma_start3A_122 : memref<16x1024xf32, #tpu.memory_space<hbm>>) target(%arg4 : memref<16x1024xf32, #tpu.memory_space<vmem>>) target_semaphore(%arg8 : memref<!tpu.dma_semaphore, #tpu.memory_space<semaphore_mem>>)
      } else {
      }
      %ge3A_95 = arith.constant 2 : i32
      %ge3A_96 = arith.cmpi sge, %add3A_77, %ge3A_95 : i32
      %convert_element_type3A_97 = arith.extui %ge3A_96 : i1 to i32
      %cond3A_98 = arith.constant 0 : i32
      %cond3A_99 = arith.cmpi ne, %convert_element_type3A_97, %cond3A_98 : i32
      scf.if %cond3A_99 {
        %sub3A = arith.constant 2 : i32
        %sub3A_111 = arith.subi %add3A_77, %sub3A : i32
        %mul3A_112 = arith.constant 16 : i32
        %mul3A_113 = arith.muli %sub3A_111, %mul3A_112 : i32
        %add3A_114 = arith.addi %mul3A_2, %mul3A_113 : i32
        %min3A_115 = arith.constant 65512 : i32
        %min3A_116 = arith.minsi %add3A_114, %min3A_115 : i32
        %multiple_of3A_117 = tpu.assume_multiple %min3A_116, 8 : i32
        %dma_wait3A_118 = arith.constant 0 : i32
        %dma_wait3A_119 = tpu.memref_slice %arg3[%multiple_of3A_117, %dma_wait3A_118] : memref<65535x1025xf32, #tpu.memory_space<hbm>> -> memref<16x1025xf32, #tpu.memory_space<hbm>>
        %dma_wait3A_120 = arith.constant 0 : i32
        %dma_wait3A_121 = tpu.memref_slice %arg3[%multiple_of3A_117, %dma_wait3A_120] : memref<65535x1025xf32, #tpu.memory_space<hbm>> -> memref<16x1025xf32, #tpu.memory_space<hbm>>
        tpu.wait_dma2 semaphore(%arg11 : memref<!tpu.dma_semaphore, #tpu.memory_space<semaphore_mem>>) src(%arg7 : memref<16x1025xf32, #tpu.memory_space<vmem>>) dst(%dma_wait3A_121 : memref<16x1025xf32, #tpu.memory_space<hbm>>)
      } else {
      }
      %mul3A_100 = arith.constant 16 : i32
      %mul3A_101 = arith.muli %add3A_77, %mul3A_100 : i32
      %add3A_102 = arith.addi %mul3A_2, %mul3A_101 : i32
      %min3A_103 = arith.constant 65512 : i32
      %min3A_104 = arith.minsi %add3A_102, %min3A_103 : i32
      %multiple_of3A_105 = tpu.assume_multiple %min3A_104, 8 : i32
      %dma_start3A_106 = arith.constant 0 : i32
      %dma_start3A_107 = tpu.memref_slice %arg3[%multiple_of3A_105, %dma_start3A_106] : memref<65535x1025xf32, #tpu.memory_space<hbm>> -> memref<16x1025xf32, #tpu.memory_space<hbm>>
      %dma_start3A_108 = arith.constant 0 : i32
      %dma_start3A_109 = tpu.memref_slice %arg3[%multiple_of3A_105, %dma_start3A_108] : memref<65535x1025xf32, #tpu.memory_space<hbm>> -> memref<16x1025xf32, #tpu.memory_space<hbm>>
      tpu.enqueue_dma source(%arg7 : memref<16x1025xf32, #tpu.memory_space<vmem>>) target(%dma_start3A_109 : memref<16x1025xf32, #tpu.memory_space<hbm>>) target_semaphore(%arg11 : memref<!tpu.dma_semaphore, #tpu.memory_space<semaphore_mem>>)
      %scan3A_110 = arith.constant 0 : i32
      scf.yield %scan3A_110 : i32
    }
    %scan3A_17 = arith.constant 64 : i32
    %add3A_18 = arith.constant 2016 : i32
    %add3A_19 = arith.addi %mul3A_2, %add3A_18 : i32
    %min3A_20 = arith.constant 65512 : i32
    %min3A_21 = arith.minsi %add3A_19, %min3A_20 : i32
    %multiple_of3A_22 = tpu.assume_multiple %min3A_21, 8 : i32
    %dma_wait3A = arith.constant 0 : i32
    %dma_wait3A_23 = tpu.memref_slice %arg3[%multiple_of3A_22, %dma_wait3A] : memref<65535x1025xf32, #tpu.memory_space<hbm>> -> memref<16x1025xf32, #tpu.memory_space<hbm>>
    %dma_wait3A_24 = arith.constant 0 : i32
    %dma_wait3A_25 = tpu.memref_slice %arg3[%multiple_of3A_22, %dma_wait3A_24] : memref<65535x1025xf32, #tpu.memory_space<hbm>> -> memref<16x1025xf32, #tpu.memory_space<hbm>>
    tpu.wait_dma2 semaphore(%arg10 : memref<!tpu.dma_semaphore, #tpu.memory_space<semaphore_mem>>) src(%arg6 : memref<16x1025xf32, #tpu.memory_space<vmem>>) dst(%dma_wait3A_25 : memref<16x1025xf32, #tpu.memory_space<hbm>>)
    %add3A_26 = arith.constant 2032 : i32
    %add3A_27 = arith.addi %mul3A_2, %add3A_26 : i32
    %min3A_28 = arith.constant 65512 : i32
    %min3A_29 = arith.minsi %add3A_27, %min3A_28 : i32
    %multiple_of3A_30 = tpu.assume_multiple %min3A_29, 8 : i32
    %dma_wait3A_31 = arith.constant 0 : i32
    %dma_wait3A_32 = tpu.memref_slice %arg3[%multiple_of3A_30, %dma_wait3A_31] : memref<65535x1025xf32, #tpu.memory_space<hbm>> -> memref<16x1025xf32, #tpu.memory_space<hbm>>
    %dma_wait3A_33 = arith.constant 0 : i32
    %dma_wait3A_34 = tpu.memref_slice %arg3[%multiple_of3A_30, %dma_wait3A_33] : memref<65535x1025xf32, #tpu.memory_space<hbm>> -> memref<16x1025xf32, #tpu.memory_space<hbm>>
    tpu.wait_dma2 semaphore(%arg11 : memref<!tpu.dma_semaphore, #tpu.memory_space<semaphore_mem>>) src(%arg7 : memref<16x1025xf32, #tpu.memory_space<vmem>>) dst(%dma_wait3A_34 : memref<16x1025xf32, #tpu.memory_space<hbm>>)
    %eq3A_35 = arith.constant 31 : i32
    %eq3A_36 = arith.cmpi eq, %add3A, %eq3A_35 : i32
    %convert_element_type3A = arith.extui %eq3A_36 : i1 to i32
    %cond3A = arith.constant 0 : i32
    %cond3A_37 = arith.cmpi ne, %convert_element_type3A, %cond3A : i32
    scf.if %cond3A_37 {
      "tpu.region"() ({
        %run_scoped3A = tpu.sem_alloc : memref<!tpu.dma_semaphore, #tpu.memory_space<semaphore_mem>>
        %dma_start3A_45 = arith.constant 0 : i32
        %dma_start3A_46 = arith.constant 0 : i32
        %dma_start3A_47 = tpu.memref_slice %arg4[%dma_start3A_45, %dma_start3A_46] : memref<16x1024xf32, #tpu.memory_space<vmem>> -> memref<7x1024xf32, #tpu.memory_space<vmem>>
        %dma_start3A_48 = arith.constant 65528 : i32
        %dma_start3A_49 = arith.constant 0 : i32
        %dma_start3A_50 = tpu.memref_slice %arg2[%dma_start3A_48, %dma_start3A_49] : memref<65536x1024xf32, #tpu.memory_space<hbm>> -> memref<7x1024xf32, #tpu.memory_space<hbm>>
        %dma_start3A_51 = arith.constant 0 : i32
        %dma_start3A_52 = arith.constant 0 : i32
        %dma_start3A_53 = tpu.memref_slice %arg4[%dma_start3A_51, %dma_start3A_52] : memref<16x1024xf32, #tpu.memory_space<vmem>> -> memref<7x1024xf32, #tpu.memory_space<vmem>>
        %dma_start3A_54 = arith.constant 65528 : i32
        %dma_start3A_55 = arith.constant 0 : i32
        %dma_start3A_56 = tpu.memref_slice %arg2[%dma_start3A_54, %dma_start3A_55] : memref<65536x1024xf32, #tpu.memory_space<hbm>> -> memref<7x1024xf32, #tpu.memory_space<hbm>>
        tpu.enqueue_dma source(%dma_start3A_56 : memref<7x1024xf32, #tpu.memory_space<hbm>>) target(%dma_start3A_53 : memref<7x1024xf32, #tpu.memory_space<vmem>>) target_semaphore(%run_scoped3A : memref<!tpu.dma_semaphore, #tpu.memory_space<semaphore_mem>>)
        %dma_wait3A_57 = arith.constant 0 : i32
        %dma_wait3A_58 = arith.constant 0 : i32
        %dma_wait3A_59 = tpu.memref_slice %arg4[%dma_wait3A_57, %dma_wait3A_58] : memref<16x1024xf32, #tpu.memory_space<vmem>> -> memref<7x1024xf32, #tpu.memory_space<vmem>>
        %dma_wait3A_60 = arith.constant 65528 : i32
        %dma_wait3A_61 = arith.constant 0 : i32
        %dma_wait3A_62 = tpu.memref_slice %arg2[%dma_wait3A_60, %dma_wait3A_61] : memref<65536x1024xf32, #tpu.memory_space<hbm>> -> memref<7x1024xf32, #tpu.memory_space<hbm>>
        %dma_wait3A_63 = arith.constant 0 : i32
        %dma_wait3A_64 = arith.constant 0 : i32
        %dma_wait3A_65 = tpu.memref_slice %arg4[%dma_wait3A_63, %dma_wait3A_64] : memref<16x1024xf32, #tpu.memory_space<vmem>> -> memref<7x1024xf32, #tpu.memory_space<vmem>>
        %dma_wait3A_66 = arith.constant 65528 : i32
        %dma_wait3A_67 = arith.constant 0 : i32
        %dma_wait3A_68 = tpu.memref_slice %arg2[%dma_wait3A_66, %dma_wait3A_67] : memref<65536x1024xf32, #tpu.memory_space<hbm>> -> memref<7x1024xf32, #tpu.memory_space<hbm>>
        tpu.wait_dma2 semaphore(%run_scoped3A : memref<!tpu.dma_semaphore, #tpu.memory_space<semaphore_mem>>) src(%dma_wait3A_68 : memref<7x1024xf32, #tpu.memory_space<hbm>>) dst(%dma_wait3A_65 : memref<7x1024xf32, #tpu.memory_space<vmem>>)
        tpu.yield
      }) : () -> ()
      %scan3A_38 = arith.constant 0 : i32
      %scan3A_39 = arith.constant 0 : i32
      %scan3A_40 = arith.constant 7 : i32
      %scan3A_41 = arith.addi %scan3A_39, %scan3A_40 : i32
      %scan3A_42 = arith.constant 1 : i32
      %scan3A_43 = scf.for %scan3A_45 = %scan3A_39 to %scan3A_41 step %scan3A_42 iter_args(%scan3A_46 = %scan3A_38) -> (i32)  : i32 {
        %broadcast_in_dim3A_47 = arith.constant 0.000000e+00 : f32
        %broadcast_in_dim3A_48 = vector.broadcast %broadcast_in_dim3A_47 : f32 to vector<16xf32>
        %get3A = arith.index_cast %scan3A_45 : i32 to index
        %get3A_49 = arith.constant 0 : index
        %get3A_50 = tpu.vector_load %arg4[%get3A, %get3A_49] {strides = array<i32>} : memref<16x1024xf32, #tpu.memory_space<vmem>>, vector<16xf32>,
        %broadcast_in_dim3A_51 = arith.constant true
        %broadcast_in_dim3A_52 = vector.broadcast %broadcast_in_dim3A_51 : i1 to vector<16xi1>
        %masked_cumsum3A = tpu.scan <sum>, %get3A_50 masked %broadcast_in_dim3A_52 : vector<16xf32>, vector<16xi1> -> vector<16xf32>
        %rev3A = arith.constant 15 : i32
        %rev3A_53 = vector.broadcast %rev3A : i32 to vector<16xi32>
        %rev3A_54 = tpu.iota {dimensions = array<i32: 0>} : vector<16xi32>
        %rev3A_55 = arith.subi %rev3A_53, %rev3A_54 : vector<16xi32>
        %rev3A_56 = tpu.dynamic_gather %get3A_50[%rev3A_55] in [0] : vector<16xf32>, vector<16xi32> -> vector<16xf32>
        %broadcast_in_dim3A_57 = arith.constant true
        %broadcast_in_dim3A_58 = vector.broadcast %broadcast_in_dim3A_57 : i1 to vector<16xi1>
        %masked_cumsum3A_59 = tpu.scan <sum>, %rev3A_56 masked %broadcast_in_dim3A_58 : vector<16xf32>, vector<16xi1> -> vector<16xf32>
        %rev3A_60 = arith.constant 15 : i32
        %rev3A_61 = vector.broadcast %rev3A_60 : i32 to vector<16xi32>
        %rev3A_62 = tpu.iota {dimensions = array<i32: 0>} : vector<16xi32>
        %rev3A_63 = arith.subi %rev3A_61, %rev3A_62 : vector<16xi32>
        %rev3A_64 = tpu.dynamic_gather %masked_cumsum3A_59[%rev3A_63] in [0] : vector<16xf32>, vector<16xi32> -> vector<16xf32>
        %sub3A = arith.subf %masked_cumsum3A, %get3A_50 : vector<16xf32>
        %add3A_65 = arith.addf %sub3A, %broadcast_in_dim3A_48 : vector<16xf32>
        %swap3A = arith.index_cast %scan3A_45 : i32 to index
        %swap3A_66 = arith.constant 0 : index
        %swap3A_67 = tpu.vector_load %arg6[%swap3A, %swap3A_66] {strides = array<i32>} : memref<16x1025xf32, #tpu.memory_space<vmem>>, vector<16xf32>,
        tpu.vector_store %arg6[%swap3A, %swap3A_66], %add3A_65 {strides = array<i32>} : memref<16x1025xf32, #tpu.memory_space<vmem>>, vector<16xf32>,
        %add3A_68 = arith.addf %sub3A, %rev3A_64 : vector<16xf32>
        %add3A_69 = arith.addf %broadcast_in_dim3A_48, %add3A_68 : vector<16xf32>
        %get3A_70 = arith.index_cast %scan3A_45 : i32 to index
        %get3A_71 = arith.constant 16 : index
        %get3A_72 = tpu.vector_load %arg4[%get3A_70, %get3A_71] {strides = array<i32>} : memref<16x1024xf32, #tpu.memory_space<vmem>>, vector<16xf32>,
        %broadcast_in_dim3A_73 = arith.constant true
        %broadcast_in_dim3A_74 = vector.broadcast %broadcast_in_dim3A_73 : i1 to vector<16xi1>
        %masked_cumsum3A_75 = tpu.scan <sum>, %get3A_72 masked %broadcast_in_dim3A_74 : vector<16xf32>, vector<16xi1> -> vector<16xf32>
        %rev3A_76 = arith.constant 15 : i32
        %rev3A_77 = vector.broadcast %rev3A_76 : i32 to vector<16xi32>
        %rev3A_78 = tpu.iota {dimensions = array<i32: 0>} : vector<16xi32>
        %rev3A_79 = arith.subi %rev3A_77, %rev3A_78 : vector<16xi32>
        %rev3A_80 = tpu.dynamic_gather %get3A_72[%rev3A_79] in [0] : vector<16xf32>, vector<16xi32> -> vector<16xf32>
        %broadcast_in_dim3A_81 = arith.constant true
        %broadcast_in_dim3A_82 = vector.broadcast %broadcast_in_dim3A_81 : i1 to vector<16xi1>
        %masked_cumsum3A_83 = tpu.scan <sum>, %rev3A_80 masked %broadcast_in_dim3A_82 : vector<16xf32>, vector<16xi1> -> vector<16xf32>
        %rev3A_84 = arith.constant 15 : i32
        %rev3A_85 = vector.broadcast %rev3A_84 : i32 to vector<16xi32>
        %rev3A_86 = tpu.iota {dimensions = array<i32: 0>} : vector<16xi32>
        %rev3A_87 = arith.subi %rev3A_85, %rev3A_86 : vector<16xi32>
        %rev3A_88 = tpu.dynamic_gather %masked_cumsum3A_83[%rev3A_87] in [0] : vector<16xf32>, vector<16xi32> -> vector<16xf32>
        %sub3A_89 = arith.subf %masked_cumsum3A_75, %get3A_72 : vector<16xf32>
        %add3A_90 = arith.addf %sub3A_89, %add3A_69 : vector<16xf32>
        %swap3A_91 = arith.index_cast %scan3A_45 : i32 to index
        %swap3A_92 = arith.constant 16 : index
        %swap3A_93 = tpu.vector_load %arg6[%swap3A_91, %swap3A_92] {strides = array<i32>} : memref<16x1025xf32, #tpu.memory_space<vmem>>, vector<16xf32>,
        tpu.vector_store %arg6[%swap3A_91, %swap3A_92], %add3A_90 {strides = array<i32>} : memref<16x1025xf32, #tpu.memory_space<vmem>>, vector<16xf32>,
        %add3A_94 = arith.addf %sub3A_89, %rev3A_88 : vector<16xf32>
        %add3A_95 = arith.addf %add3A_69, %add3A_94 : vector<16xf32>
        %get3A_96 = arith.index_cast %scan3A_45 : i32 to index
        %get3A_97 = arith.constant 32 : index
        %get3A_98 = tpu.vector_load %arg4[%get3A_96, %get3A_97] {strides = array<i32>} : memref<16x1024xf32, #tpu.memory_space<vmem>>, vector<16xf32>,
        %broadcast_in_dim3A_99 = arith.constant true
        %broadcast_in_dim3A_100 = vector.broadcast %broadcast_in_dim3A_99 : i1 to vector<16xi1>
        %masked_cumsum3A_101 = tpu.scan <sum>, %get3A_98 masked %broadcast_in_dim3A_100 : vector<16xf32>, vector<16xi1> -> vector<16xf32>
        %rev3A_102 = arith.constant 15 : i32
        %rev3A_103 = vector.broadcast %rev3A_102 : i32 to vector<16xi32>
        %rev3A_104 = tpu.iota {dimensions = array<i32: 0>} : vector<16xi32>
        %rev3A_105 = arith.subi %rev3A_103, %rev3A_104 : vector<16xi32>
        %rev3A_106 = tpu.dynamic_gather %get3A_98[%rev3A_105] in [0] : vector<16xf32>, vector<16xi32> -> vector<16xf32>
        %broadcast_in_dim3A_107 = arith.constant true
        %broadcast_in_dim3A_108 = vector.broadcast %broadcast_in_dim3A_107 : i1 to vector<16xi1>
        %masked_cumsum3A_109 = tpu.scan <sum>, %rev3A_106 masked %broadcast_in_dim3A_108 : vector<16xf32>, vector<16xi1> -> vector<16xf32>
        %rev3A_110 = arith.constant 15 : i32
        %rev3A_111 = vector.broadcast %rev3A_110 : i32 to vector<16xi32>
        %rev3A_112 = tpu.iota {dimensions = array<i32: 0>} : vector<16xi32>
        %rev3A_113 = arith.subi %rev3A_111, %rev3A_112 : vector<16xi32>
        %rev3A_114 = tpu.dynamic_gather %masked_cumsum3A_109[%rev3A_113] in [0] : vector<16xf32>, vector<16xi32> -> vector<16xf32>
        %sub3A_115 = arith.subf %masked_cumsum3A_101, %get3A_98 : vector<16xf32>
        %add3A_116 = arith.addf %sub3A_115, %add3A_95 : vector<16xf32>
        %swap3A_117 = arith.index_cast %scan3A_45 : i32 to index
        %swap3A_118 = arith.constant 32 : index
        %swap3A_119 = tpu.vector_load %arg6[%swap3A_117, %swap3A_118] {strides = array<i32>} : memref<16x1025xf32, #tpu.memory_space<vmem>>, vector<16xf32>,
        tpu.vector_store %arg6[%swap3A_117, %swap3A_118], %add3A_116 {strides = array<i32>} : memref<16x1025xf32, #tpu.memory_space<vmem>>, vector<16xf32>,
        %add3A_120 = arith.addf %sub3A_115, %rev3A_114 : vector<16xf32>
        %add3A_121 = arith.addf %add3A_95, %add3A_120 : vector<16xf32>
        %get3A_122 = arith.index_cast %scan3A_45 : i32 to index
        %get3A_123 = arith.constant 48 : index
        %get3A_124 = tpu.vector_load %arg4[%get3A_122, %get3A_123] {strides = array<i32>} : memref<16x1024xf32, #tpu.memory_space<vmem>>, vector<16xf32>,
        %broadcast_in_dim3A_125 = arith.constant true
        %broadcast_in_dim3A_126 = vector.broadcast %broadcast_in_dim3A_125 : i1 to vector<16xi1>
        %masked_cumsum3A_127 = tpu.scan <sum>, %get3A_124 masked %broadcast_in_dim3A_126 : vector<16xf32>, vector<16xi1> -> vector<16xf32>
        %rev3A_128 = arith.constant 15 : i32
        %rev3A_129 = vector.broadcast %rev3A_128 : i32 to vector<16xi32>
        %rev3A_130 = tpu.iota {dimensions = array<i32: 0>} : vector<16xi32>
        %rev3A_131 = arith.subi %rev3A_129, %rev3A_130 : vector<16xi32>
        %rev3A_132 = tpu.dynamic_gather %get3A_124[%rev3A_131] in [0] : vector<16xf32>, vector<16xi32> -> vector<16xf32>
        %broadcast_in_dim3A_133 = arith.constant true
        %broadcast_in_dim3A_134 = vector.broadcast %broadcast_in_dim3A_133 : i1 to vector<16xi1>
        %masked_cumsum3A_135 = tpu.scan <sum>, %rev3A_132 masked %broadcast_in_dim3A_134 : vector<16xf32>, vector<16xi1> -> vector<16xf32>
        %rev3A_136 = arith.constant 15 : i32
        %rev3A_137 = vector.broadcast %rev3A_136 : i32 to vector<16xi32>
        %rev3A_138 = tpu.iota {dimensions = array<i32: 0>} : vector<16xi32>
        %rev3A_139 = arith.subi %rev3A_137, %rev3A_138 : vector<16xi32>
        %rev3A_140 = tpu.dynamic_gather %masked_cumsum3A_135[%rev3A_139] in [0] : vector<16xf32>, vector<16xi32> -> vector<16xf32>
        %sub3A_141 = arith.subf %masked_cumsum3A_127, %get3A_124 : vector<16xf32>
        %add3A_142 = arith.addf %sub3A_141, %add3A_121 : vector<16xf32>
        %swap3A_143 = arith.index_cast %scan3A_45 : i32 to index
        %swap3A_144 = arith.constant 48 : index
        %swap3A_145 = tpu.vector_load %arg6[%swap3A_143, %swap3A_144] {strides = array<i32>} : memref<16x1025xf32, #tpu.memory_space<vmem>>, vector<16xf32>,
        tpu.vector_store %arg6[%swap3A_143, %swap3A_144], %add3A_142 {strides = array<i32>} : memref<16x1025xf32, #tpu.memory_space<vmem>>, vector<16xf32>,
        %add3A_146 = arith.addf %sub3A_141, %rev3A_140 : vector<16xf32>
        %add3A_147 = arith.addf %add3A_121, %add3A_146 : vector<16xf32>
        %get3A_148 = arith.index_cast %scan3A_45 : i32 to index
        %get3A_149 = arith.constant 64 : index
        %get3A_150 = tpu.vector_load %arg4[%get3A_148, %get3A_149] {strides = array<i32>} : memref<16x1024xf32, #tpu.memory_space<vmem>>, vector<16xf32>,
        %broadcast_in_dim3A_151 = arith.constant true
        %broadcast_in_dim3A_152 = vector.broadcast %broadcast_in_dim3A_151 : i1 to vector<16xi1>
        %masked_cumsum3A_153 = tpu.scan <sum>, %get3A_150 masked %broadcast_in_dim3A_152 : vector<16xf32>, vector<16xi1> -> vector<16xf32>
        %rev3A_154 = arith.constant 15 : i32
        %rev3A_155 = vector.broadcast %rev3A_154 : i32 to vector<16xi32>
        %rev3A_156 = tpu.iota {dimensions = array<i32: 0>} : vector<16xi32>
        %rev3A_157 = arith.subi %rev3A_155, %rev3A_156 : vector<16xi32>
        %rev3A_158 = tpu.dynamic_gather %get3A_150[%rev3A_157] in [0] : vector<16xf32>, vector<16xi32> -> vector<16xf32>
        %broadcast_in_dim3A_159 = arith.constant true
        %broadcast_in_dim3A_160 = vector.broadcast %broadcast_in_dim3A_159 : i1 to vector<16xi1>
        %masked_cumsum3A_161 = tpu.scan <sum>, %rev3A_158 masked %broadcast_in_dim3A_160 : vector<16xf32>, vector<16xi1> -> vector<16xf32>
        %rev3A_162 = arith.constant 15 : i32
        %rev3A_163 = vector.broadcast %rev3A_162 : i32 to vector<16xi32>
        %rev3A_164 = tpu.iota {dimensions = array<i32: 0>} : vector<16xi32>
        %rev3A_165 = arith.subi %rev3A_163, %rev3A_164 : vector<16xi32>
        %rev3A_166 = tpu.dynamic_gather %masked_cumsum3A_161[%rev3A_165] in [0] : vector<16xf32>, vector<16xi32> -> vector<16xf32>
        %sub3A_167 = arith.subf %masked_cumsum3A_153, %get3A_150 : vector<16xf32>
        %add3A_168 = arith.addf %sub3A_167, %add3A_147 : vector<16xf32>
        %swap3A_169 = arith.index_cast %scan3A_45 : i32 to index
        %swap3A_170 = arith.constant 64 : index
        %swap3A_171 = tpu.vector_load %arg6[%swap3A_169, %swap3A_170] {strides = array<i32>} : memref<16x1025xf32, #tpu.memory_space<vmem>>, vector<16xf32>,
        tpu.vector_store %arg6[%swap3A_169, %swap3A_170], %add3A_168 {strides = array<i32>} : memref<16x1025xf32, #tpu.memory_space<vmem>>, vector<16xf32>,
        %add3A_172 = arith.addf %sub3A_167, %rev3A_166 : vector<16xf32>
        %add3A_173 = arith.addf %add3A_147, %add3A_172 : vector<16xf32>
        %get3A_174 = arith.index_cast %scan3A_45 : i32 to index
        %get3A_175 = arith.constant 80 : index
        %get3A_176 = tpu.vector_load %arg4[%get3A_174, %get3A_175] {strides = array<i32>} : memref<16x1024xf32, #tpu.memory_space<vmem>>, vector<16xf32>,
        %broadcast_in_dim3A_177 = arith.constant true
        %broadcast_in_dim3A_178 = vector.broadcast %broadcast_in_dim3A_177 : i1 to vector<16xi1>
        %masked_cumsum3A_179 = tpu.scan <sum>, %get3A_176 masked %broadcast_in_dim3A_178 : vector<16xf32>, vector<16xi1> -> vector<16xf32>
        %rev3A_180 = arith.constant 15 : i32
        %rev3A_181 = vector.broadcast %rev3A_180 : i32 to vector<16xi32>
        %rev3A_182 = tpu.iota {dimensions = array<i32: 0>} : vector<16xi32>
        %rev3A_183 = arith.subi %rev3A_181, %rev3A_182 : vector<16xi32>
        %rev3A_184 = tpu.dynamic_gather %get3A_176[%rev3A_183] in [0] : vector<16xf32>, vector<16xi32> -> vector<16xf32>
        %broadcast_in_dim3A_185 = arith.constant true
        %broadcast_in_dim3A_186 = vector.broadcast %broadcast_in_dim3A_185 : i1 to vector<16xi1>
        %masked_cumsum3A_187 = tpu.scan <sum>, %rev3A_184 masked %broadcast_in_dim3A_186 : vector<16xf32>, vector<16xi1> -> vector<16xf32>
        %rev3A_188 = arith.constant 15 : i32
        %rev3A_189 = vector.broadcast %rev3A_188 : i32 to vector<16xi32>
        %rev3A_190 = tpu.iota {dimensions = array<i32: 0>} : vector<16xi32>
        %rev3A_191 = arith.subi %rev3A_189, %rev3A_190 : vector<16xi32>
        %rev3A_192 = tpu.dynamic_gather %masked_cumsum3A_187[%rev3A_191] in [0] : vector<16xf32>, vector<16xi32> -> vector<16xf32>
        %sub3A_193 = arith.subf %masked_cumsum3A_179, %get3A_176 : vector<16xf32>
        %add3A_194 = arith.addf %sub3A_193, %add3A_173 : vector<16xf32>
        %swap3A_195 = arith.index_cast %scan3A_45 : i32 to index
        %swap3A_196 = arith.constant 80 : index
        %swap3A_197 = tpu.vector_load %arg6[%swap3A_195, %swap3A_196] {strides = array<i32>} : memref<16x1025xf32, #tpu.memory_space<vmem>>, vector<16xf32>,
        tpu.vector_store %arg6[%swap3A_195, %swap3A_196], %add3A_194 {strides = array<i32>} : memref<16x1025xf32, #tpu.memory_space<vmem>>, vector<16xf32>,
        %add3A_198 = arith.addf %sub3A_193, %rev3A_192 : vector<16xf32>
        %add3A_199 = arith.addf %add3A_173, %add3A_198 : vector<16xf32>
        %get3A_200 = arith.index_cast %scan3A_45 : i32 to index
        %get3A_201 = arith.constant 96 : index
        %get3A_202 = tpu.vector_load %arg4[%get3A_200, %get3A_201] {strides = array<i32>} : memref<16x1024xf32, #tpu.memory_space<vmem>>, vector<16xf32>,
        %broadcast_in_dim3A_203 = arith.constant true
        %broadcast_in_dim3A_204 = vector.broadcast %broadcast_in_dim3A_203 : i1 to vector<16xi1>
        %masked_cumsum3A_205 = tpu.scan <sum>, %get3A_202 masked %broadcast_in_dim3A_204 : vector<16xf32>, vector<16xi1> -> vector<16xf32>
        %rev3A_206 = arith.constant 15 : i32
        %rev3A_207 = vector.broadcast %rev3A_206 : i32 to vector<16xi32>
        %rev3A_208 = tpu.iota {dimensions = array<i32: 0>} : vector<16xi32>
        %rev3A_209 = arith.subi %rev3A_207, %rev3A_208 : vector<16xi32>
        %rev3A_210 = tpu.dynamic_gather %get3A_202[%rev3A_209] in [0] : vector<16xf32>, vector<16xi32> -> vector<16xf32>
        %broadcast_in_dim3A_211 = arith.constant true
        %broadcast_in_dim3A_212 = vector.broadcast %broadcast_in_dim3A_211 : i1 to vector<16xi1>
        %masked_cumsum3A_213 = tpu.scan <sum>, %rev3A_210 masked %broadcast_in_dim3A_212 : vector<16xf32>, vector<16xi1> -> vector<16xf32>
        %rev3A_214 = arith.constant 15 : i32
        %rev3A_215 = vector.broadcast %rev3A_214 : i32 to vector<16xi32>
        %rev3A_216 = tpu.iota {dimensions = array<i32: 0>} : vector<16xi32>
        %rev3A_217 = arith.subi %rev3A_215, %rev3A_216 : vector<16xi32>
        %rev3A_218 = tpu.dynamic_gather %masked_cumsum3A_213[%rev3A_217] in [0] : vector<16xf32>, vector<16xi32> -> vector<16xf32>
        %sub3A_219 = arith.subf %masked_cumsum3A_205, %get3A_202 : vector<16xf32>
        %add3A_220 = arith.addf %sub3A_219, %add3A_199 : vector<16xf32>
        %swap3A_221 = arith.index_cast %scan3A_45 : i32 to index
        %swap3A_222 = arith.constant 96 : index
        %swap3A_223 = tpu.vector_load %arg6[%swap3A_221, %swap3A_222] {strides = array<i32>} : memref<16x1025xf32, #tpu.memory_space<vmem>>, vector<16xf32>,
        tpu.vector_store %arg6[%swap3A_221, %swap3A_222], %add3A_220 {strides = array<i32>} : memref<16x1025xf32, #tpu.memory_space<vmem>>, vector<16xf32>,
        %add3A_224 = arith.addf %sub3A_219, %rev3A_218 : vector<16xf32>
        %add3A_225 = arith.addf %add3A_199, %add3A_224 : vector<16xf32>
        %get3A_226 = arith.index_cast %scan3A_45 : i32 to index
        %get3A_227 = arith.constant 112 : index
        %get3A_228 = tpu.vector_load %arg4[%get3A_226, %get3A_227] {strides = array<i32>} : memref<16x1024xf32, #tpu.memory_space<vmem>>, vector<16xf32>,
        %broadcast_in_dim3A_229 = arith.constant true
        %broadcast_in_dim3A_230 = vector.broadcast %broadcast_in_dim3A_229 : i1 to vector<16xi1>
        %masked_cumsum3A_231 = tpu.scan <sum>, %get3A_228 masked %broadcast_in_dim3A_230 : vector<16xf32>, vector<16xi1> -> vector<16xf32>
        %rev3A_232 = arith.constant 15 : i32
        %rev3A_233 = vector.broadcast %rev3A_232 : i32 to vector<16xi32>
        %rev3A_234 = tpu.iota {dimensions = array<i32: 0>} : vector<16xi32>
        %rev3A_235 = arith.subi %rev3A_233, %rev3A_234 : vector<16xi32>
        %rev3A_236 = tpu.dynamic_gather %get3A_228[%rev3A_235] in [0] : vector<16xf32>, vector<16xi32> -> vector<16xf32>
        %broadcast_in_dim3A_237 = arith.constant true
        %broadcast_in_dim3A_238 = vector.broadcast %broadcast_in_dim3A_237 : i1 to vector<16xi1>
        %masked_cumsum3A_239 = tpu.scan <sum>, %rev3A_236 masked %broadcast_in_dim3A_238 : vector<16xf32>, vector<16xi1> -> vector<16xf32>
        %rev3A_240 = arith.constant 15 : i32
        %rev3A_241 = vector.broadcast %rev3A_240 : i32 to vector<16xi32>
        %rev3A_242 = tpu.iota {dimensions = array<i32: 0>} : vector<16xi32>
        %rev3A_243 = arith.subi %rev3A_241, %rev3A_242 : vector<16xi32>
        %rev3A_244 = tpu.dynamic_gather %masked_cumsum3A_239[%rev3A_243] in [0] : vector<16xf32>, vector<16xi32> -> vector<16xf32>
        %sub3A_245 = arith.subf %masked_cumsum3A_231, %get3A_228 : vector<16xf32>
        %add3A_246 = arith.addf %sub3A_245, %add3A_225 : vector<16xf32>
        %swap3A_247 = arith.index_cast %scan3A_45 : i32 to index
        %swap3A_248 = arith.constant 112 : index
        %swap3A_249 = tpu.vector_load %arg6[%swap3A_247, %swap3A_248] {strides = array<i32>} : memref<16x1025xf32, #tpu.memory_space<vmem>>, vector<16xf32>,
        tpu.vector_store %arg6[%swap3A_247, %swap3A_248], %add3A_246 {strides = array<i32>} : memref<16x1025xf32, #tpu.memory_space<vmem>>, vector<16xf32>,
        %add3A_250 = arith.addf %sub3A_245, %rev3A_244 : vector<16xf32>
        %add3A_251 = arith.addf %add3A_225, %add3A_250 : vector<16xf32>
        %get3A_252 = arith.index_cast %scan3A_45 : i32 to index
        %get3A_253 = arith.constant 128 : index
        %get3A_254 = tpu.vector_load %arg4[%get3A_252, %get3A_253] {strides = array<i32>} : memref<16x1024xf32, #tpu.memory_space<vmem>>, vector<16xf32>,
        %broadcast_in_dim3A_255 = arith.constant true
        %broadcast_in_dim3A_256 = vector.broadcast %broadcast_in_dim3A_255 : i1 to vector<16xi1>
        %masked_cumsum3A_257 = tpu.scan <sum>, %get3A_254 masked %broadcast_in_dim3A_256 : vector<16xf32>, vector<16xi1> -> vector<16xf32>
        %rev3A_258 = arith.constant 15 : i32
        %rev3A_259 = vector.broadcast %rev3A_258 : i32 to vector<16xi32>
        %rev3A_260 = tpu.iota {dimensions = array<i32: 0>} : vector<16xi32>
        %rev3A_261 = arith.subi %rev3A_259, %rev3A_260 : vector<16xi32>
        %rev3A_262 = tpu.dynamic_gather %get3A_254[%rev3A_261] in [0] : vector<16xf32>, vector<16xi32> -> vector<16xf32>
        %broadcast_in_dim3A_263 = arith.constant true
        %broadcast_in_dim3A_264 = vector.broadcast %broadcast_in_dim3A_263 : i1 to vector<16xi1>
        %masked_cumsum3A_265 = tpu.scan <sum>, %rev3A_262 masked %broadcast_in_dim3A_264 : vector<16xf32>, vector<16xi1> -> vector<16xf32>
        %rev3A_266 = arith.constant 15 : i32
        %rev3A_267 = vector.broadcast %rev3A_266 : i32 to vector<16xi32>
        %rev3A_268 = tpu.iota {dimensions = array<i32: 0>} : vector<16xi32>
        %rev3A_269 = arith.subi %rev3A_267, %rev3A_268 : vector<16xi32>
        %rev3A_270 = tpu.dynamic_gather %masked_cumsum3A_265[%rev3A_269] in [0] : vector<16xf32>, vector<16xi32> -> vector<16xf32>
        %sub3A_271 = arith.subf %masked_cumsum3A_257, %get3A_254 : vector<16xf32>
        %add3A_272 = arith.addf %sub3A_271, %add3A_251 : vector<16xf32>
        %swap3A_273 = arith.index_cast %scan3A_45 : i32 to index
        %swap3A_274 = arith.constant 128 : index
        %swap3A_275 = tpu.vector_load %arg6[%swap3A_273, %swap3A_274] {strides = array<i32>} : memref<16x1025xf32, #tpu.memory_space<vmem>>, vector<16xf32>,
        tpu.vector_store %arg6[%swap3A_273, %swap3A_274], %add3A_272 {strides = array<i32>} : memref<16x1025xf32, #tpu.memory_space<vmem>>, vector<16xf32>,
        %add3A_276 = arith.addf %sub3A_271, %rev3A_270 : vector<16xf32>
        %add3A_277 = arith.addf %add3A_251, %add3A_276 : vector<16xf32>
        %get3A_278 = arith.index_cast %scan3A_45 : i32 to index
        %get3A_279 = arith.constant 144 : index
        %get3A_280 = tpu.vector_load %arg4[%get3A_278, %get3A_279] {strides = array<i32>} : memref<16x1024xf32, #tpu.memory_space<vmem>>, vector<16xf32>,
        %broadcast_in_dim3A_281 = arith.constant true
        %broadcast_in_dim3A_282 = vector.broadcast %broadcast_in_dim3A_281 : i1 to vector<16xi1>
        %masked_cumsum3A_283 = tpu.scan <sum>, %get3A_280 masked %broadcast_in_dim3A_282 : vector<16xf32>, vector<16xi1> -> vector<16xf32>
        %rev3A_284 = arith.constant 15 : i32
        %rev3A_285 = vector.broadcast %rev3A_284 : i32 to vector<16xi32>
        %rev3A_286 = tpu.iota {dimensions = array<i32: 0>} : vector<16xi32>
        %rev3A_287 = arith.subi %rev3A_285, %rev3A_286 : vector<16xi32>
        %rev3A_288 = tpu.dynamic_gather %get3A_280[%rev3A_287] in [0] : vector<16xf32>, vector<16xi32> -> vector<16xf32>
        %broadcast_in_dim3A_289 = arith.constant true
        %broadcast_in_dim3A_290 = vector.broadcast %broadcast_in_dim3A_289 : i1 to vector<16xi1>
        %masked_cumsum3A_291 = tpu.scan <sum>, %rev3A_288 masked %broadcast_in_dim3A_290 : vector<16xf32>, vector<16xi1> -> vector<16xf32>
        %rev3A_292 = arith.constant 15 : i32
        %rev3A_293 = vector.broadcast %rev3A_292 : i32 to vector<16xi32>
        %rev3A_294 = tpu.iota {dimensions = array<i32: 0>} : vector<16xi32>
        %rev3A_295 = arith.subi %rev3A_293, %rev3A_294 : vector<16xi32>
        %rev3A_296 = tpu.dynamic_gather %masked_cumsum3A_291[%rev3A_295] in [0] : vector<16xf32>, vector<16xi32> -> vector<16xf32>
        %sub3A_297 = arith.subf %masked_cumsum3A_283, %get3A_280 : vector<16xf32>
        %add3A_298 = arith.addf %sub3A_297, %add3A_277 : vector<16xf32>
        %swap3A_299 = arith.index_cast %scan3A_45 : i32 to index
        %swap3A_300 = arith.constant 144 : index
        %swap3A_301 = tpu.vector_load %arg6[%swap3A_299, %swap3A_300] {strides = array<i32>} : memref<16x1025xf32, #tpu.memory_space<vmem>>, vector<16xf32>,
        tpu.vector_store %arg6[%swap3A_299, %swap3A_300], %add3A_298 {strides = array<i32>} : memref<16x1025xf32, #tpu.memory_space<vmem>>, vector<16xf32>,
        %add3A_302 = arith.addf %sub3A_297, %rev3A_296 : vector<16xf32>
        %add3A_303 = arith.addf %add3A_277, %add3A_302 : vector<16xf32>
        %get3A_304 = arith.index_cast %scan3A_45 : i32 to index
        %get3A_305 = arith.constant 160 : index
        %get3A_306 = tpu.vector_load %arg4[%get3A_304, %get3A_305] {strides = array<i32>} : memref<16x1024xf32, #tpu.memory_space<vmem>>, vector<16xf32>,
        %broadcast_in_dim3A_307 = arith.constant true
        %broadcast_in_dim3A_308 = vector.broadcast %broadcast_in_dim3A_307 : i1 to vector<16xi1>
        %masked_cumsum3A_309 = tpu.scan <sum>, %get3A_306 masked %broadcast_in_dim3A_308 : vector<16xf32>, vector<16xi1> -> vector<16xf32>
        %rev3A_310 = arith.constant 15 : i32
        %rev3A_311 = vector.broadcast %rev3A_310 : i32 to vector<16xi32>
        %rev3A_312 = tpu.iota {dimensions = array<i32: 0>} : vector<16xi32>
        %rev3A_313 = arith.subi %rev3A_311, %rev3A_312 : vector<16xi32>
        %rev3A_314 = tpu.dynamic_gather %get3A_306[%rev3A_313] in [0] : vector<16xf32>, vector<16xi32> -> vector<16xf32>
        %broadcast_in_dim3A_315 = arith.constant true
        %broadcast_in_dim3A_316 = vector.broadcast %broadcast_in_dim3A_315 : i1 to vector<16xi1>
        %masked_cumsum3A_317 = tpu.scan <sum>, %rev3A_314 masked %broadcast_in_dim3A_316 : vector<16xf32>, vector<16xi1> -> vector<16xf32>
        %rev3A_318 = arith.constant 15 : i32
        %rev3A_319 = vector.broadcast %rev3A_318 : i32 to vector<16xi32>
        %rev3A_320 = tpu.iota {dimensions = array<i32: 0>} : vector<16xi32>
        %rev3A_321 = arith.subi %rev3A_319, %rev3A_320 : vector<16xi32>
        %rev3A_322 = tpu.dynamic_gather %masked_cumsum3A_317[%rev3A_321] in [0] : vector<16xf32>, vector<16xi32> -> vector<16xf32>
        %sub3A_323 = arith.subf %masked_cumsum3A_309, %get3A_306 : vector<16xf32>
        %add3A_324 = arith.addf %sub3A_323, %add3A_303 : vector<16xf32>
        %swap3A_325 = arith.index_cast %scan3A_45 : i32 to index
        %swap3A_326 = arith.constant 160 : index
        %swap3A_327 = tpu.vector_load %arg6[%swap3A_325, %swap3A_326] {strides = array<i32>} : memref<16x1025xf32, #tpu.memory_space<vmem>>, vector<16xf32>,
        tpu.vector_store %arg6[%swap3A_325, %swap3A_326], %add3A_324 {strides = array<i32>} : memref<16x1025xf32, #tpu.memory_space<vmem>>, vector<16xf32>,
        %add3A_328 = arith.addf %sub3A_323, %rev3A_322 : vector<16xf32>
        %add3A_329 = arith.addf %add3A_303, %add3A_328 : vector<16xf32>
        %get3A_330 = arith.index_cast %scan3A_45 : i32 to index
        %get3A_331 = arith.constant 176 : index
        %get3A_332 = tpu.vector_load %arg4[%get3A_330, %get3A_331] {strides = array<i32>} : memref<16x1024xf32, #tpu.memory_space<vmem>>, vector<16xf32>,
        %broadcast_in_dim3A_333 = arith.constant true
        %broadcast_in_dim3A_334 = vector.broadcast %broadcast_in_dim3A_333 : i1 to vector<16xi1>
        %masked_cumsum3A_335 = tpu.scan <sum>, %get3A_332 masked %broadcast_in_dim3A_334 : vector<16xf32>, vector<16xi1> -> vector<16xf32>
        %rev3A_336 = arith.constant 15 : i32
        %rev3A_337 = vector.broadcast %rev3A_336 : i32 to vector<16xi32>
        %rev3A_338 = tpu.iota {dimensions = array<i32: 0>} : vector<16xi32>
        %rev3A_339 = arith.subi %rev3A_337, %rev3A_338 : vector<16xi32>
        %rev3A_340 = tpu.dynamic_gather %get3A_332[%rev3A_339] in [0] : vector<16xf32>, vector<16xi32> -> vector<16xf32>
        %broadcast_in_dim3A_341 = arith.constant true
        %broadcast_in_dim3A_342 = vector.broadcast %broadcast_in_dim3A_341 : i1 to vector<16xi1>
        %masked_cumsum3A_343 = tpu.scan <sum>, %rev3A_340 masked %broadcast_in_dim3A_342 : vector<16xf32>, vector<16xi1> -> vector<16xf32>
        %rev3A_344 = arith.constant 15 : i32
        %rev3A_345 = vector.broadcast %rev3A_344 : i32 to vector<16xi32>
        %rev3A_346 = tpu.iota {dimensions = array<i32: 0>} : vector<16xi32>
        %rev3A_347 = arith.subi %rev3A_345, %rev3A_346 : vector<16xi32>
        %rev3A_348 = tpu.dynamic_gather %masked_cumsum3A_343[%rev3A_347] in [0] : vector<16xf32>, vector<16xi32> -> vector<16xf32>
        %sub3A_349 = arith.subf %masked_cumsum3A_335, %get3A_332 : vector<16xf32>
        %add3A_350 = arith.addf %sub3A_349, %add3A_329 : vector<16xf32>
        %swap3A_351 = arith.index_cast %scan3A_45 : i32 to index
        %swap3A_352 = arith.constant 176 : index
        %swap3A_353 = tpu.vector_load %arg6[%swap3A_351, %swap3A_352] {strides = array<i32>} : memref<16x1025xf32, #tpu.memory_space<vmem>>, vector<16xf32>,
        tpu.vector_store %arg6[%swap3A_351, %swap3A_352], %add3A_350 {strides = array<i32>} : memref<16x1025xf32, #tpu.memory_space<vmem>>, vector<16xf32>,
        %add3A_354 = arith.addf %sub3A_349, %rev3A_348 : vector<16xf32>
        %add3A_355 = arith.addf %add3A_329, %add3A_354 : vector<16xf32>
        %get3A_356 = arith.index_cast %scan3A_45 : i32 to index
        %get3A_357 = arith.constant 192 : index
        %get3A_358 = tpu.vector_load %arg4[%get3A_356, %get3A_357] {strides = array<i32>} : memref<16x1024xf32, #tpu.memory_space<vmem>>, vector<16xf32>,
        %broadcast_in_dim3A_359 = arith.constant true
        %broadcast_in_dim3A_360 = vector.broadcast %broadcast_in_dim3A_359 : i1 to vector<16xi1>
        %masked_cumsum3A_361 = tpu.scan <sum>, %get3A_358 masked %broadcast_in_dim3A_360 : vector<16xf32>, vector<16xi1> -> vector<16xf32>
        %rev3A_362 = arith.constant 15 : i32
        %rev3A_363 = vector.broadcast %rev3A_362 : i32 to vector<16xi32>
        %rev3A_364 = tpu.iota {dimensions = array<i32: 0>} : vector<16xi32>
        %rev3A_365 = arith.subi %rev3A_363, %rev3A_364 : vector<16xi32>
        %rev3A_366 = tpu.dynamic_gather %get3A_358[%rev3A_365] in [0] : vector<16xf32>, vector<16xi32> -> vector<16xf32>
        %broadcast_in_dim3A_367 = arith.constant true
        %broadcast_in_dim3A_368 = vector.broadcast %broadcast_in_dim3A_367 : i1 to vector<16xi1>
        %masked_cumsum3A_369 = tpu.scan <sum>, %rev3A_366 masked %broadcast_in_dim3A_368 : vector<16xf32>, vector<16xi1> -> vector<16xf32>
        %rev3A_370 = arith.constant 15 : i32
        %rev3A_371 = vector.broadcast %rev3A_370 : i32 to vector<16xi32>
        %rev3A_372 = tpu.iota {dimensions = array<i32: 0>} : vector<16xi32>
        %rev3A_373 = arith.subi %rev3A_371, %rev3A_372 : vector<16xi32>
        %rev3A_374 = tpu.dynamic_gather %masked_cumsum3A_369[%rev3A_373] in [0] : vector<16xf32>, vector<16xi32> -> vector<16xf32>
        %sub3A_375 = arith.subf %masked_cumsum3A_361, %get3A_358 : vector<16xf32>
        %add3A_376 = arith.addf %sub3A_375, %add3A_355 : vector<16xf32>
        %swap3A_377 = arith.index_cast %scan3A_45 : i32 to index
        %swap3A_378 = arith.constant 192 : index
        %swap3A_379 = tpu.vector_load %arg6[%swap3A_377, %swap3A_378] {strides = array<i32>} : memref<16x1025xf32, #tpu.memory_space<vmem>>, vector<16xf32>,
        tpu.vector_store %arg6[%swap3A_377, %swap3A_378], %add3A_376 {strides = array<i32>} : memref<16x1025xf32, #tpu.memory_space<vmem>>, vector<16xf32>,
        %add3A_380 = arith.addf %sub3A_375, %rev3A_374 : vector<16xf32>
        %add3A_381 = arith.addf %add3A_355, %add3A_380 : vector<16xf32>
        %get3A_382 = arith.index_cast %scan3A_45 : i32 to index
        %get3A_383 = arith.constant 208 : index
        %get3A_384 = tpu.vector_load %arg4[%get3A_382, %get3A_383] {strides = array<i32>} : memref<16x1024xf32, #tpu.memory_space<vmem>>, vector<16xf32>,
        %broadcast_in_dim3A_385 = arith.constant true
        %broadcast_in_dim3A_386 = vector.broadcast %broadcast_in_dim3A_385 : i1 to vector<16xi1>
        %masked_cumsum3A_387 = tpu.scan <sum>, %get3A_384 masked %broadcast_in_dim3A_386 : vector<16xf32>, vector<16xi1> -> vector<16xf32>
        %rev3A_388 = arith.constant 15 : i32
        %rev3A_389 = vector.broadcast %rev3A_388 : i32 to vector<16xi32>
        %rev3A_390 = tpu.iota {dimensions = array<i32: 0>} : vector<16xi32>
        %rev3A_391 = arith.subi %rev3A_389, %rev3A_390 : vector<16xi32>
        %rev3A_392 = tpu.dynamic_gather %get3A_384[%rev3A_391] in [0] : vector<16xf32>, vector<16xi32> -> vector<16xf32>
        %broadcast_in_dim3A_393 = arith.constant true
        %broadcast_in_dim3A_394 = vector.broadcast %broadcast_in_dim3A_393 : i1 to vector<16xi1>
        %masked_cumsum3A_395 = tpu.scan <sum>, %rev3A_392 masked %broadcast_in_dim3A_394 : vector<16xf32>, vector<16xi1> -> vector<16xf32>
        %rev3A_396 = arith.constant 15 : i32
        %rev3A_397 = vector.broadcast %rev3A_396 : i32 to vector<16xi32>
        %rev3A_398 = tpu.iota {dimensions = array<i32: 0>} : vector<16xi32>
        %rev3A_399 = arith.subi %rev3A_397, %rev3A_398 : vector<16xi32>
        %rev3A_400 = tpu.dynamic_gather %masked_cumsum3A_395[%rev3A_399] in [0] : vector<16xf32>, vector<16xi32> -> vector<16xf32>
        %sub3A_401 = arith.subf %masked_cumsum3A_387, %get3A_384 : vector<16xf32>
        %add3A_402 = arith.addf %sub3A_401, %add3A_381 : vector<16xf32>
        %swap3A_403 = arith.index_cast %scan3A_45 : i32 to index
        %swap3A_404 = arith.constant 208 : index
        %swap3A_405 = tpu.vector_load %arg6[%swap3A_403, %swap3A_404] {strides = array<i32>} : memref<16x1025xf32, #tpu.memory_space<vmem>>, vector<16xf32>,
        tpu.vector_store %arg6[%swap3A_403, %swap3A_404], %add3A_402 {strides = array<i32>} : memref<16x1025xf32, #tpu.memory_space<vmem>>, vector<16xf32>,
        %add3A_406 = arith.addf %sub3A_401, %rev3A_400 : vector<16xf32>
        %add3A_407 = arith.addf %add3A_381, %add3A_406 : vector<16xf32>
        %get3A_408 = arith.index_cast %scan3A_45 : i32 to index
        %get3A_409 = arith.constant 224 : index
        %get3A_410 = tpu.vector_load %arg4[%get3A_408, %get3A_409] {strides = array<i32>} : memref<16x1024xf32, #tpu.memory_space<vmem>>, vector<16xf32>,
        %broadcast_in_dim3A_411 = arith.constant true
        %broadcast_in_dim3A_412 = vector.broadcast %broadcast_in_dim3A_411 : i1 to vector<16xi1>
        %masked_cumsum3A_413 = tpu.scan <sum>, %get3A_410 masked %broadcast_in_dim3A_412 : vector<16xf32>, vector<16xi1> -> vector<16xf32>
        %rev3A_414 = arith.constant 15 : i32
        %rev3A_415 = vector.broadcast %rev3A_414 : i32 to vector<16xi32>
        %rev3A_416 = tpu.iota {dimensions = array<i32: 0>} : vector<16xi32>
        %rev3A_417 = arith.subi %rev3A_415, %rev3A_416 : vector<16xi32>
        %rev3A_418 = tpu.dynamic_gather %get3A_410[%rev3A_417] in [0] : vector<16xf32>, vector<16xi32> -> vector<16xf32>
        %broadcast_in_dim3A_419 = arith.constant true
        %broadcast_in_dim3A_420 = vector.broadcast %broadcast_in_dim3A_419 : i1 to vector<16xi1>
        %masked_cumsum3A_421 = tpu.scan <sum>, %rev3A_418 masked %broadcast_in_dim3A_420 : vector<16xf32>, vector<16xi1> -> vector<16xf32>
        %rev3A_422 = arith.constant 15 : i32
        %rev3A_423 = vector.broadcast %rev3A_422 : i32 to vector<16xi32>
        %rev3A_424 = tpu.iota {dimensions = array<i32: 0>} : vector<16xi32>
        %rev3A_425 = arith.subi %rev3A_423, %rev3A_424 : vector<16xi32>
        %rev3A_426 = tpu.dynamic_gather %masked_cumsum3A_421[%rev3A_425] in [0] : vector<16xf32>, vector<16xi32> -> vector<16xf32>
        %sub3A_427 = arith.subf %masked_cumsum3A_413, %get3A_410 : vector<16xf32>
        %add3A_428 = arith.addf %sub3A_427, %add3A_407 : vector<16xf32>
        %swap3A_429 = arith.index_cast %scan3A_45 : i32 to index
        %swap3A_430 = arith.constant 224 : index
        %swap3A_431 = tpu.vector_load %arg6[%swap3A_429, %swap3A_430] {strides = array<i32>} : memref<16x1025xf32, #tpu.memory_space<vmem>>, vector<16xf32>,
        tpu.vector_store %arg6[%swap3A_429, %swap3A_430], %add3A_428 {strides = array<i32>} : memref<16x1025xf32, #tpu.memory_space<vmem>>, vector<16xf32>,
        %add3A_432 = arith.addf %sub3A_427, %rev3A_426 : vector<16xf32>
        %add3A_433 = arith.addf %add3A_407, %add3A_432 : vector<16xf32>
        %get3A_434 = arith.index_cast %scan3A_45 : i32 to index
        %get3A_435 = arith.constant 240 : index
        %get3A_436 = tpu.vector_load %arg4[%get3A_434, %get3A_435] {strides = array<i32>} : memref<16x1024xf32, #tpu.memory_space<vmem>>, vector<16xf32>,
        %broadcast_in_dim3A_437 = arith.constant true
        %broadcast_in_dim3A_438 = vector.broadcast %broadcast_in_dim3A_437 : i1 to vector<16xi1>
        %masked_cumsum3A_439 = tpu.scan <sum>, %get3A_436 masked %broadcast_in_dim3A_438 : vector<16xf32>, vector<16xi1> -> vector<16xf32>
        %rev3A_440 = arith.constant 15 : i32
        %rev3A_441 = vector.broadcast %rev3A_440 : i32 to vector<16xi32>
        %rev3A_442 = tpu.iota {dimensions = array<i32: 0>} : vector<16xi32>
        %rev3A_443 = arith.subi %rev3A_441, %rev3A_442 : vector<16xi32>
        %rev3A_444 = tpu.dynamic_gather %get3A_436[%rev3A_443] in [0] : vector<16xf32>, vector<16xi32> -> vector<16xf32>
        %broadcast_in_dim3A_445 = arith.constant true
        %broadcast_in_dim3A_446 = vector.broadcast %broadcast_in_dim3A_445 : i1 to vector<16xi1>
        %masked_cumsum3A_447 = tpu.scan <sum>, %rev3A_444 masked %broadcast_in_dim3A_446 : vector<16xf32>, vector<16xi1> -> vector<16xf32>
        %rev3A_448 = arith.constant 15 : i32
        %rev3A_449 = vector.broadcast %rev3A_448 : i32 to vector<16xi32>
        %rev3A_450 = tpu.iota {dimensions = array<i32: 0>} : vector<16xi32>
        %rev3A_451 = arith.subi %rev3A_449, %rev3A_450 : vector<16xi32>
        %rev3A_452 = tpu.dynamic_gather %masked_cumsum3A_447[%rev3A_451] in [0] : vector<16xf32>, vector<16xi32> -> vector<16xf32>
        %sub3A_453 = arith.subf %masked_cumsum3A_439, %get3A_436 : vector<16xf32>
        %add3A_454 = arith.addf %sub3A_453, %add3A_433 : vector<16xf32>
        %swap3A_455 = arith.index_cast %scan3A_45 : i32 to index
        %swap3A_456 = arith.constant 240 : index
        %swap3A_457 = tpu.vector_load %arg6[%swap3A_455, %swap3A_456] {strides = array<i32>} : memref<16x1025xf32, #tpu.memory_space<vmem>>, vector<16xf32>,
        tpu.vector_store %arg6[%swap3A_455, %swap3A_456], %add3A_454 {strides = array<i32>} : memref<16x1025xf32, #tpu.memory_space<vmem>>, vector<16xf32>,
        %add3A_458 = arith.addf %sub3A_453, %rev3A_452 : vector<16xf32>
        %add3A_459 = arith.addf %add3A_433, %add3A_458 : vector<16xf32>
        %get3A_460 = arith.index_cast %scan3A_45 : i32 to index
        %get3A_461 = arith.constant 256 : index
        %get3A_462 = tpu.vector_load %arg4[%get3A_460, %get3A_461] {strides = array<i32>} : memref<16x1024xf32, #tpu.memory_space<vmem>>, vector<16xf32>,
        %broadcast_in_dim3A_463 = arith.constant true
        %broadcast_in_dim3A_464 = vector.broadcast %broadcast_in_dim3A_463 : i1 to vector<16xi1>
        %masked_cumsum3A_465 = tpu.scan <sum>, %get3A_462 masked %broadcast_in_dim3A_464 : vector<16xf32>, vector<16xi1> -> vector<16xf32>
        %rev3A_466 = arith.constant 15 : i32
        %rev3A_467 = vector.broadcast %rev3A_466 : i32 to vector<16xi32>
        %rev3A_468 = tpu.iota {dimensions = array<i32: 0>} : vector<16xi32>
        %rev3A_469 = arith.subi %rev3A_467, %rev3A_468 : vector<16xi32>
        %rev3A_470 = tpu.dynamic_gather %get3A_462[%rev3A_469] in [0] : vector<16xf32>, vector<16xi32> -> vector<16xf32>
        %broadcast_in_dim3A_471 = arith.constant true
        %broadcast_in_dim3A_472 = vector.broadcast %broadcast_in_dim3A_471 : i1 to vector<16xi1>
        %masked_cumsum3A_473 = tpu.scan <sum>, %rev3A_470 masked %broadcast_in_dim3A_472 : vector<16xf32>, vector<16xi1> -> vector<16xf32>
        %rev3A_474 = arith.constant 15 : i32
        %rev3A_475 = vector.broadcast %rev3A_474 : i32 to vector<16xi32>
        %rev3A_476 = tpu.iota {dimensions = array<i32: 0>} : vector<16xi32>
        %rev3A_477 = arith.subi %rev3A_475, %rev3A_476 : vector<16xi32>
        %rev3A_478 = tpu.dynamic_gather %masked_cumsum3A_473[%rev3A_477] in [0] : vector<16xf32>, vector<16xi32> -> vector<16xf32>
        %sub3A_479 = arith.subf %masked_cumsum3A_465, %get3A_462 : vector<16xf32>
        %add3A_480 = arith.addf %sub3A_479, %add3A_459 : vector<16xf32>
        %swap3A_481 = arith.index_cast %scan3A_45 : i32 to index
        %swap3A_482 = arith.constant 256 : index
        %swap3A_483 = tpu.vector_load %arg6[%swap3A_481, %swap3A_482] {strides = array<i32>} : memref<16x1025xf32, #tpu.memory_space<vmem>>, vector<16xf32>,
        tpu.vector_store %arg6[%swap3A_481, %swap3A_482], %add3A_480 {strides = array<i32>} : memref<16x1025xf32, #tpu.memory_space<vmem>>, vector<16xf32>,
        %add3A_484 = arith.addf %sub3A_479, %rev3A_478 : vector<16xf32>
        %add3A_485 = arith.addf %add3A_459, %add3A_484 : vector<16xf32>
        %get3A_486 = arith.index_cast %scan3A_45 : i32 to index
        %get3A_487 = arith.constant 272 : index
        %get3A_488 = tpu.vector_load %arg4[%get3A_486, %get3A_487] {strides = array<i32>} : memref<16x1024xf32, #tpu.memory_space<vmem>>, vector<16xf32>,
        %broadcast_in_dim3A_489 = arith.constant true
        %broadcast_in_dim3A_490 = vector.broadcast %broadcast_in_dim3A_489 : i1 to vector<16xi1>
        %masked_cumsum3A_491 = tpu.scan <sum>, %get3A_488 masked %broadcast_in_dim3A_490 : vector<16xf32>, vector<16xi1> -> vector<16xf32>
        %rev3A_492 = arith.constant 15 : i32
        %rev3A_493 = vector.broadcast %rev3A_492 : i32 to vector<16xi32>
        %rev3A_494 = tpu.iota {dimensions = array<i32: 0>} : vector<16xi32>
        %rev3A_495 = arith.subi %rev3A_493, %rev3A_494 : vector<16xi32>
        %rev3A_496 = tpu.dynamic_gather %get3A_488[%rev3A_495] in [0] : vector<16xf32>, vector<16xi32> -> vector<16xf32>
        %broadcast_in_dim3A_497 = arith.constant true
        %broadcast_in_dim3A_498 = vector.broadcast %broadcast_in_dim3A_497 : i1 to vector<16xi1>
        %masked_cumsum3A_499 = tpu.scan <sum>, %rev3A_496 masked %broadcast_in_dim3A_498 : vector<16xf32>, vector<16xi1> -> vector<16xf32>
        %rev3A_500 = arith.constant 15 : i32
        %rev3A_501 = vector.broadcast %rev3A_500 : i32 to vector<16xi32>
        %rev3A_502 = tpu.iota {dimensions = array<i32: 0>} : vector<16xi32>
        %rev3A_503 = arith.subi %rev3A_501, %rev3A_502 : vector<16xi32>
        %rev3A_504 = tpu.dynamic_gather %masked_cumsum3A_499[%rev3A_503] in [0] : vector<16xf32>, vector<16xi32> -> vector<16xf32>
        %sub3A_505 = arith.subf %masked_cumsum3A_491, %get3A_488 : vector<16xf32>
        %add3A_506 = arith.addf %sub3A_505, %add3A_485 : vector<16xf32>
        %swap3A_507 = arith.index_cast %scan3A_45 : i32 to index
        %swap3A_508 = arith.constant 272 : index
        %swap3A_509 = tpu.vector_load %arg6[%swap3A_507, %swap3A_508] {strides = array<i32>} : memref<16x1025xf32, #tpu.memory_space<vmem>>, vector<16xf32>,
        tpu.vector_store %arg6[%swap3A_507, %swap3A_508], %add3A_506 {strides = array<i32>} : memref<16x1025xf32, #tpu.memory_space<vmem>>, vector<16xf32>,
        %add3A_510 = arith.addf %sub3A_505, %rev3A_504 : vector<16xf32>
        %add3A_511 = arith.addf %add3A_485, %add3A_510 : vector<16xf32>
        %get3A_512 = arith.index_cast %scan3A_45 : i32 to index
        %get3A_513 = arith.constant 288 : index
        %get3A_514 = tpu.vector_load %arg4[%get3A_512, %get3A_513] {strides = array<i32>} : memref<16x1024xf32, #tpu.memory_space<vmem>>, vector<16xf32>,
        %broadcast_in_dim3A_515 = arith.constant true
        %broadcast_in_dim3A_516 = vector.broadcast %broadcast_in_dim3A_515 : i1 to vector<16xi1>
        %masked_cumsum3A_517 = tpu.scan <sum>, %get3A_514 masked %broadcast_in_dim3A_516 : vector<16xf32>, vector<16xi1> -> vector<16xf32>
        %rev3A_518 = arith.constant 15 : i32
        %rev3A_519 = vector.broadcast %rev3A_518 : i32 to vector<16xi32>
        %rev3A_520 = tpu.iota {dimensions = array<i32: 0>} : vector<16xi32>
        %rev3A_521 = arith.subi %rev3A_519, %rev3A_520 : vector<16xi32>
        %rev3A_522 = tpu.dynamic_gather %get3A_514[%rev3A_521] in [0] : vector<16xf32>, vector<16xi32> -> vector<16xf32>
        %broadcast_in_dim3A_523 = arith.constant true
        %broadcast_in_dim3A_524 = vector.broadcast %broadcast_in_dim3A_523 : i1 to vector<16xi1>
        %masked_cumsum3A_525 = tpu.scan <sum>, %rev3A_522 masked %broadcast_in_dim3A_524 : vector<16xf32>, vector<16xi1> -> vector<16xf32>
        %rev3A_526 = arith.constant 15 : i32
        %rev3A_527 = vector.broadcast %rev3A_526 : i32 to vector<16xi32>
        %rev3A_528 = tpu.iota {dimensions = array<i32: 0>} : vector<16xi32>
        %rev3A_529 = arith.subi %rev3A_527, %rev3A_528 : vector<16xi32>
        %rev3A_530 = tpu.dynamic_gather %masked_cumsum3A_525[%rev3A_529] in [0] : vector<16xf32>, vector<16xi32> -> vector<16xf32>
        %sub3A_531 = arith.subf %masked_cumsum3A_517, %get3A_514 : vector<16xf32>
        %add3A_532 = arith.addf %sub3A_531, %add3A_511 : vector<16xf32>
        %swap3A_533 = arith.index_cast %scan3A_45 : i32 to index
        %swap3A_534 = arith.constant 288 : index
        %swap3A_535 = tpu.vector_load %arg6[%swap3A_533, %swap3A_534] {strides = array<i32>} : memref<16x1025xf32, #tpu.memory_space<vmem>>, vector<16xf32>,
        tpu.vector_store %arg6[%swap3A_533, %swap3A_534], %add3A_532 {strides = array<i32>} : memref<16x1025xf32, #tpu.memory_space<vmem>>, vector<16xf32>,
        %add3A_536 = arith.addf %sub3A_531, %rev3A_530 : vector<16xf32>
        %add3A_537 = arith.addf %add3A_511, %add3A_536 : vector<16xf32>
        %get3A_538 = arith.index_cast %scan3A_45 : i32 to index
        %get3A_539 = arith.constant 304 : index
        %get3A_540 = tpu.vector_load %arg4[%get3A_538, %get3A_539] {strides = array<i32>} : memref<16x1024xf32, #tpu.memory_space<vmem>>, vector<16xf32>,
        %broadcast_in_dim3A_541 = arith.constant true
        %broadcast_in_dim3A_542 = vector.broadcast %broadcast_in_dim3A_541 : i1 to vector<16xi1>
        %masked_cumsum3A_543 = tpu.scan <sum>, %get3A_540 masked %broadcast_in_dim3A_542 : vector<16xf32>, vector<16xi1> -> vector<16xf32>
        %rev3A_544 = arith.constant 15 : i32
        %rev3A_545 = vector.broadcast %rev3A_544 : i32 to vector<16xi32>
        %rev3A_546 = tpu.iota {dimensions = array<i32: 0>} : vector<16xi32>
        %rev3A_547 = arith.subi %rev3A_545, %rev3A_546 : vector<16xi32>
        %rev3A_548 = tpu.dynamic_gather %get3A_540[%rev3A_547] in [0] : vector<16xf32>, vector<16xi32> -> vector<16xf32>
        %broadcast_in_dim3A_549 = arith.constant true
        %broadcast_in_dim3A_550 = vector.broadcast %broadcast_in_dim3A_549 : i1 to vector<16xi1>
        %masked_cumsum3A_551 = tpu.scan <sum>, %rev3A_548 masked %broadcast_in_dim3A_550 : vector<16xf32>, vector<16xi1> -> vector<16xf32>
        %rev3A_552 = arith.constant 15 : i32
        %rev3A_553 = vector.broadcast %rev3A_552 : i32 to vector<16xi32>
        %rev3A_554 = tpu.iota {dimensions = array<i32: 0>} : vector<16xi32>
        %rev3A_555 = arith.subi %rev3A_553, %rev3A_554 : vector<16xi32>
        %rev3A_556 = tpu.dynamic_gather %masked_cumsum3A_551[%rev3A_555] in [0] : vector<16xf32>, vector<16xi32> -> vector<16xf32>
        %sub3A_557 = arith.subf %masked_cumsum3A_543, %get3A_540 : vector<16xf32>
        %add3A_558 = arith.addf %sub3A_557, %add3A_537 : vector<16xf32>
        %swap3A_559 = arith.index_cast %scan3A_45 : i32 to index
        %swap3A_560 = arith.constant 304 : index
        %swap3A_561 = tpu.vector_load %arg6[%swap3A_559, %swap3A_560] {strides = array<i32>} : memref<16x1025xf32, #tpu.memory_space<vmem>>, vector<16xf32>,
        tpu.vector_store %arg6[%swap3A_559, %swap3A_560], %add3A_558 {strides = array<i32>} : memref<16x1025xf32, #tpu.memory_space<vmem>>, vector<16xf32>,
        %add3A_562 = arith.addf %sub3A_557, %rev3A_556 : vector<16xf32>
        %add3A_563 = arith.addf %add3A_537, %add3A_562 : vector<16xf32>
        %get3A_564 = arith.index_cast %scan3A_45 : i32 to index
        %get3A_565 = arith.constant 320 : index
        %get3A_566 = tpu.vector_load %arg4[%get3A_564, %get3A_565] {strides = array<i32>} : memref<16x1024xf32, #tpu.memory_space<vmem>>, vector<16xf32>,
        %broadcast_in_dim3A_567 = arith.constant true
        %broadcast_in_dim3A_568 = vector.broadcast %broadcast_in_dim3A_567 : i1 to vector<16xi1>
        %masked_cumsum3A_569 = tpu.scan <sum>, %get3A_566 masked %broadcast_in_dim3A_568 : vector<16xf32>, vector<16xi1> -> vector<16xf32>
        %rev3A_570 = arith.constant 15 : i32
        %rev3A_571 = vector.broadcast %rev3A_570 : i32 to vector<16xi32>
        %rev3A_572 = tpu.iota {dimensions = array<i32: 0>} : vector<16xi32>
        %rev3A_573 = arith.subi %rev3A_571, %rev3A_572 : vector<16xi32>
        %rev3A_574 = tpu.dynamic_gather %get3A_566[%rev3A_573] in [0] : vector<16xf32>, vector<16xi32> -> vector<16xf32>
        %broadcast_in_dim3A_575 = arith.constant true
        %broadcast_in_dim3A_576 = vector.broadcast %broadcast_in_dim3A_575 : i1 to vector<16xi1>
        %masked_cumsum3A_577 = tpu.scan <sum>, %rev3A_574 masked %broadcast_in_dim3A_576 : vector<16xf32>, vector<16xi1> -> vector<16xf32>
        %rev3A_578 = arith.constant 15 : i32
        %rev3A_579 = vector.broadcast %rev3A_578 : i32 to vector<16xi32>
        %rev3A_580 = tpu.iota {dimensions = array<i32: 0>} : vector<16xi32>
        %rev3A_581 = arith.subi %rev3A_579, %rev3A_580 : vector<16xi32>
        %rev3A_582 = tpu.dynamic_gather %masked_cumsum3A_577[%rev3A_581] in [0] : vector<16xf32>, vector<16xi32> -> vector<16xf32>
        %sub3A_583 = arith.subf %masked_cumsum3A_569, %get3A_566 : vector<16xf32>
        %add3A_584 = arith.addf %sub3A_583, %add3A_563 : vector<16xf32>
        %swap3A_585 = arith.index_cast %scan3A_45 : i32 to index
        %swap3A_586 = arith.constant 320 : index
        %swap3A_587 = tpu.vector_load %arg6[%swap3A_585, %swap3A_586] {strides = array<i32>} : memref<16x1025xf32, #tpu.memory_space<vmem>>, vector<16xf32>,
        tpu.vector_store %arg6[%swap3A_585, %swap3A_586], %add3A_584 {strides = array<i32>} : memref<16x1025xf32, #tpu.memory_space<vmem>>, vector<16xf32>,
        %add3A_588 = arith.addf %sub3A_583, %rev3A_582 : vector<16xf32>
        %add3A_589 = arith.addf %add3A_563, %add3A_588 : vector<16xf32>
        %get3A_590 = arith.index_cast %scan3A_45 : i32 to index
        %get3A_591 = arith.constant 336 : index
        %get3A_592 = tpu.vector_load %arg4[%get3A_590, %get3A_591] {strides = array<i32>} : memref<16x1024xf32, #tpu.memory_space<vmem>>, vector<16xf32>,
        %broadcast_in_dim3A_593 = arith.constant true
        %broadcast_in_dim3A_594 = vector.broadcast %broadcast_in_dim3A_593 : i1 to vector<16xi1>
        %masked_cumsum3A_595 = tpu.scan <sum>, %get3A_592 masked %broadcast_in_dim3A_594 : vector<16xf32>, vector<16xi1> -> vector<16xf32>
        %rev3A_596 = arith.constant 15 : i32
        %rev3A_597 = vector.broadcast %rev3A_596 : i32 to vector<16xi32>
        %rev3A_598 = tpu.iota {dimensions = array<i32: 0>} : vector<16xi32>
        %rev3A_599 = arith.subi %rev3A_597, %rev3A_598 : vector<16xi32>
        %rev3A_600 = tpu.dynamic_gather %get3A_592[%rev3A_599] in [0] : vector<16xf32>, vector<16xi32> -> vector<16xf32>
        %broadcast_in_dim3A_601 = arith.constant true
        %broadcast_in_dim3A_602 = vector.broadcast %broadcast_in_dim3A_601 : i1 to vector<16xi1>
        %masked_cumsum3A_603 = tpu.scan <sum>, %rev3A_600 masked %broadcast_in_dim3A_602 : vector<16xf32>, vector<16xi1> -> vector<16xf32>
        %rev3A_604 = arith.constant 15 : i32
        %rev3A_605 = vector.broadcast %rev3A_604 : i32 to vector<16xi32>
        %rev3A_606 = tpu.iota {dimensions = array<i32: 0>} : vector<16xi32>
        %rev3A_607 = arith.subi %rev3A_605, %rev3A_606 : vector<16xi32>
        %rev3A_608 = tpu.dynamic_gather %masked_cumsum3A_603[%rev3A_607] in [0] : vector<16xf32>, vector<16xi32> -> vector<16xf32>
        %sub3A_609 = arith.subf %masked_cumsum3A_595, %get3A_592 : vector<16xf32>
        %add3A_610 = arith.addf %sub3A_609, %add3A_589 : vector<16xf32>
        %swap3A_611 = arith.index_cast %scan3A_45 : i32 to index
        %swap3A_612 = arith.constant 336 : index
        %swap3A_613 = tpu.vector_load %arg6[%swap3A_611, %swap3A_612] {strides = array<i32>} : memref<16x1025xf32, #tpu.memory_space<vmem>>, vector<16xf32>,
        tpu.vector_store %arg6[%swap3A_611, %swap3A_612], %add3A_610 {strides = array<i32>} : memref<16x1025xf32, #tpu.memory_space<vmem>>, vector<16xf32>,
        %add3A_614 = arith.addf %sub3A_609, %rev3A_608 : vector<16xf32>
        %add3A_615 = arith.addf %add3A_589, %add3A_614 : vector<16xf32>
        %get3A_616 = arith.index_cast %scan3A_45 : i32 to index
        %get3A_617 = arith.constant 352 : index
        %get3A_618 = tpu.vector_load %arg4[%get3A_616, %get3A_617] {strides = array<i32>} : memref<16x1024xf32, #tpu.memory_space<vmem>>, vector<16xf32>,
        %broadcast_in_dim3A_619 = arith.constant true
        %broadcast_in_dim3A_620 = vector.broadcast %broadcast_in_dim3A_619 : i1 to vector<16xi1>
        %masked_cumsum3A_621 = tpu.scan <sum>, %get3A_618 masked %broadcast_in_dim3A_620 : vector<16xf32>, vector<16xi1> -> vector<16xf32>
        %rev3A_622 = arith.constant 15 : i32
        %rev3A_623 = vector.broadcast %rev3A_622 : i32 to vector<16xi32>
        %rev3A_624 = tpu.iota {dimensions = array<i32: 0>} : vector<16xi32>
        %rev3A_625 = arith.subi %rev3A_623, %rev3A_624 : vector<16xi32>
        %rev3A_626 = tpu.dynamic_gather %get3A_618[%rev3A_625] in [0] : vector<16xf32>, vector<16xi32> -> vector<16xf32>
        %broadcast_in_dim3A_627 = arith.constant true
        %broadcast_in_dim3A_628 = vector.broadcast %broadcast_in_dim3A_627 : i1 to vector<16xi1>
        %masked_cumsum3A_629 = tpu.scan <sum>, %rev3A_626 masked %broadcast_in_dim3A_628 : vector<16xf32>, vector<16xi1> -> vector<16xf32>
        %rev3A_630 = arith.constant 15 : i32
        %rev3A_631 = vector.broadcast %rev3A_630 : i32 to vector<16xi32>
        %rev3A_632 = tpu.iota {dimensions = array<i32: 0>} : vector<16xi32>
        %rev3A_633 = arith.subi %rev3A_631, %rev3A_632 : vector<16xi32>
        %rev3A_634 = tpu.dynamic_gather %masked_cumsum3A_629[%rev3A_633] in [0] : vector<16xf32>, vector<16xi32> -> vector<16xf32>
        %sub3A_635 = arith.subf %masked_cumsum3A_621, %get3A_618 : vector<16xf32>
        %add3A_636 = arith.addf %sub3A_635, %add3A_615 : vector<16xf32>
        %swap3A_637 = arith.index_cast %scan3A_45 : i32 to index
        %swap3A_638 = arith.constant 352 : index
        %swap3A_639 = tpu.vector_load %arg6[%swap3A_637, %swap3A_638] {strides = array<i32>} : memref<16x1025xf32, #tpu.memory_space<vmem>>, vector<16xf32>,
        tpu.vector_store %arg6[%swap3A_637, %swap3A_638], %add3A_636 {strides = array<i32>} : memref<16x1025xf32, #tpu.memory_space<vmem>>, vector<16xf32>,
        %add3A_640 = arith.addf %sub3A_635, %rev3A_634 : vector<16xf32>
        %add3A_641 = arith.addf %add3A_615, %add3A_640 : vector<16xf32>
        %get3A_642 = arith.index_cast %scan3A_45 : i32 to index
        %get3A_643 = arith.constant 368 : index
        %get3A_644 = tpu.vector_load %arg4[%get3A_642, %get3A_643] {strides = array<i32>} : memref<16x1024xf32, #tpu.memory_space<vmem>>, vector<16xf32>,
        %broadcast_in_dim3A_645 = arith.constant true
        %broadcast_in_dim3A_646 = vector.broadcast %broadcast_in_dim3A_645 : i1 to vector<16xi1>
        %masked_cumsum3A_647 = tpu.scan <sum>, %get3A_644 masked %broadcast_in_dim3A_646 : vector<16xf32>, vector<16xi1> -> vector<16xf32>
        %rev3A_648 = arith.constant 15 : i32
        %rev3A_649 = vector.broadcast %rev3A_648 : i32 to vector<16xi32>
        %rev3A_650 = tpu.iota {dimensions = array<i32: 0>} : vector<16xi32>
        %rev3A_651 = arith.subi %rev3A_649, %rev3A_650 : vector<16xi32>
        %rev3A_652 = tpu.dynamic_gather %get3A_644[%rev3A_651] in [0] : vector<16xf32>, vector<16xi32> -> vector<16xf32>
        %broadcast_in_dim3A_653 = arith.constant true
        %broadcast_in_dim3A_654 = vector.broadcast %broadcast_in_dim3A_653 : i1 to vector<16xi1>
        %masked_cumsum3A_655 = tpu.scan <sum>, %rev3A_652 masked %broadcast_in_dim3A_654 : vector<16xf32>, vector<16xi1> -> vector<16xf32>
        %rev3A_656 = arith.constant 15 : i32
        %rev3A_657 = vector.broadcast %rev3A_656 : i32 to vector<16xi32>
        %rev3A_658 = tpu.iota {dimensions = array<i32: 0>} : vector<16xi32>
        %rev3A_659 = arith.subi %rev3A_657, %rev3A_658 : vector<16xi32>
        %rev3A_660 = tpu.dynamic_gather %masked_cumsum3A_655[%rev3A_659] in [0] : vector<16xf32>, vector<16xi32> -> vector<16xf32>
        %sub3A_661 = arith.subf %masked_cumsum3A_647, %get3A_644 : vector<16xf32>
        %add3A_662 = arith.addf %sub3A_661, %add3A_641 : vector<16xf32>
        %swap3A_663 = arith.index_cast %scan3A_45 : i32 to index
        %swap3A_664 = arith.constant 368 : index
        %swap3A_665 = tpu.vector_load %arg6[%swap3A_663, %swap3A_664] {strides = array<i32>} : memref<16x1025xf32, #tpu.memory_space<vmem>>, vector<16xf32>,
        tpu.vector_store %arg6[%swap3A_663, %swap3A_664], %add3A_662 {strides = array<i32>} : memref<16x1025xf32, #tpu.memory_space<vmem>>, vector<16xf32>,
        %add3A_666 = arith.addf %sub3A_661, %rev3A_660 : vector<16xf32>
        %add3A_667 = arith.addf %add3A_641, %add3A_666 : vector<16xf32>
        %get3A_668 = arith.index_cast %scan3A_45 : i32 to index
        %get3A_669 = arith.constant 384 : index
        %get3A_670 = tpu.vector_load %arg4[%get3A_668, %get3A_669] {strides = array<i32>} : memref<16x1024xf32, #tpu.memory_space<vmem>>, vector<16xf32>,
        %broadcast_in_dim3A_671 = arith.constant true
        %broadcast_in_dim3A_672 = vector.broadcast %broadcast_in_dim3A_671 : i1 to vector<16xi1>
        %masked_cumsum3A_673 = tpu.scan <sum>, %get3A_670 masked %broadcast_in_dim3A_672 : vector<16xf32>, vector<16xi1> -> vector<16xf32>
        %rev3A_674 = arith.constant 15 : i32
        %rev3A_675 = vector.broadcast %rev3A_674 : i32 to vector<16xi32>
        %rev3A_676 = tpu.iota {dimensions = array<i32: 0>} : vector<16xi32>
        %rev3A_677 = arith.subi %rev3A_675, %rev3A_676 : vector<16xi32>
        %rev3A_678 = tpu.dynamic_gather %get3A_670[%rev3A_677] in [0] : vector<16xf32>, vector<16xi32> -> vector<16xf32>
        %broadcast_in_dim3A_679 = arith.constant true
        %broadcast_in_dim3A_680 = vector.broadcast %broadcast_in_dim3A_679 : i1 to vector<16xi1>
        %masked_cumsum3A_681 = tpu.scan <sum>, %rev3A_678 masked %broadcast_in_dim3A_680 : vector<16xf32>, vector<16xi1> -> vector<16xf32>
        %rev3A_682 = arith.constant 15 : i32
        %rev3A_683 = vector.broadcast %rev3A_682 : i32 to vector<16xi32>
        %rev3A_684 = tpu.iota {dimensions = array<i32: 0>} : vector<16xi32>
        %rev3A_685 = arith.subi %rev3A_683, %rev3A_684 : vector<16xi32>
        %rev3A_686 = tpu.dynamic_gather %masked_cumsum3A_681[%rev3A_685] in [0] : vector<16xf32>, vector<16xi32> -> vector<16xf32>
        %sub3A_687 = arith.subf %masked_cumsum3A_673, %get3A_670 : vector<16xf32>
        %add3A_688 = arith.addf %sub3A_687, %add3A_667 : vector<16xf32>
        %swap3A_689 = arith.index_cast %scan3A_45 : i32 to index
        %swap3A_690 = arith.constant 384 : index
        %swap3A_691 = tpu.vector_load %arg6[%swap3A_689, %swap3A_690] {strides = array<i32>} : memref<16x1025xf32, #tpu.memory_space<vmem>>, vector<16xf32>,
        tpu.vector_store %arg6[%swap3A_689, %swap3A_690], %add3A_688 {strides = array<i32>} : memref<16x1025xf32, #tpu.memory_space<vmem>>, vector<16xf32>,
        %add3A_692 = arith.addf %sub3A_687, %rev3A_686 : vector<16xf32>
        %add3A_693 = arith.addf %add3A_667, %add3A_692 : vector<16xf32>
        %get3A_694 = arith.index_cast %scan3A_45 : i32 to index
        %get3A_695 = arith.constant 400 : index
        %get3A_696 = tpu.vector_load %arg4[%get3A_694, %get3A_695] {strides = array<i32>} : memref<16x1024xf32, #tpu.memory_space<vmem>>, vector<16xf32>,
        %broadcast_in_dim3A_697 = arith.constant true
        %broadcast_in_dim3A_698 = vector.broadcast %broadcast_in_dim3A_697 : i1 to vector<16xi1>
        %masked_cumsum3A_699 = tpu.scan <sum>, %get3A_696 masked %broadcast_in_dim3A_698 : vector<16xf32>, vector<16xi1> -> vector<16xf32>
        %rev3A_700 = arith.constant 15 : i32
        %rev3A_701 = vector.broadcast %rev3A_700 : i32 to vector<16xi32>
        %rev3A_702 = tpu.iota {dimensions = array<i32: 0>} : vector<16xi32>
        %rev3A_703 = arith.subi %rev3A_701, %rev3A_702 : vector<16xi32>
        %rev3A_704 = tpu.dynamic_gather %get3A_696[%rev3A_703] in [0] : vector<16xf32>, vector<16xi32> -> vector<16xf32>
        %broadcast_in_dim3A_705 = arith.constant true
        %broadcast_in_dim3A_706 = vector.broadcast %broadcast_in_dim3A_705 : i1 to vector<16xi1>
        %masked_cumsum3A_707 = tpu.scan <sum>, %rev3A_704 masked %broadcast_in_dim3A_706 : vector<16xf32>, vector<16xi1> -> vector<16xf32>
        %rev3A_708 = arith.constant 15 : i32
        %rev3A_709 = vector.broadcast %rev3A_708 : i32 to vector<16xi32>
        %rev3A_710 = tpu.iota {dimensions = array<i32: 0>} : vector<16xi32>
        %rev3A_711 = arith.subi %rev3A_709, %rev3A_710 : vector<16xi32>
        %rev3A_712 = tpu.dynamic_gather %masked_cumsum3A_707[%rev3A_711] in [0] : vector<16xf32>, vector<16xi32> -> vector<16xf32>
        %sub3A_713 = arith.subf %masked_cumsum3A_699, %get3A_696 : vector<16xf32>
        %add3A_714 = arith.addf %sub3A_713, %add3A_693 : vector<16xf32>
        %swap3A_715 = arith.index_cast %scan3A_45 : i32 to index
        %swap3A_716 = arith.constant 400 : index
        %swap3A_717 = tpu.vector_load %arg6[%swap3A_715, %swap3A_716] {strides = array<i32>} : memref<16x1025xf32, #tpu.memory_space<vmem>>, vector<16xf32>,
        tpu.vector_store %arg6[%swap3A_715, %swap3A_716], %add3A_714 {strides = array<i32>} : memref<16x1025xf32, #tpu.memory_space<vmem>>, vector<16xf32>,
        %add3A_718 = arith.addf %sub3A_713, %rev3A_712 : vector<16xf32>
        %add3A_719 = arith.addf %add3A_693, %add3A_718 : vector<16xf32>
        %get3A_720 = arith.index_cast %scan3A_45 : i32 to index
        %get3A_721 = arith.constant 416 : index
        %get3A_722 = tpu.vector_load %arg4[%get3A_720, %get3A_721] {strides = array<i32>} : memref<16x1024xf32, #tpu.memory_space<vmem>>, vector<16xf32>,
        %broadcast_in_dim3A_723 = arith.constant true
        %broadcast_in_dim3A_724 = vector.broadcast %broadcast_in_dim3A_723 : i1 to vector<16xi1>
        %masked_cumsum3A_725 = tpu.scan <sum>, %get3A_722 masked %broadcast_in_dim3A_724 : vector<16xf32>, vector<16xi1> -> vector<16xf32>
        %rev3A_726 = arith.constant 15 : i32
        %rev3A_727 = vector.broadcast %rev3A_726 : i32 to vector<16xi32>
        %rev3A_728 = tpu.iota {dimensions = array<i32: 0>} : vector<16xi32>
        %rev3A_729 = arith.subi %rev3A_727, %rev3A_728 : vector<16xi32>
        %rev3A_730 = tpu.dynamic_gather %get3A_722[%rev3A_729] in [0] : vector<16xf32>, vector<16xi32> -> vector<16xf32>
        %broadcast_in_dim3A_731 = arith.constant true
        %broadcast_in_dim3A_732 = vector.broadcast %broadcast_in_dim3A_731 : i1 to vector<16xi1>
        %masked_cumsum3A_733 = tpu.scan <sum>, %rev3A_730 masked %broadcast_in_dim3A_732 : vector<16xf32>, vector<16xi1> -> vector<16xf32>
        %rev3A_734 = arith.constant 15 : i32
        %rev3A_735 = vector.broadcast %rev3A_734 : i32 to vector<16xi32>
        %rev3A_736 = tpu.iota {dimensions = array<i32: 0>} : vector<16xi32>
        %rev3A_737 = arith.subi %rev3A_735, %rev3A_736 : vector<16xi32>
        %rev3A_738 = tpu.dynamic_gather %masked_cumsum3A_733[%rev3A_737] in [0] : vector<16xf32>, vector<16xi32> -> vector<16xf32>
        %sub3A_739 = arith.subf %masked_cumsum3A_725, %get3A_722 : vector<16xf32>
        %add3A_740 = arith.addf %sub3A_739, %add3A_719 : vector<16xf32>
        %swap3A_741 = arith.index_cast %scan3A_45 : i32 to index
        %swap3A_742 = arith.constant 416 : index
        %swap3A_743 = tpu.vector_load %arg6[%swap3A_741, %swap3A_742] {strides = array<i32>} : memref<16x1025xf32, #tpu.memory_space<vmem>>, vector<16xf32>,
        tpu.vector_store %arg6[%swap3A_741, %swap3A_742], %add3A_740 {strides = array<i32>} : memref<16x1025xf32, #tpu.memory_space<vmem>>, vector<16xf32>,
        %add3A_744 = arith.addf %sub3A_739, %rev3A_738 : vector<16xf32>
        %add3A_745 = arith.addf %add3A_719, %add3A_744 : vector<16xf32>
        %get3A_746 = arith.index_cast %scan3A_45 : i32 to index
        %get3A_747 = arith.constant 432 : index
        %get3A_748 = tpu.vector_load %arg4[%get3A_746, %get3A_747] {strides = array<i32>} : memref<16x1024xf32, #tpu.memory_space<vmem>>, vector<16xf32>,
        %broadcast_in_dim3A_749 = arith.constant true
        %broadcast_in_dim3A_750 = vector.broadcast %broadcast_in_dim3A_749 : i1 to vector<16xi1>
        %masked_cumsum3A_751 = tpu.scan <sum>, %get3A_748 masked %broadcast_in_dim3A_750 : vector<16xf32>, vector<16xi1> -> vector<16xf32>
        %rev3A_752 = arith.constant 15 : i32
        %rev3A_753 = vector.broadcast %rev3A_752 : i32 to vector<16xi32>
        %rev3A_754 = tpu.iota {dimensions = array<i32: 0>} : vector<16xi32>
        %rev3A_755 = arith.subi %rev3A_753, %rev3A_754 : vector<16xi32>
        %rev3A_756 = tpu.dynamic_gather %get3A_748[%rev3A_755] in [0] : vector<16xf32>, vector<16xi32> -> vector<16xf32>
        %broadcast_in_dim3A_757 = arith.constant true
        %broadcast_in_dim3A_758 = vector.broadcast %broadcast_in_dim3A_757 : i1 to vector<16xi1>
        %masked_cumsum3A_759 = tpu.scan <sum>, %rev3A_756 masked %broadcast_in_dim3A_758 : vector<16xf32>, vector<16xi1> -> vector<16xf32>
        %rev3A_760 = arith.constant 15 : i32
        %rev3A_761 = vector.broadcast %rev3A_760 : i32 to vector<16xi32>
        %rev3A_762 = tpu.iota {dimensions = array<i32: 0>} : vector<16xi32>
        %rev3A_763 = arith.subi %rev3A_761, %rev3A_762 : vector<16xi32>
        %rev3A_764 = tpu.dynamic_gather %masked_cumsum3A_759[%rev3A_763] in [0] : vector<16xf32>, vector<16xi32> -> vector<16xf32>
        %sub3A_765 = arith.subf %masked_cumsum3A_751, %get3A_748 : vector<16xf32>
        %add3A_766 = arith.addf %sub3A_765, %add3A_745 : vector<16xf32>
        %swap3A_767 = arith.index_cast %scan3A_45 : i32 to index
        %swap3A_768 = arith.constant 432 : index
        %swap3A_769 = tpu.vector_load %arg6[%swap3A_767, %swap3A_768] {strides = array<i32>} : memref<16x1025xf32, #tpu.memory_space<vmem>>, vector<16xf32>,
        tpu.vector_store %arg6[%swap3A_767, %swap3A_768], %add3A_766 {strides = array<i32>} : memref<16x1025xf32, #tpu.memory_space<vmem>>, vector<16xf32>,
        %add3A_770 = arith.addf %sub3A_765, %rev3A_764 : vector<16xf32>
        %add3A_771 = arith.addf %add3A_745, %add3A_770 : vector<16xf32>
        %get3A_772 = arith.index_cast %scan3A_45 : i32 to index
        %get3A_773 = arith.constant 448 : index
        %get3A_774 = tpu.vector_load %arg4[%get3A_772, %get3A_773] {strides = array<i32>} : memref<16x1024xf32, #tpu.memory_space<vmem>>, vector<16xf32>,
        %broadcast_in_dim3A_775 = arith.constant true
        %broadcast_in_dim3A_776 = vector.broadcast %broadcast_in_dim3A_775 : i1 to vector<16xi1>
        %masked_cumsum3A_777 = tpu.scan <sum>, %get3A_774 masked %broadcast_in_dim3A_776 : vector<16xf32>, vector<16xi1> -> vector<16xf32>
        %rev3A_778 = arith.constant 15 : i32
        %rev3A_779 = vector.broadcast %rev3A_778 : i32 to vector<16xi32>
        %rev3A_780 = tpu.iota {dimensions = array<i32: 0>} : vector<16xi32>
        %rev3A_781 = arith.subi %rev3A_779, %rev3A_780 : vector<16xi32>
        %rev3A_782 = tpu.dynamic_gather %get3A_774[%rev3A_781] in [0] : vector<16xf32>, vector<16xi32> -> vector<16xf32>
        %broadcast_in_dim3A_783 = arith.constant true
        %broadcast_in_dim3A_784 = vector.broadcast %broadcast_in_dim3A_783 : i1 to vector<16xi1>
        %masked_cumsum3A_785 = tpu.scan <sum>, %rev3A_782 masked %broadcast_in_dim3A_784 : vector<16xf32>, vector<16xi1> -> vector<16xf32>
        %rev3A_786 = arith.constant 15 : i32
        %rev3A_787 = vector.broadcast %rev3A_786 : i32 to vector<16xi32>
        %rev3A_788 = tpu.iota {dimensions = array<i32: 0>} : vector<16xi32>
        %rev3A_789 = arith.subi %rev3A_787, %rev3A_788 : vector<16xi32>
        %rev3A_790 = tpu.dynamic_gather %masked_cumsum3A_785[%rev3A_789] in [0] : vector<16xf32>, vector<16xi32> -> vector<16xf32>
        %sub3A_791 = arith.subf %masked_cumsum3A_777, %get3A_774 : vector<16xf32>
        %add3A_792 = arith.addf %sub3A_791, %add3A_771 : vector<16xf32>
        %swap3A_793 = arith.index_cast %scan3A_45 : i32 to index
        %swap3A_794 = arith.constant 448 : index
        %swap3A_795 = tpu.vector_load %arg6[%swap3A_793, %swap3A_794] {strides = array<i32>} : memref<16x1025xf32, #tpu.memory_space<vmem>>, vector<16xf32>,
        tpu.vector_store %arg6[%swap3A_793, %swap3A_794], %add3A_792 {strides = array<i32>} : memref<16x1025xf32, #tpu.memory_space<vmem>>, vector<16xf32>,
        %add3A_796 = arith.addf %sub3A_791, %rev3A_790 : vector<16xf32>
        %add3A_797 = arith.addf %add3A_771, %add3A_796 : vector<16xf32>
        %get3A_798 = arith.index_cast %scan3A_45 : i32 to index
        %get3A_799 = arith.constant 464 : index
        %get3A_800 = tpu.vector_load %arg4[%get3A_798, %get3A_799] {strides = array<i32>} : memref<16x1024xf32, #tpu.memory_space<vmem>>, vector<16xf32>,
        %broadcast_in_dim3A_801 = arith.constant true
        %broadcast_in_dim3A_802 = vector.broadcast %broadcast_in_dim3A_801 : i1 to vector<16xi1>
        %masked_cumsum3A_803 = tpu.scan <sum>, %get3A_800 masked %broadcast_in_dim3A_802 : vector<16xf32>, vector<16xi1> -> vector<16xf32>
        %rev3A_804 = arith.constant 15 : i32
        %rev3A_805 = vector.broadcast %rev3A_804 : i32 to vector<16xi32>
        %rev3A_806 = tpu.iota {dimensions = array<i32: 0>} : vector<16xi32>
        %rev3A_807 = arith.subi %rev3A_805, %rev3A_806 : vector<16xi32>
        %rev3A_808 = tpu.dynamic_gather %get3A_800[%rev3A_807] in [0] : vector<16xf32>, vector<16xi32> -> vector<16xf32>
        %broadcast_in_dim3A_809 = arith.constant true
        %broadcast_in_dim3A_810 = vector.broadcast %broadcast_in_dim3A_809 : i1 to vector<16xi1>
        %masked_cumsum3A_811 = tpu.scan <sum>, %rev3A_808 masked %broadcast_in_dim3A_810 : vector<16xf32>, vector<16xi1> -> vector<16xf32>
        %rev3A_812 = arith.constant 15 : i32
        %rev3A_813 = vector.broadcast %rev3A_812 : i32 to vector<16xi32>
        %rev3A_814 = tpu.iota {dimensions = array<i32: 0>} : vector<16xi32>
        %rev3A_815 = arith.subi %rev3A_813, %rev3A_814 : vector<16xi32>
        %rev3A_816 = tpu.dynamic_gather %masked_cumsum3A_811[%rev3A_815] in [0] : vector<16xf32>, vector<16xi32> -> vector<16xf32>
        %sub3A_817 = arith.subf %masked_cumsum3A_803, %get3A_800 : vector<16xf32>
        %add3A_818 = arith.addf %sub3A_817, %add3A_797 : vector<16xf32>
        %swap3A_819 = arith.index_cast %scan3A_45 : i32 to index
        %swap3A_820 = arith.constant 464 : index
        %swap3A_821 = tpu.vector_load %arg6[%swap3A_819, %swap3A_820] {strides = array<i32>} : memref<16x1025xf32, #tpu.memory_space<vmem>>, vector<16xf32>,
        tpu.vector_store %arg6[%swap3A_819, %swap3A_820], %add3A_818 {strides = array<i32>} : memref<16x1025xf32, #tpu.memory_space<vmem>>, vector<16xf32>,
        %add3A_822 = arith.addf %sub3A_817, %rev3A_816 : vector<16xf32>
        %add3A_823 = arith.addf %add3A_797, %add3A_822 : vector<16xf32>
        %get3A_824 = arith.index_cast %scan3A_45 : i32 to index
        %get3A_825 = arith.constant 480 : index
        %get3A_826 = tpu.vector_load %arg4[%get3A_824, %get3A_825] {strides = array<i32>} : memref<16x1024xf32, #tpu.memory_space<vmem>>, vector<16xf32>,
        %broadcast_in_dim3A_827 = arith.constant true
        %broadcast_in_dim3A_828 = vector.broadcast %broadcast_in_dim3A_827 : i1 to vector<16xi1>
        %masked_cumsum3A_829 = tpu.scan <sum>, %get3A_826 masked %broadcast_in_dim3A_828 : vector<16xf32>, vector<16xi1> -> vector<16xf32>
        %rev3A_830 = arith.constant 15 : i32
        %rev3A_831 = vector.broadcast %rev3A_830 : i32 to vector<16xi32>
        %rev3A_832 = tpu.iota {dimensions = array<i32: 0>} : vector<16xi32>
        %rev3A_833 = arith.subi %rev3A_831, %rev3A_832 : vector<16xi32>
        %rev3A_834 = tpu.dynamic_gather %get3A_826[%rev3A_833] in [0] : vector<16xf32>, vector<16xi32> -> vector<16xf32>
        %broadcast_in_dim3A_835 = arith.constant true
        %broadcast_in_dim3A_836 = vector.broadcast %broadcast_in_dim3A_835 : i1 to vector<16xi1>
        %masked_cumsum3A_837 = tpu.scan <sum>, %rev3A_834 masked %broadcast_in_dim3A_836 : vector<16xf32>, vector<16xi1> -> vector<16xf32>
        %rev3A_838 = arith.constant 15 : i32
        %rev3A_839 = vector.broadcast %rev3A_838 : i32 to vector<16xi32>
        %rev3A_840 = tpu.iota {dimensions = array<i32: 0>} : vector<16xi32>
        %rev3A_841 = arith.subi %rev3A_839, %rev3A_840 : vector<16xi32>
        %rev3A_842 = tpu.dynamic_gather %masked_cumsum3A_837[%rev3A_841] in [0] : vector<16xf32>, vector<16xi32> -> vector<16xf32>
        %sub3A_843 = arith.subf %masked_cumsum3A_829, %get3A_826 : vector<16xf32>
        %add3A_844 = arith.addf %sub3A_843, %add3A_823 : vector<16xf32>
        %swap3A_845 = arith.index_cast %scan3A_45 : i32 to index
        %swap3A_846 = arith.constant 480 : index
        %swap3A_847 = tpu.vector_load %arg6[%swap3A_845, %swap3A_846] {strides = array<i32>} : memref<16x1025xf32, #tpu.memory_space<vmem>>, vector<16xf32>,
        tpu.vector_store %arg6[%swap3A_845, %swap3A_846], %add3A_844 {strides = array<i32>} : memref<16x1025xf32, #tpu.memory_space<vmem>>, vector<16xf32>,
        %add3A_848 = arith.addf %sub3A_843, %rev3A_842 : vector<16xf32>
        %add3A_849 = arith.addf %add3A_823, %add3A_848 : vector<16xf32>
        %get3A_850 = arith.index_cast %scan3A_45 : i32 to index
        %get3A_851 = arith.constant 496 : index
        %get3A_852 = tpu.vector_load %arg4[%get3A_850, %get3A_851] {strides = array<i32>} : memref<16x1024xf32, #tpu.memory_space<vmem>>, vector<16xf32>,
        %broadcast_in_dim3A_853 = arith.constant true
        %broadcast_in_dim3A_854 = vector.broadcast %broadcast_in_dim3A_853 : i1 to vector<16xi1>
        %masked_cumsum3A_855 = tpu.scan <sum>, %get3A_852 masked %broadcast_in_dim3A_854 : vector<16xf32>, vector<16xi1> -> vector<16xf32>
        %rev3A_856 = arith.constant 15 : i32
        %rev3A_857 = vector.broadcast %rev3A_856 : i32 to vector<16xi32>
        %rev3A_858 = tpu.iota {dimensions = array<i32: 0>} : vector<16xi32>
        %rev3A_859 = arith.subi %rev3A_857, %rev3A_858 : vector<16xi32>
        %rev3A_860 = tpu.dynamic_gather %get3A_852[%rev3A_859] in [0] : vector<16xf32>, vector<16xi32> -> vector<16xf32>
        %broadcast_in_dim3A_861 = arith.constant true
        %broadcast_in_dim3A_862 = vector.broadcast %broadcast_in_dim3A_861 : i1 to vector<16xi1>
        %masked_cumsum3A_863 = tpu.scan <sum>, %rev3A_860 masked %broadcast_in_dim3A_862 : vector<16xf32>, vector<16xi1> -> vector<16xf32>
        %rev3A_864 = arith.constant 15 : i32
        %rev3A_865 = vector.broadcast %rev3A_864 : i32 to vector<16xi32>
        %rev3A_866 = tpu.iota {dimensions = array<i32: 0>} : vector<16xi32>
        %rev3A_867 = arith.subi %rev3A_865, %rev3A_866 : vector<16xi32>
        %rev3A_868 = tpu.dynamic_gather %masked_cumsum3A_863[%rev3A_867] in [0] : vector<16xf32>, vector<16xi32> -> vector<16xf32>
        %sub3A_869 = arith.subf %masked_cumsum3A_855, %get3A_852 : vector<16xf32>
        %add3A_870 = arith.addf %sub3A_869, %add3A_849 : vector<16xf32>
        %swap3A_871 = arith.index_cast %scan3A_45 : i32 to index
        %swap3A_872 = arith.constant 496 : index
        %swap3A_873 = tpu.vector_load %arg6[%swap3A_871, %swap3A_872] {strides = array<i32>} : memref<16x1025xf32, #tpu.memory_space<vmem>>, vector<16xf32>,
        tpu.vector_store %arg6[%swap3A_871, %swap3A_872], %add3A_870 {strides = array<i32>} : memref<16x1025xf32, #tpu.memory_space<vmem>>, vector<16xf32>,
        %add3A_874 = arith.addf %sub3A_869, %rev3A_868 : vector<16xf32>
        %add3A_875 = arith.addf %add3A_849, %add3A_874 : vector<16xf32>
        %get3A_876 = arith.index_cast %scan3A_45 : i32 to index
        %get3A_877 = arith.constant 512 : index
        %get3A_878 = tpu.vector_load %arg4[%get3A_876, %get3A_877] {strides = array<i32>} : memref<16x1024xf32, #tpu.memory_space<vmem>>, vector<16xf32>,
        %broadcast_in_dim3A_879 = arith.constant true
        %broadcast_in_dim3A_880 = vector.broadcast %broadcast_in_dim3A_879 : i1 to vector<16xi1>
        %masked_cumsum3A_881 = tpu.scan <sum>, %get3A_878 masked %broadcast_in_dim3A_880 : vector<16xf32>, vector<16xi1> -> vector<16xf32>
        %rev3A_882 = arith.constant 15 : i32
        %rev3A_883 = vector.broadcast %rev3A_882 : i32 to vector<16xi32>
        %rev3A_884 = tpu.iota {dimensions = array<i32: 0>} : vector<16xi32>
        %rev3A_885 = arith.subi %rev3A_883, %rev3A_884 : vector<16xi32>
        %rev3A_886 = tpu.dynamic_gather %get3A_878[%rev3A_885] in [0] : vector<16xf32>, vector<16xi32> -> vector<16xf32>
        %broadcast_in_dim3A_887 = arith.constant true
        %broadcast_in_dim3A_888 = vector.broadcast %broadcast_in_dim3A_887 : i1 to vector<16xi1>
        %masked_cumsum3A_889 = tpu.scan <sum>, %rev3A_886 masked %broadcast_in_dim3A_888 : vector<16xf32>, vector<16xi1> -> vector<16xf32>
        %rev3A_890 = arith.constant 15 : i32
        %rev3A_891 = vector.broadcast %rev3A_890 : i32 to vector<16xi32>
        %rev3A_892 = tpu.iota {dimensions = array<i32: 0>} : vector<16xi32>
        %rev3A_893 = arith.subi %rev3A_891, %rev3A_892 : vector<16xi32>
        %rev3A_894 = tpu.dynamic_gather %masked_cumsum3A_889[%rev3A_893] in [0] : vector<16xf32>, vector<16xi32> -> vector<16xf32>
        %sub3A_895 = arith.subf %masked_cumsum3A_881, %get3A_878 : vector<16xf32>
        %add3A_896 = arith.addf %sub3A_895, %add3A_875 : vector<16xf32>
        %swap3A_897 = arith.index_cast %scan3A_45 : i32 to index
        %swap3A_898 = arith.constant 512 : index
        %swap3A_899 = tpu.vector_load %arg6[%swap3A_897, %swap3A_898] {strides = array<i32>} : memref<16x1025xf32, #tpu.memory_space<vmem>>, vector<16xf32>,
        tpu.vector_store %arg6[%swap3A_897, %swap3A_898], %add3A_896 {strides = array<i32>} : memref<16x1025xf32, #tpu.memory_space<vmem>>, vector<16xf32>,
        %add3A_900 = arith.addf %sub3A_895, %rev3A_894 : vector<16xf32>
        %add3A_901 = arith.addf %add3A_875, %add3A_900 : vector<16xf32>
        %get3A_902 = arith.index_cast %scan3A_45 : i32 to index
        %get3A_903 = arith.constant 528 : index
        %get3A_904 = tpu.vector_load %arg4[%get3A_902, %get3A_903] {strides = array<i32>} : memref<16x1024xf32, #tpu.memory_space<vmem>>, vector<16xf32>,
        %broadcast_in_dim3A_905 = arith.constant true
        %broadcast_in_dim3A_906 = vector.broadcast %broadcast_in_dim3A_905 : i1 to vector<16xi1>
        %masked_cumsum3A_907 = tpu.scan <sum>, %get3A_904 masked %broadcast_in_dim3A_906 : vector<16xf32>, vector<16xi1> -> vector<16xf32>
        %rev3A_908 = arith.constant 15 : i32
        %rev3A_909 = vector.broadcast %rev3A_908 : i32 to vector<16xi32>
        %rev3A_910 = tpu.iota {dimensions = array<i32: 0>} : vector<16xi32>
        %rev3A_911 = arith.subi %rev3A_909, %rev3A_910 : vector<16xi32>
        %rev3A_912 = tpu.dynamic_gather %get3A_904[%rev3A_911] in [0] : vector<16xf32>, vector<16xi32> -> vector<16xf32>
        %broadcast_in_dim3A_913 = arith.constant true
        %broadcast_in_dim3A_914 = vector.broadcast %broadcast_in_dim3A_913 : i1 to vector<16xi1>
        %masked_cumsum3A_915 = tpu.scan <sum>, %rev3A_912 masked %broadcast_in_dim3A_914 : vector<16xf32>, vector<16xi1> -> vector<16xf32>
        %rev3A_916 = arith.constant 15 : i32
        %rev3A_917 = vector.broadcast %rev3A_916 : i32 to vector<16xi32>
        %rev3A_918 = tpu.iota {dimensions = array<i32: 0>} : vector<16xi32>
        %rev3A_919 = arith.subi %rev3A_917, %rev3A_918 : vector<16xi32>
        %rev3A_920 = tpu.dynamic_gather %masked_cumsum3A_915[%rev3A_919] in [0] : vector<16xf32>, vector<16xi32> -> vector<16xf32>
        %sub3A_921 = arith.subf %masked_cumsum3A_907, %get3A_904 : vector<16xf32>
        %add3A_922 = arith.addf %sub3A_921, %add3A_901 : vector<16xf32>
        %swap3A_923 = arith.index_cast %scan3A_45 : i32 to index
        %swap3A_924 = arith.constant 528 : index
        %swap3A_925 = tpu.vector_load %arg6[%swap3A_923, %swap3A_924] {strides = array<i32>} : memref<16x1025xf32, #tpu.memory_space<vmem>>, vector<16xf32>,
        tpu.vector_store %arg6[%swap3A_923, %swap3A_924], %add3A_922 {strides = array<i32>} : memref<16x1025xf32, #tpu.memory_space<vmem>>, vector<16xf32>,
        %add3A_926 = arith.addf %sub3A_921, %rev3A_920 : vector<16xf32>
        %add3A_927 = arith.addf %add3A_901, %add3A_926 : vector<16xf32>
        %get3A_928 = arith.index_cast %scan3A_45 : i32 to index
        %get3A_929 = arith.constant 544 : index
        %get3A_930 = tpu.vector_load %arg4[%get3A_928, %get3A_929] {strides = array<i32>} : memref<16x1024xf32, #tpu.memory_space<vmem>>, vector<16xf32>,
        %broadcast_in_dim3A_931 = arith.constant true
        %broadcast_in_dim3A_932 = vector.broadcast %broadcast_in_dim3A_931 : i1 to vector<16xi1>
        %masked_cumsum3A_933 = tpu.scan <sum>, %get3A_930 masked %broadcast_in_dim3A_932 : vector<16xf32>, vector<16xi1> -> vector<16xf32>
        %rev3A_934 = arith.constant 15 : i32
        %rev3A_935 = vector.broadcast %rev3A_934 : i32 to vector<16xi32>
        %rev3A_936 = tpu.iota {dimensions = array<i32: 0>} : vector<16xi32>
        %rev3A_937 = arith.subi %rev3A_935, %rev3A_936 : vector<16xi32>
        %rev3A_938 = tpu.dynamic_gather %get3A_930[%rev3A_937] in [0] : vector<16xf32>, vector<16xi32> -> vector<16xf32>
        %broadcast_in_dim3A_939 = arith.constant true
        %broadcast_in_dim3A_940 = vector.broadcast %broadcast_in_dim3A_939 : i1 to vector<16xi1>
        %masked_cumsum3A_941 = tpu.scan <sum>, %rev3A_938 masked %broadcast_in_dim3A_940 : vector<16xf32>, vector<16xi1> -> vector<16xf32>
        %rev3A_942 = arith.constant 15 : i32
        %rev3A_943 = vector.broadcast %rev3A_942 : i32 to vector<16xi32>
        %rev3A_944 = tpu.iota {dimensions = array<i32: 0>} : vector<16xi32>
        %rev3A_945 = arith.subi %rev3A_943, %rev3A_944 : vector<16xi32>
        %rev3A_946 = tpu.dynamic_gather %masked_cumsum3A_941[%rev3A_945] in [0] : vector<16xf32>, vector<16xi32> -> vector<16xf32>
        %sub3A_947 = arith.subf %masked_cumsum3A_933, %get3A_930 : vector<16xf32>
        %add3A_948 = arith.addf %sub3A_947, %add3A_927 : vector<16xf32>
        %swap3A_949 = arith.index_cast %scan3A_45 : i32 to index
        %swap3A_950 = arith.constant 544 : index
        %swap3A_951 = tpu.vector_load %arg6[%swap3A_949, %swap3A_950] {strides = array<i32>} : memref<16x1025xf32, #tpu.memory_space<vmem>>, vector<16xf32>,
        tpu.vector_store %arg6[%swap3A_949, %swap3A_950], %add3A_948 {strides = array<i32>} : memref<16x1025xf32, #tpu.memory_space<vmem>>, vector<16xf32>,
        %add3A_952 = arith.addf %sub3A_947, %rev3A_946 : vector<16xf32>
        %add3A_953 = arith.addf %add3A_927, %add3A_952 : vector<16xf32>
        %get3A_954 = arith.index_cast %scan3A_45 : i32 to index
        %get3A_955 = arith.constant 560 : index
        %get3A_956 = tpu.vector_load %arg4[%get3A_954, %get3A_955] {strides = array<i32>} : memref<16x1024xf32, #tpu.memory_space<vmem>>, vector<16xf32>,
        %broadcast_in_dim3A_957 = arith.constant true
        %broadcast_in_dim3A_958 = vector.broadcast %broadcast_in_dim3A_957 : i1 to vector<16xi1>
        %masked_cumsum3A_959 = tpu.scan <sum>, %get3A_956 masked %broadcast_in_dim3A_958 : vector<16xf32>, vector<16xi1> -> vector<16xf32>
        %rev3A_960 = arith.constant 15 : i32
        %rev3A_961 = vector.broadcast %rev3A_960 : i32 to vector<16xi32>
        %rev3A_962 = tpu.iota {dimensions = array<i32: 0>} : vector<16xi32>
        %rev3A_963 = arith.subi %rev3A_961, %rev3A_962 : vector<16xi32>
        %rev3A_964 = tpu.dynamic_gather %get3A_956[%rev3A_963] in [0] : vector<16xf32>, vector<16xi32> -> vector<16xf32>
        %broadcast_in_dim3A_965 = arith.constant true
        %broadcast_in_dim3A_966 = vector.broadcast %broadcast_in_dim3A_965 : i1 to vector<16xi1>
        %masked_cumsum3A_967 = tpu.scan <sum>, %rev3A_964 masked %broadcast_in_dim3A_966 : vector<16xf32>, vector<16xi1> -> vector<16xf32>
        %rev3A_968 = arith.constant 15 : i32
        %rev3A_969 = vector.broadcast %rev3A_968 : i32 to vector<16xi32>
        %rev3A_970 = tpu.iota {dimensions = array<i32: 0>} : vector<16xi32>
        %rev3A_971 = arith.subi %rev3A_969, %rev3A_970 : vector<16xi32>
        %rev3A_972 = tpu.dynamic_gather %masked_cumsum3A_967[%rev3A_971] in [0] : vector<16xf32>, vector<16xi32> -> vector<16xf32>
        %sub3A_973 = arith.subf %masked_cumsum3A_959, %get3A_956 : vector<16xf32>
        %add3A_974 = arith.addf %sub3A_973, %add3A_953 : vector<16xf32>
        %swap3A_975 = arith.index_cast %scan3A_45 : i32 to index
        %swap3A_976 = arith.constant 560 : index
        %swap3A_977 = tpu.vector_load %arg6[%swap3A_975, %swap3A_976] {strides = array<i32>} : memref<16x1025xf32, #tpu.memory_space<vmem>>, vector<16xf32>,
        tpu.vector_store %arg6[%swap3A_975, %swap3A_976], %add3A_974 {strides = array<i32>} : memref<16x1025xf32, #tpu.memory_space<vmem>>, vector<16xf32>,
        %add3A_978 = arith.addf %sub3A_973, %rev3A_972 : vector<16xf32>
        %add3A_979 = arith.addf %add3A_953, %add3A_978 : vector<16xf32>
        %get3A_980 = arith.index_cast %scan3A_45 : i32 to index
        %get3A_981 = arith.constant 576 : index
        %get3A_982 = tpu.vector_load %arg4[%get3A_980, %get3A_981] {strides = array<i32>} : memref<16x1024xf32, #tpu.memory_space<vmem>>, vector<16xf32>,
        %broadcast_in_dim3A_983 = arith.constant true
        %broadcast_in_dim3A_984 = vector.broadcast %broadcast_in_dim3A_983 : i1 to vector<16xi1>
        %masked_cumsum3A_985 = tpu.scan <sum>, %get3A_982 masked %broadcast_in_dim3A_984 : vector<16xf32>, vector<16xi1> -> vector<16xf32>
        %rev3A_986 = arith.constant 15 : i32
        %rev3A_987 = vector.broadcast %rev3A_986 : i32 to vector<16xi32>
        %rev3A_988 = tpu.iota {dimensions = array<i32: 0>} : vector<16xi32>
        %rev3A_989 = arith.subi %rev3A_987, %rev3A_988 : vector<16xi32>
        %rev3A_990 = tpu.dynamic_gather %get3A_982[%rev3A_989] in [0] : vector<16xf32>, vector<16xi32> -> vector<16xf32>
        %broadcast_in_dim3A_991 = arith.constant true
        %broadcast_in_dim3A_992 = vector.broadcast %broadcast_in_dim3A_991 : i1 to vector<16xi1>
        %masked_cumsum3A_993 = tpu.scan <sum>, %rev3A_990 masked %broadcast_in_dim3A_992 : vector<16xf32>, vector<16xi1> -> vector<16xf32>
        %rev3A_994 = arith.constant 15 : i32
        %rev3A_995 = vector.broadcast %rev3A_994 : i32 to vector<16xi32>
        %rev3A_996 = tpu.iota {dimensions = array<i32: 0>} : vector<16xi32>
        %rev3A_997 = arith.subi %rev3A_995, %rev3A_996 : vector<16xi32>
        %rev3A_998 = tpu.dynamic_gather %masked_cumsum3A_993[%rev3A_997] in [0] : vector<16xf32>, vector<16xi32> -> vector<16xf32>
        %sub3A_999 = arith.subf %masked_cumsum3A_985, %get3A_982 : vector<16xf32>
        %add3A_1000 = arith.addf %sub3A_999, %add3A_979 : vector<16xf32>
        %swap3A_1001 = arith.index_cast %scan3A_45 : i32 to index
        %swap3A_1002 = arith.constant 576 : index
        %swap3A_1003 = tpu.vector_load %arg6[%swap3A_1001, %swap3A_1002] {strides = array<i32>} : memref<16x1025xf32, #tpu.memory_space<vmem>>, vector<16xf32>,
        tpu.vector_store %arg6[%swap3A_1001, %swap3A_1002], %add3A_1000 {strides = array<i32>} : memref<16x1025xf32, #tpu.memory_space<vmem>>, vector<16xf32>,
        %add3A_1004 = arith.addf %sub3A_999, %rev3A_998 : vector<16xf32>
        %add3A_1005 = arith.addf %add3A_979, %add3A_1004 : vector<16xf32>
        %get3A_1006 = arith.index_cast %scan3A_45 : i32 to index
        %get3A_1007 = arith.constant 592 : index
        %get3A_1008 = tpu.vector_load %arg4[%get3A_1006, %get3A_1007] {strides = array<i32>} : memref<16x1024xf32, #tpu.memory_space<vmem>>, vector<16xf32>,
        %broadcast_in_dim3A_1009 = arith.constant true
        %broadcast_in_dim3A_1010 = vector.broadcast %broadcast_in_dim3A_1009 : i1 to vector<16xi1>
        %masked_cumsum3A_1011 = tpu.scan <sum>, %get3A_1008 masked %broadcast_in_dim3A_1010 : vector<16xf32>, vector<16xi1> -> vector<16xf32>
        %rev3A_1012 = arith.constant 15 : i32
        %rev3A_1013 = vector.broadcast %rev3A_1012 : i32 to vector<16xi32>
        %rev3A_1014 = tpu.iota {dimensions = array<i32: 0>} : vector<16xi32>
        %rev3A_1015 = arith.subi %rev3A_1013, %rev3A_1014 : vector<16xi32>
        %rev3A_1016 = tpu.dynamic_gather %get3A_1008[%rev3A_1015] in [0] : vector<16xf32>, vector<16xi32> -> vector<16xf32>
        %broadcast_in_dim3A_1017 = arith.constant true
        %broadcast_in_dim3A_1018 = vector.broadcast %broadcast_in_dim3A_1017 : i1 to vector<16xi1>
        %masked_cumsum3A_1019 = tpu.scan <sum>, %rev3A_1016 masked %broadcast_in_dim3A_1018 : vector<16xf32>, vector<16xi1> -> vector<16xf32>
        %rev3A_1020 = arith.constant 15 : i32
        %rev3A_1021 = vector.broadcast %rev3A_1020 : i32 to vector<16xi32>
        %rev3A_1022 = tpu.iota {dimensions = array<i32: 0>} : vector<16xi32>
        %rev3A_1023 = arith.subi %rev3A_1021, %rev3A_1022 : vector<16xi32>
        %rev3A_1024 = tpu.dynamic_gather %masked_cumsum3A_1019[%rev3A_1023] in [0] : vector<16xf32>, vector<16xi32> -> vector<16xf32>
        %sub3A_1025 = arith.subf %masked_cumsum3A_1011, %get3A_1008 : vector<16xf32>
        %add3A_1026 = arith.addf %sub3A_1025, %add3A_1005 : vector<16xf32>
        %swap3A_1027 = arith.index_cast %scan3A_45 : i32 to index
        %swap3A_1028 = arith.constant 592 : index
        %swap3A_1029 = tpu.vector_load %arg6[%swap3A_1027, %swap3A_1028] {strides = array<i32>} : memref<16x1025xf32, #tpu.memory_space<vmem>>, vector<16xf32>,
        tpu.vector_store %arg6[%swap3A_1027, %swap3A_1028], %add3A_1026 {strides = array<i32>} : memref<16x1025xf32, #tpu.memory_space<vmem>>, vector<16xf32>,
        %add3A_1030 = arith.addf %sub3A_1025, %rev3A_1024 : vector<16xf32>
        %add3A_1031 = arith.addf %add3A_1005, %add3A_1030 : vector<16xf32>
        %get3A_1032 = arith.index_cast %scan3A_45 : i32 to index
        %get3A_1033 = arith.constant 608 : index
        %get3A_1034 = tpu.vector_load %arg4[%get3A_1032, %get3A_1033] {strides = array<i32>} : memref<16x1024xf32, #tpu.memory_space<vmem>>, vector<16xf32>,
        %broadcast_in_dim3A_1035 = arith.constant true
        %broadcast_in_dim3A_1036 = vector.broadcast %broadcast_in_dim3A_1035 : i1 to vector<16xi1>
        %masked_cumsum3A_1037 = tpu.scan <sum>, %get3A_1034 masked %broadcast_in_dim3A_1036 : vector<16xf32>, vector<16xi1> -> vector<16xf32>
        %rev3A_1038 = arith.constant 15 : i32
        %rev3A_1039 = vector.broadcast %rev3A_1038 : i32 to vector<16xi32>
        %rev3A_1040 = tpu.iota {dimensions = array<i32: 0>} : vector<16xi32>
        %rev3A_1041 = arith.subi %rev3A_1039, %rev3A_1040 : vector<16xi32>
        %rev3A_1042 = tpu.dynamic_gather %get3A_1034[%rev3A_1041] in [0] : vector<16xf32>, vector<16xi32> -> vector<16xf32>
        %broadcast_in_dim3A_1043 = arith.constant true
        %broadcast_in_dim3A_1044 = vector.broadcast %broadcast_in_dim3A_1043 : i1 to vector<16xi1>
        %masked_cumsum3A_1045 = tpu.scan <sum>, %rev3A_1042 masked %broadcast_in_dim3A_1044 : vector<16xf32>, vector<16xi1> -> vector<16xf32>
        %rev3A_1046 = arith.constant 15 : i32
        %rev3A_1047 = vector.broadcast %rev3A_1046 : i32 to vector<16xi32>
        %rev3A_1048 = tpu.iota {dimensions = array<i32: 0>} : vector<16xi32>
        %rev3A_1049 = arith.subi %rev3A_1047, %rev3A_1048 : vector<16xi32>
        %rev3A_1050 = tpu.dynamic_gather %masked_cumsum3A_1045[%rev3A_1049] in [0] : vector<16xf32>, vector<16xi32> -> vector<16xf32>
        %sub3A_1051 = arith.subf %masked_cumsum3A_1037, %get3A_1034 : vector<16xf32>
        %add3A_1052 = arith.addf %sub3A_1051, %add3A_1031 : vector<16xf32>
        %swap3A_1053 = arith.index_cast %scan3A_45 : i32 to index
        %swap3A_1054 = arith.constant 608 : index
        %swap3A_1055 = tpu.vector_load %arg6[%swap3A_1053, %swap3A_1054] {strides = array<i32>} : memref<16x1025xf32, #tpu.memory_space<vmem>>, vector<16xf32>,
        tpu.vector_store %arg6[%swap3A_1053, %swap3A_1054], %add3A_1052 {strides = array<i32>} : memref<16x1025xf32, #tpu.memory_space<vmem>>, vector<16xf32>,
        %add3A_1056 = arith.addf %sub3A_1051, %rev3A_1050 : vector<16xf32>
        %add3A_1057 = arith.addf %add3A_1031, %add3A_1056 : vector<16xf32>
        %get3A_1058 = arith.index_cast %scan3A_45 : i32 to index
        %get3A_1059 = arith.constant 624 : index
        %get3A_1060 = tpu.vector_load %arg4[%get3A_1058, %get3A_1059] {strides = array<i32>} : memref<16x1024xf32, #tpu.memory_space<vmem>>, vector<16xf32>,
        %broadcast_in_dim3A_1061 = arith.constant true
        %broadcast_in_dim3A_1062 = vector.broadcast %broadcast_in_dim3A_1061 : i1 to vector<16xi1>
        %masked_cumsum3A_1063 = tpu.scan <sum>, %get3A_1060 masked %broadcast_in_dim3A_1062 : vector<16xf32>, vector<16xi1> -> vector<16xf32>
        %rev3A_1064 = arith.constant 15 : i32
        %rev3A_1065 = vector.broadcast %rev3A_1064 : i32 to vector<16xi32>
        %rev3A_1066 = tpu.iota {dimensions = array<i32: 0>} : vector<16xi32>
        %rev3A_1067 = arith.subi %rev3A_1065, %rev3A_1066 : vector<16xi32>
        %rev3A_1068 = tpu.dynamic_gather %get3A_1060[%rev3A_1067] in [0] : vector<16xf32>, vector<16xi32> -> vector<16xf32>
        %broadcast_in_dim3A_1069 = arith.constant true
        %broadcast_in_dim3A_1070 = vector.broadcast %broadcast_in_dim3A_1069 : i1 to vector<16xi1>
        %masked_cumsum3A_1071 = tpu.scan <sum>, %rev3A_1068 masked %broadcast_in_dim3A_1070 : vector<16xf32>, vector<16xi1> -> vector<16xf32>
        %rev3A_1072 = arith.constant 15 : i32
        %rev3A_1073 = vector.broadcast %rev3A_1072 : i32 to vector<16xi32>
        %rev3A_1074 = tpu.iota {dimensions = array<i32: 0>} : vector<16xi32>
        %rev3A_1075 = arith.subi %rev3A_1073, %rev3A_1074 : vector<16xi32>
        %rev3A_1076 = tpu.dynamic_gather %masked_cumsum3A_1071[%rev3A_1075] in [0] : vector<16xf32>, vector<16xi32> -> vector<16xf32>
        %sub3A_1077 = arith.subf %masked_cumsum3A_1063, %get3A_1060 : vector<16xf32>
        %add3A_1078 = arith.addf %sub3A_1077, %add3A_1057 : vector<16xf32>
        %swap3A_1079 = arith.index_cast %scan3A_45 : i32 to index
        %swap3A_1080 = arith.constant 624 : index
        %swap3A_1081 = tpu.vector_load %arg6[%swap3A_1079, %swap3A_1080] {strides = array<i32>} : memref<16x1025xf32, #tpu.memory_space<vmem>>, vector<16xf32>,
        tpu.vector_store %arg6[%swap3A_1079, %swap3A_1080], %add3A_1078 {strides = array<i32>} : memref<16x1025xf32, #tpu.memory_space<vmem>>, vector<16xf32>,
        %add3A_1082 = arith.addf %sub3A_1077, %rev3A_1076 : vector<16xf32>
        %add3A_1083 = arith.addf %add3A_1057, %add3A_1082 : vector<16xf32>
        %get3A_1084 = arith.index_cast %scan3A_45 : i32 to index
        %get3A_1085 = arith.constant 640 : index
        %get3A_1086 = tpu.vector_load %arg4[%get3A_1084, %get3A_1085] {strides = array<i32>} : memref<16x1024xf32, #tpu.memory_space<vmem>>, vector<16xf32>,
        %broadcast_in_dim3A_1087 = arith.constant true
        %broadcast_in_dim3A_1088 = vector.broadcast %broadcast_in_dim3A_1087 : i1 to vector<16xi1>
        %masked_cumsum3A_1089 = tpu.scan <sum>, %get3A_1086 masked %broadcast_in_dim3A_1088 : vector<16xf32>, vector<16xi1> -> vector<16xf32>
        %rev3A_1090 = arith.constant 15 : i32
        %rev3A_1091 = vector.broadcast %rev3A_1090 : i32 to vector<16xi32>
        %rev3A_1092 = tpu.iota {dimensions = array<i32: 0>} : vector<16xi32>
        %rev3A_1093 = arith.subi %rev3A_1091, %rev3A_1092 : vector<16xi32>
        %rev3A_1094 = tpu.dynamic_gather %get3A_1086[%rev3A_1093] in [0] : vector<16xf32>, vector<16xi32> -> vector<16xf32>
        %broadcast_in_dim3A_1095 = arith.constant true
        %broadcast_in_dim3A_1096 = vector.broadcast %broadcast_in_dim3A_1095 : i1 to vector<16xi1>
        %masked_cumsum3A_1097 = tpu.scan <sum>, %rev3A_1094 masked %broadcast_in_dim3A_1096 : vector<16xf32>, vector<16xi1> -> vector<16xf32>
        %rev3A_1098 = arith.constant 15 : i32
        %rev3A_1099 = vector.broadcast %rev3A_1098 : i32 to vector<16xi32>
        %rev3A_1100 = tpu.iota {dimensions = array<i32: 0>} : vector<16xi32>
        %rev3A_1101 = arith.subi %rev3A_1099, %rev3A_1100 : vector<16xi32>
        %rev3A_1102 = tpu.dynamic_gather %masked_cumsum3A_1097[%rev3A_1101] in [0] : vector<16xf32>, vector<16xi32> -> vector<16xf32>
        %sub3A_1103 = arith.subf %masked_cumsum3A_1089, %get3A_1086 : vector<16xf32>
        %add3A_1104 = arith.addf %sub3A_1103, %add3A_1083 : vector<16xf32>
        %swap3A_1105 = arith.index_cast %scan3A_45 : i32 to index
        %swap3A_1106 = arith.constant 640 : index
        %swap3A_1107 = tpu.vector_load %arg6[%swap3A_1105, %swap3A_1106] {strides = array<i32>} : memref<16x1025xf32, #tpu.memory_space<vmem>>, vector<16xf32>,
        tpu.vector_store %arg6[%swap3A_1105, %swap3A_1106], %add3A_1104 {strides = array<i32>} : memref<16x1025xf32, #tpu.memory_space<vmem>>, vector<16xf32>,
        %add3A_1108 = arith.addf %sub3A_1103, %rev3A_1102 : vector<16xf32>
        %add3A_1109 = arith.addf %add3A_1083, %add3A_1108 : vector<16xf32>
        %get3A_1110 = arith.index_cast %scan3A_45 : i32 to index
        %get3A_1111 = arith.constant 656 : index
        %get3A_1112 = tpu.vector_load %arg4[%get3A_1110, %get3A_1111] {strides = array<i32>} : memref<16x1024xf32, #tpu.memory_space<vmem>>, vector<16xf32>,
        %broadcast_in_dim3A_1113 = arith.constant true
        %broadcast_in_dim3A_1114 = vector.broadcast %broadcast_in_dim3A_1113 : i1 to vector<16xi1>
        %masked_cumsum3A_1115 = tpu.scan <sum>, %get3A_1112 masked %broadcast_in_dim3A_1114 : vector<16xf32>, vector<16xi1> -> vector<16xf32>
        %rev3A_1116 = arith.constant 15 : i32
        %rev3A_1117 = vector.broadcast %rev3A_1116 : i32 to vector<16xi32>
        %rev3A_1118 = tpu.iota {dimensions = array<i32: 0>} : vector<16xi32>
        %rev3A_1119 = arith.subi %rev3A_1117, %rev3A_1118 : vector<16xi32>
        %rev3A_1120 = tpu.dynamic_gather %get3A_1112[%rev3A_1119] in [0] : vector<16xf32>, vector<16xi32> -> vector<16xf32>
        %broadcast_in_dim3A_1121 = arith.constant true
        %broadcast_in_dim3A_1122 = vector.broadcast %broadcast_in_dim3A_1121 : i1 to vector<16xi1>
        %masked_cumsum3A_1123 = tpu.scan <sum>, %rev3A_1120 masked %broadcast_in_dim3A_1122 : vector<16xf32>, vector<16xi1> -> vector<16xf32>
        %rev3A_1124 = arith.constant 15 : i32
        %rev3A_1125 = vector.broadcast %rev3A_1124 : i32 to vector<16xi32>
        %rev3A_1126 = tpu.iota {dimensions = array<i32: 0>} : vector<16xi32>
        %rev3A_1127 = arith.subi %rev3A_1125, %rev3A_1126 : vector<16xi32>
        %rev3A_1128 = tpu.dynamic_gather %masked_cumsum3A_1123[%rev3A_1127] in [0] : vector<16xf32>, vector<16xi32> -> vector<16xf32>
        %sub3A_1129 = arith.subf %masked_cumsum3A_1115, %get3A_1112 : vector<16xf32>
        %add3A_1130 = arith.addf %sub3A_1129, %add3A_1109 : vector<16xf32>
        %swap3A_1131 = arith.index_cast %scan3A_45 : i32 to index
        %swap3A_1132 = arith.constant 656 : index
        %swap3A_1133 = tpu.vector_load %arg6[%swap3A_1131, %swap3A_1132] {strides = array<i32>} : memref<16x1025xf32, #tpu.memory_space<vmem>>, vector<16xf32>,
        tpu.vector_store %arg6[%swap3A_1131, %swap3A_1132], %add3A_1130 {strides = array<i32>} : memref<16x1025xf32, #tpu.memory_space<vmem>>, vector<16xf32>,
        %add3A_1134 = arith.addf %sub3A_1129, %rev3A_1128 : vector<16xf32>
        %add3A_1135 = arith.addf %add3A_1109, %add3A_1134 : vector<16xf32>
        %get3A_1136 = arith.index_cast %scan3A_45 : i32 to index
        %get3A_1137 = arith.constant 672 : index
        %get3A_1138 = tpu.vector_load %arg4[%get3A_1136, %get3A_1137] {strides = array<i32>} : memref<16x1024xf32, #tpu.memory_space<vmem>>, vector<16xf32>,
        %broadcast_in_dim3A_1139 = arith.constant true
        %broadcast_in_dim3A_1140 = vector.broadcast %broadcast_in_dim3A_1139 : i1 to vector<16xi1>
        %masked_cumsum3A_1141 = tpu.scan <sum>, %get3A_1138 masked %broadcast_in_dim3A_1140 : vector<16xf32>, vector<16xi1> -> vector<16xf32>
        %rev3A_1142 = arith.constant 15 : i32
        %rev3A_1143 = vector.broadcast %rev3A_1142 : i32 to vector<16xi32>
        %rev3A_1144 = tpu.iota {dimensions = array<i32: 0>} : vector<16xi32>
        %rev3A_1145 = arith.subi %rev3A_1143, %rev3A_1144 : vector<16xi32>
        %rev3A_1146 = tpu.dynamic_gather %get3A_1138[%rev3A_1145] in [0] : vector<16xf32>, vector<16xi32> -> vector<16xf32>
        %broadcast_in_dim3A_1147 = arith.constant true
        %broadcast_in_dim3A_1148 = vector.broadcast %broadcast_in_dim3A_1147 : i1 to vector<16xi1>
        %masked_cumsum3A_1149 = tpu.scan <sum>, %rev3A_1146 masked %broadcast_in_dim3A_1148 : vector<16xf32>, vector<16xi1> -> vector<16xf32>
        %rev3A_1150 = arith.constant 15 : i32
        %rev3A_1151 = vector.broadcast %rev3A_1150 : i32 to vector<16xi32>
        %rev3A_1152 = tpu.iota {dimensions = array<i32: 0>} : vector<16xi32>
        %rev3A_1153 = arith.subi %rev3A_1151, %rev3A_1152 : vector<16xi32>
        %rev3A_1154 = tpu.dynamic_gather %masked_cumsum3A_1149[%rev3A_1153] in [0] : vector<16xf32>, vector<16xi32> -> vector<16xf32>
        %sub3A_1155 = arith.subf %masked_cumsum3A_1141, %get3A_1138 : vector<16xf32>
        %add3A_1156 = arith.addf %sub3A_1155, %add3A_1135 : vector<16xf32>
        %swap3A_1157 = arith.index_cast %scan3A_45 : i32 to index
        %swap3A_1158 = arith.constant 672 : index
        %swap3A_1159 = tpu.vector_load %arg6[%swap3A_1157, %swap3A_1158] {strides = array<i32>} : memref<16x1025xf32, #tpu.memory_space<vmem>>, vector<16xf32>,
        tpu.vector_store %arg6[%swap3A_1157, %swap3A_1158], %add3A_1156 {strides = array<i32>} : memref<16x1025xf32, #tpu.memory_space<vmem>>, vector<16xf32>,
        %add3A_1160 = arith.addf %sub3A_1155, %rev3A_1154 : vector<16xf32>
        %add3A_1161 = arith.addf %add3A_1135, %add3A_1160 : vector<16xf32>
        %get3A_1162 = arith.index_cast %scan3A_45 : i32 to index
        %get3A_1163 = arith.constant 688 : index
        %get3A_1164 = tpu.vector_load %arg4[%get3A_1162, %get3A_1163] {strides = array<i32>} : memref<16x1024xf32, #tpu.memory_space<vmem>>, vector<16xf32>,
        %broadcast_in_dim3A_1165 = arith.constant true
        %broadcast_in_dim3A_1166 = vector.broadcast %broadcast_in_dim3A_1165 : i1 to vector<16xi1>
        %masked_cumsum3A_1167 = tpu.scan <sum>, %get3A_1164 masked %broadcast_in_dim3A_1166 : vector<16xf32>, vector<16xi1> -> vector<16xf32>
        %rev3A_1168 = arith.constant 15 : i32
        %rev3A_1169 = vector.broadcast %rev3A_1168 : i32 to vector<16xi32>
        %rev3A_1170 = tpu.iota {dimensions = array<i32: 0>} : vector<16xi32>
        %rev3A_1171 = arith.subi %rev3A_1169, %rev3A_1170 : vector<16xi32>
        %rev3A_1172 = tpu.dynamic_gather %get3A_1164[%rev3A_1171] in [0] : vector<16xf32>, vector<16xi32> -> vector<16xf32>
        %broadcast_in_dim3A_1173 = arith.constant true
        %broadcast_in_dim3A_1174 = vector.broadcast %broadcast_in_dim3A_1173 : i1 to vector<16xi1>
        %masked_cumsum3A_1175 = tpu.scan <sum>, %rev3A_1172 masked %broadcast_in_dim3A_1174 : vector<16xf32>, vector<16xi1> -> vector<16xf32>
        %rev3A_1176 = arith.constant 15 : i32
        %rev3A_1177 = vector.broadcast %rev3A_1176 : i32 to vector<16xi32>
        %rev3A_1178 = tpu.iota {dimensions = array<i32: 0>} : vector<16xi32>
        %rev3A_1179 = arith.subi %rev3A_1177, %rev3A_1178 : vector<16xi32>
        %rev3A_1180 = tpu.dynamic_gather %masked_cumsum3A_1175[%rev3A_1179] in [0] : vector<16xf32>, vector<16xi32> -> vector<16xf32>
        %sub3A_1181 = arith.subf %masked_cumsum3A_1167, %get3A_1164 : vector<16xf32>
        %add3A_1182 = arith.addf %sub3A_1181, %add3A_1161 : vector<16xf32>
        %swap3A_1183 = arith.index_cast %scan3A_45 : i32 to index
        %swap3A_1184 = arith.constant 688 : index
        %swap3A_1185 = tpu.vector_load %arg6[%swap3A_1183, %swap3A_1184] {strides = array<i32>} : memref<16x1025xf32, #tpu.memory_space<vmem>>, vector<16xf32>,
        tpu.vector_store %arg6[%swap3A_1183, %swap3A_1184], %add3A_1182 {strides = array<i32>} : memref<16x1025xf32, #tpu.memory_space<vmem>>, vector<16xf32>,
        %add3A_1186 = arith.addf %sub3A_1181, %rev3A_1180 : vector<16xf32>
        %add3A_1187 = arith.addf %add3A_1161, %add3A_1186 : vector<16xf32>
        %get3A_1188 = arith.index_cast %scan3A_45 : i32 to index
        %get3A_1189 = arith.constant 704 : index
        %get3A_1190 = tpu.vector_load %arg4[%get3A_1188, %get3A_1189] {strides = array<i32>} : memref<16x1024xf32, #tpu.memory_space<vmem>>, vector<16xf32>,
        %broadcast_in_dim3A_1191 = arith.constant true
        %broadcast_in_dim3A_1192 = vector.broadcast %broadcast_in_dim3A_1191 : i1 to vector<16xi1>
        %masked_cumsum3A_1193 = tpu.scan <sum>, %get3A_1190 masked %broadcast_in_dim3A_1192 : vector<16xf32>, vector<16xi1> -> vector<16xf32>
        %rev3A_1194 = arith.constant 15 : i32
        %rev3A_1195 = vector.broadcast %rev3A_1194 : i32 to vector<16xi32>
        %rev3A_1196 = tpu.iota {dimensions = array<i32: 0>} : vector<16xi32>
        %rev3A_1197 = arith.subi %rev3A_1195, %rev3A_1196 : vector<16xi32>
        %rev3A_1198 = tpu.dynamic_gather %get3A_1190[%rev3A_1197] in [0] : vector<16xf32>, vector<16xi32> -> vector<16xf32>
        %broadcast_in_dim3A_1199 = arith.constant true
        %broadcast_in_dim3A_1200 = vector.broadcast %broadcast_in_dim3A_1199 : i1 to vector<16xi1>
        %masked_cumsum3A_1201 = tpu.scan <sum>, %rev3A_1198 masked %broadcast_in_dim3A_1200 : vector<16xf32>, vector<16xi1> -> vector<16xf32>
        %rev3A_1202 = arith.constant 15 : i32
        %rev3A_1203 = vector.broadcast %rev3A_1202 : i32 to vector<16xi32>
        %rev3A_1204 = tpu.iota {dimensions = array<i32: 0>} : vector<16xi32>
        %rev3A_1205 = arith.subi %rev3A_1203, %rev3A_1204 : vector<16xi32>
        %rev3A_1206 = tpu.dynamic_gather %masked_cumsum3A_1201[%rev3A_1205] in [0] : vector<16xf32>, vector<16xi32> -> vector<16xf32>
        %sub3A_1207 = arith.subf %masked_cumsum3A_1193, %get3A_1190 : vector<16xf32>
        %add3A_1208 = arith.addf %sub3A_1207, %add3A_1187 : vector<16xf32>
        %swap3A_1209 = arith.index_cast %scan3A_45 : i32 to index
        %swap3A_1210 = arith.constant 704 : index
        %swap3A_1211 = tpu.vector_load %arg6[%swap3A_1209, %swap3A_1210] {strides = array<i32>} : memref<16x1025xf32, #tpu.memory_space<vmem>>, vector<16xf32>,
        tpu.vector_store %arg6[%swap3A_1209, %swap3A_1210], %add3A_1208 {strides = array<i32>} : memref<16x1025xf32, #tpu.memory_space<vmem>>, vector<16xf32>,
        %add3A_1212 = arith.addf %sub3A_1207, %rev3A_1206 : vector<16xf32>
        %add3A_1213 = arith.addf %add3A_1187, %add3A_1212 : vector<16xf32>
        %get3A_1214 = arith.index_cast %scan3A_45 : i32 to index
        %get3A_1215 = arith.constant 720 : index
        %get3A_1216 = tpu.vector_load %arg4[%get3A_1214, %get3A_1215] {strides = array<i32>} : memref<16x1024xf32, #tpu.memory_space<vmem>>, vector<16xf32>,
        %broadcast_in_dim3A_1217 = arith.constant true
        %broadcast_in_dim3A_1218 = vector.broadcast %broadcast_in_dim3A_1217 : i1 to vector<16xi1>
        %masked_cumsum3A_1219 = tpu.scan <sum>, %get3A_1216 masked %broadcast_in_dim3A_1218 : vector<16xf32>, vector<16xi1> -> vector<16xf32>
        %rev3A_1220 = arith.constant 15 : i32
        %rev3A_1221 = vector.broadcast %rev3A_1220 : i32 to vector<16xi32>
        %rev3A_1222 = tpu.iota {dimensions = array<i32: 0>} : vector<16xi32>
        %rev3A_1223 = arith.subi %rev3A_1221, %rev3A_1222 : vector<16xi32>
        %rev3A_1224 = tpu.dynamic_gather %get3A_1216[%rev3A_1223] in [0] : vector<16xf32>, vector<16xi32> -> vector<16xf32>
        %broadcast_in_dim3A_1225 = arith.constant true
        %broadcast_in_dim3A_1226 = vector.broadcast %broadcast_in_dim3A_1225 : i1 to vector<16xi1>
        %masked_cumsum3A_1227 = tpu.scan <sum>, %rev3A_1224 masked %broadcast_in_dim3A_1226 : vector<16xf32>, vector<16xi1> -> vector<16xf32>
        %rev3A_1228 = arith.constant 15 : i32
        %rev3A_1229 = vector.broadcast %rev3A_1228 : i32 to vector<16xi32>
        %rev3A_1230 = tpu.iota {dimensions = array<i32: 0>} : vector<16xi32>
        %rev3A_1231 = arith.subi %rev3A_1229, %rev3A_1230 : vector<16xi32>
        %rev3A_1232 = tpu.dynamic_gather %masked_cumsum3A_1227[%rev3A_1231] in [0] : vector<16xf32>, vector<16xi32> -> vector<16xf32>
        %sub3A_1233 = arith.subf %masked_cumsum3A_1219, %get3A_1216 : vector<16xf32>
        %add3A_1234 = arith.addf %sub3A_1233, %add3A_1213 : vector<16xf32>
        %swap3A_1235 = arith.index_cast %scan3A_45 : i32 to index
        %swap3A_1236 = arith.constant 720 : index
        %swap3A_1237 = tpu.vector_load %arg6[%swap3A_1235, %swap3A_1236] {strides = array<i32>} : memref<16x1025xf32, #tpu.memory_space<vmem>>, vector<16xf32>,
        tpu.vector_store %arg6[%swap3A_1235, %swap3A_1236], %add3A_1234 {strides = array<i32>} : memref<16x1025xf32, #tpu.memory_space<vmem>>, vector<16xf32>,
        %add3A_1238 = arith.addf %sub3A_1233, %rev3A_1232 : vector<16xf32>
        %add3A_1239 = arith.addf %add3A_1213, %add3A_1238 : vector<16xf32>
        %get3A_1240 = arith.index_cast %scan3A_45 : i32 to index
        %get3A_1241 = arith.constant 736 : index
        %get3A_1242 = tpu.vector_load %arg4[%get3A_1240, %get3A_1241] {strides = array<i32>} : memref<16x1024xf32, #tpu.memory_space<vmem>>, vector<16xf32>,
        %broadcast_in_dim3A_1243 = arith.constant true
        %broadcast_in_dim3A_1244 = vector.broadcast %broadcast_in_dim3A_1243 : i1 to vector<16xi1>
        %masked_cumsum3A_1245 = tpu.scan <sum>, %get3A_1242 masked %broadcast_in_dim3A_1244 : vector<16xf32>, vector<16xi1> -> vector<16xf32>
        %rev3A_1246 = arith.constant 15 : i32
        %rev3A_1247 = vector.broadcast %rev3A_1246 : i32 to vector<16xi32>
        %rev3A_1248 = tpu.iota {dimensions = array<i32: 0>} : vector<16xi32>
        %rev3A_1249 = arith.subi %rev3A_1247, %rev3A_1248 : vector<16xi32>
        %rev3A_1250 = tpu.dynamic_gather %get3A_1242[%rev3A_1249] in [0] : vector<16xf32>, vector<16xi32> -> vector<16xf32>
        %broadcast_in_dim3A_1251 = arith.constant true
        %broadcast_in_dim3A_1252 = vector.broadcast %broadcast_in_dim3A_1251 : i1 to vector<16xi1>
        %masked_cumsum3A_1253 = tpu.scan <sum>, %rev3A_1250 masked %broadcast_in_dim3A_1252 : vector<16xf32>, vector<16xi1> -> vector<16xf32>
        %rev3A_1254 = arith.constant 15 : i32
        %rev3A_1255 = vector.broadcast %rev3A_1254 : i32 to vector<16xi32>
        %rev3A_1256 = tpu.iota {dimensions = array<i32: 0>} : vector<16xi32>
        %rev3A_1257 = arith.subi %rev3A_1255, %rev3A_1256 : vector<16xi32>
        %rev3A_1258 = tpu.dynamic_gather %masked_cumsum3A_1253[%rev3A_1257] in [0] : vector<16xf32>, vector<16xi32> -> vector<16xf32>
        %sub3A_1259 = arith.subf %masked_cumsum3A_1245, %get3A_1242 : vector<16xf32>
        %add3A_1260 = arith.addf %sub3A_1259, %add3A_1239 : vector<16xf32>
        %swap3A_1261 = arith.index_cast %scan3A_45 : i32 to index
        %swap3A_1262 = arith.constant 736 : index
        %swap3A_1263 = tpu.vector_load %arg6[%swap3A_1261, %swap3A_1262] {strides = array<i32>} : memref<16x1025xf32, #tpu.memory_space<vmem>>, vector<16xf32>,
        tpu.vector_store %arg6[%swap3A_1261, %swap3A_1262], %add3A_1260 {strides = array<i32>} : memref<16x1025xf32, #tpu.memory_space<vmem>>, vector<16xf32>,
        %add3A_1264 = arith.addf %sub3A_1259, %rev3A_1258 : vector<16xf32>
        %add3A_1265 = arith.addf %add3A_1239, %add3A_1264 : vector<16xf32>
        %get3A_1266 = arith.index_cast %scan3A_45 : i32 to index
        %get3A_1267 = arith.constant 752 : index
        %get3A_1268 = tpu.vector_load %arg4[%get3A_1266, %get3A_1267] {strides = array<i32>} : memref<16x1024xf32, #tpu.memory_space<vmem>>, vector<16xf32>,
        %broadcast_in_dim3A_1269 = arith.constant true
        %broadcast_in_dim3A_1270 = vector.broadcast %broadcast_in_dim3A_1269 : i1 to vector<16xi1>
        %masked_cumsum3A_1271 = tpu.scan <sum>, %get3A_1268 masked %broadcast_in_dim3A_1270 : vector<16xf32>, vector<16xi1> -> vector<16xf32>
        %rev3A_1272 = arith.constant 15 : i32
        %rev3A_1273 = vector.broadcast %rev3A_1272 : i32 to vector<16xi32>
        %rev3A_1274 = tpu.iota {dimensions = array<i32: 0>} : vector<16xi32>
        %rev3A_1275 = arith.subi %rev3A_1273, %rev3A_1274 : vector<16xi32>
        %rev3A_1276 = tpu.dynamic_gather %get3A_1268[%rev3A_1275] in [0] : vector<16xf32>, vector<16xi32> -> vector<16xf32>
        %broadcast_in_dim3A_1277 = arith.constant true
        %broadcast_in_dim3A_1278 = vector.broadcast %broadcast_in_dim3A_1277 : i1 to vector<16xi1>
        %masked_cumsum3A_1279 = tpu.scan <sum>, %rev3A_1276 masked %broadcast_in_dim3A_1278 : vector<16xf32>, vector<16xi1> -> vector<16xf32>
        %rev3A_1280 = arith.constant 15 : i32
        %rev3A_1281 = vector.broadcast %rev3A_1280 : i32 to vector<16xi32>
        %rev3A_1282 = tpu.iota {dimensions = array<i32: 0>} : vector<16xi32>
        %rev3A_1283 = arith.subi %rev3A_1281, %rev3A_1282 : vector<16xi32>
        %rev3A_1284 = tpu.dynamic_gather %masked_cumsum3A_1279[%rev3A_1283] in [0] : vector<16xf32>, vector<16xi32> -> vector<16xf32>
        %sub3A_1285 = arith.subf %masked_cumsum3A_1271, %get3A_1268 : vector<16xf32>
        %add3A_1286 = arith.addf %sub3A_1285, %add3A_1265 : vector<16xf32>
        %swap3A_1287 = arith.index_cast %scan3A_45 : i32 to index
        %swap3A_1288 = arith.constant 752 : index
        %swap3A_1289 = tpu.vector_load %arg6[%swap3A_1287, %swap3A_1288] {strides = array<i32>} : memref<16x1025xf32, #tpu.memory_space<vmem>>, vector<16xf32>,
        tpu.vector_store %arg6[%swap3A_1287, %swap3A_1288], %add3A_1286 {strides = array<i32>} : memref<16x1025xf32, #tpu.memory_space<vmem>>, vector<16xf32>,
        %add3A_1290 = arith.addf %sub3A_1285, %rev3A_1284 : vector<16xf32>
        %add3A_1291 = arith.addf %add3A_1265, %add3A_1290 : vector<16xf32>
        %get3A_1292 = arith.index_cast %scan3A_45 : i32 to index
        %get3A_1293 = arith.constant 768 : index
        %get3A_1294 = tpu.vector_load %arg4[%get3A_1292, %get3A_1293] {strides = array<i32>} : memref<16x1024xf32, #tpu.memory_space<vmem>>, vector<16xf32>,
        %broadcast_in_dim3A_1295 = arith.constant true
        %broadcast_in_dim3A_1296 = vector.broadcast %broadcast_in_dim3A_1295 : i1 to vector<16xi1>
        %masked_cumsum3A_1297 = tpu.scan <sum>, %get3A_1294 masked %broadcast_in_dim3A_1296 : vector<16xf32>, vector<16xi1> -> vector<16xf32>
        %rev3A_1298 = arith.constant 15 : i32
        %rev3A_1299 = vector.broadcast %rev3A_1298 : i32 to vector<16xi32>
        %rev3A_1300 = tpu.iota {dimensions = array<i32: 0>} : vector<16xi32>
        %rev3A_1301 = arith.subi %rev3A_1299, %rev3A_1300 : vector<16xi32>
        %rev3A_1302 = tpu.dynamic_gather %get3A_1294[%rev3A_1301] in [0] : vector<16xf32>, vector<16xi32> -> vector<16xf32>
        %broadcast_in_dim3A_1303 = arith.constant true
        %broadcast_in_dim3A_1304 = vector.broadcast %broadcast_in_dim3A_1303 : i1 to vector<16xi1>
        %masked_cumsum3A_1305 = tpu.scan <sum>, %rev3A_1302 masked %broadcast_in_dim3A_1304 : vector<16xf32>, vector<16xi1> -> vector<16xf32>
        %rev3A_1306 = arith.constant 15 : i32
        %rev3A_1307 = vector.broadcast %rev3A_1306 : i32 to vector<16xi32>
        %rev3A_1308 = tpu.iota {dimensions = array<i32: 0>} : vector<16xi32>
        %rev3A_1309 = arith.subi %rev3A_1307, %rev3A_1308 : vector<16xi32>
        %rev3A_1310 = tpu.dynamic_gather %masked_cumsum3A_1305[%rev3A_1309] in [0] : vector<16xf32>, vector<16xi32> -> vector<16xf32>
        %sub3A_1311 = arith.subf %masked_cumsum3A_1297, %get3A_1294 : vector<16xf32>
        %add3A_1312 = arith.addf %sub3A_1311, %add3A_1291 : vector<16xf32>
        %swap3A_1313 = arith.index_cast %scan3A_45 : i32 to index
        %swap3A_1314 = arith.constant 768 : index
        %swap3A_1315 = tpu.vector_load %arg6[%swap3A_1313, %swap3A_1314] {strides = array<i32>} : memref<16x1025xf32, #tpu.memory_space<vmem>>, vector<16xf32>,
        tpu.vector_store %arg6[%swap3A_1313, %swap3A_1314], %add3A_1312 {strides = array<i32>} : memref<16x1025xf32, #tpu.memory_space<vmem>>, vector<16xf32>,
        %add3A_1316 = arith.addf %sub3A_1311, %rev3A_1310 : vector<16xf32>
        %add3A_1317 = arith.addf %add3A_1291, %add3A_1316 : vector<16xf32>
        %get3A_1318 = arith.index_cast %scan3A_45 : i32 to index
        %get3A_1319 = arith.constant 784 : index
        %get3A_1320 = tpu.vector_load %arg4[%get3A_1318, %get3A_1319] {strides = array<i32>} : memref<16x1024xf32, #tpu.memory_space<vmem>>, vector<16xf32>,
        %broadcast_in_dim3A_1321 = arith.constant true
        %broadcast_in_dim3A_1322 = vector.broadcast %broadcast_in_dim3A_1321 : i1 to vector<16xi1>
        %masked_cumsum3A_1323 = tpu.scan <sum>, %get3A_1320 masked %broadcast_in_dim3A_1322 : vector<16xf32>, vector<16xi1> -> vector<16xf32>
        %rev3A_1324 = arith.constant 15 : i32
        %rev3A_1325 = vector.broadcast %rev3A_1324 : i32 to vector<16xi32>
        %rev3A_1326 = tpu.iota {dimensions = array<i32: 0>} : vector<16xi32>
        %rev3A_1327 = arith.subi %rev3A_1325, %rev3A_1326 : vector<16xi32>
        %rev3A_1328 = tpu.dynamic_gather %get3A_1320[%rev3A_1327] in [0] : vector<16xf32>, vector<16xi32> -> vector<16xf32>
        %broadcast_in_dim3A_1329 = arith.constant true
        %broadcast_in_dim3A_1330 = vector.broadcast %broadcast_in_dim3A_1329 : i1 to vector<16xi1>
        %masked_cumsum3A_1331 = tpu.scan <sum>, %rev3A_1328 masked %broadcast_in_dim3A_1330 : vector<16xf32>, vector<16xi1> -> vector<16xf32>
        %rev3A_1332 = arith.constant 15 : i32
        %rev3A_1333 = vector.broadcast %rev3A_1332 : i32 to vector<16xi32>
        %rev3A_1334 = tpu.iota {dimensions = array<i32: 0>} : vector<16xi32>
        %rev3A_1335 = arith.subi %rev3A_1333, %rev3A_1334 : vector<16xi32>
        %rev3A_1336 = tpu.dynamic_gather %masked_cumsum3A_1331[%rev3A_1335] in [0] : vector<16xf32>, vector<16xi32> -> vector<16xf32>
        %sub3A_1337 = arith.subf %masked_cumsum3A_1323, %get3A_1320 : vector<16xf32>
        %add3A_1338 = arith.addf %sub3A_1337, %add3A_1317 : vector<16xf32>
        %swap3A_1339 = arith.index_cast %scan3A_45 : i32 to index
        %swap3A_1340 = arith.constant 784 : index
        %swap3A_1341 = tpu.vector_load %arg6[%swap3A_1339, %swap3A_1340] {strides = array<i32>} : memref<16x1025xf32, #tpu.memory_space<vmem>>, vector<16xf32>,
        tpu.vector_store %arg6[%swap3A_1339, %swap3A_1340], %add3A_1338 {strides = array<i32>} : memref<16x1025xf32, #tpu.memory_space<vmem>>, vector<16xf32>,
        %add3A_1342 = arith.addf %sub3A_1337, %rev3A_1336 : vector<16xf32>
        %add3A_1343 = arith.addf %add3A_1317, %add3A_1342 : vector<16xf32>
        %get3A_1344 = arith.index_cast %scan3A_45 : i32 to index
        %get3A_1345 = arith.constant 800 : index
        %get3A_1346 = tpu.vector_load %arg4[%get3A_1344, %get3A_1345] {strides = array<i32>} : memref<16x1024xf32, #tpu.memory_space<vmem>>, vector<16xf32>,
        %broadcast_in_dim3A_1347 = arith.constant true
        %broadcast_in_dim3A_1348 = vector.broadcast %broadcast_in_dim3A_1347 : i1 to vector<16xi1>
        %masked_cumsum3A_1349 = tpu.scan <sum>, %get3A_1346 masked %broadcast_in_dim3A_1348 : vector<16xf32>, vector<16xi1> -> vector<16xf32>
        %rev3A_1350 = arith.constant 15 : i32
        %rev3A_1351 = vector.broadcast %rev3A_1350 : i32 to vector<16xi32>
        %rev3A_1352 = tpu.iota {dimensions = array<i32: 0>} : vector<16xi32>
        %rev3A_1353 = arith.subi %rev3A_1351, %rev3A_1352 : vector<16xi32>
        %rev3A_1354 = tpu.dynamic_gather %get3A_1346[%rev3A_1353] in [0] : vector<16xf32>, vector<16xi32> -> vector<16xf32>
        %broadcast_in_dim3A_1355 = arith.constant true
        %broadcast_in_dim3A_1356 = vector.broadcast %broadcast_in_dim3A_1355 : i1 to vector<16xi1>
        %masked_cumsum3A_1357 = tpu.scan <sum>, %rev3A_1354 masked %broadcast_in_dim3A_1356 : vector<16xf32>, vector<16xi1> -> vector<16xf32>
        %rev3A_1358 = arith.constant 15 : i32
        %rev3A_1359 = vector.broadcast %rev3A_1358 : i32 to vector<16xi32>
        %rev3A_1360 = tpu.iota {dimensions = array<i32: 0>} : vector<16xi32>
        %rev3A_1361 = arith.subi %rev3A_1359, %rev3A_1360 : vector<16xi32>
        %rev3A_1362 = tpu.dynamic_gather %masked_cumsum3A_1357[%rev3A_1361] in [0] : vector<16xf32>, vector<16xi32> -> vector<16xf32>
        %sub3A_1363 = arith.subf %masked_cumsum3A_1349, %get3A_1346 : vector<16xf32>
        %add3A_1364 = arith.addf %sub3A_1363, %add3A_1343 : vector<16xf32>
        %swap3A_1365 = arith.index_cast %scan3A_45 : i32 to index
        %swap3A_1366 = arith.constant 800 : index
        %swap3A_1367 = tpu.vector_load %arg6[%swap3A_1365, %swap3A_1366] {strides = array<i32>} : memref<16x1025xf32, #tpu.memory_space<vmem>>, vector<16xf32>,
        tpu.vector_store %arg6[%swap3A_1365, %swap3A_1366], %add3A_1364 {strides = array<i32>} : memref<16x1025xf32, #tpu.memory_space<vmem>>, vector<16xf32>,
        %add3A_1368 = arith.addf %sub3A_1363, %rev3A_1362 : vector<16xf32>
        %add3A_1369 = arith.addf %add3A_1343, %add3A_1368 : vector<16xf32>
        %get3A_1370 = arith.index_cast %scan3A_45 : i32 to index
        %get3A_1371 = arith.constant 816 : index
        %get3A_1372 = tpu.vector_load %arg4[%get3A_1370, %get3A_1371] {strides = array<i32>} : memref<16x1024xf32, #tpu.memory_space<vmem>>, vector<16xf32>,
        %broadcast_in_dim3A_1373 = arith.constant true
        %broadcast_in_dim3A_1374 = vector.broadcast %broadcast_in_dim3A_1373 : i1 to vector<16xi1>
        %masked_cumsum3A_1375 = tpu.scan <sum>, %get3A_1372 masked %broadcast_in_dim3A_1374 : vector<16xf32>, vector<16xi1> -> vector<16xf32>
        %rev3A_1376 = arith.constant 15 : i32
        %rev3A_1377 = vector.broadcast %rev3A_1376 : i32 to vector<16xi32>
        %rev3A_1378 = tpu.iota {dimensions = array<i32: 0>} : vector<16xi32>
        %rev3A_1379 = arith.subi %rev3A_1377, %rev3A_1378 : vector<16xi32>
        %rev3A_1380 = tpu.dynamic_gather %get3A_1372[%rev3A_1379] in [0] : vector<16xf32>, vector<16xi32> -> vector<16xf32>
        %broadcast_in_dim3A_1381 = arith.constant true
        %broadcast_in_dim3A_1382 = vector.broadcast %broadcast_in_dim3A_1381 : i1 to vector<16xi1>
        %masked_cumsum3A_1383 = tpu.scan <sum>, %rev3A_1380 masked %broadcast_in_dim3A_1382 : vector<16xf32>, vector<16xi1> -> vector<16xf32>
        %rev3A_1384 = arith.constant 15 : i32
        %rev3A_1385 = vector.broadcast %rev3A_1384 : i32 to vector<16xi32>
        %rev3A_1386 = tpu.iota {dimensions = array<i32: 0>} : vector<16xi32>
        %rev3A_1387 = arith.subi %rev3A_1385, %rev3A_1386 : vector<16xi32>
        %rev3A_1388 = tpu.dynamic_gather %masked_cumsum3A_1383[%rev3A_1387] in [0] : vector<16xf32>, vector<16xi32> -> vector<16xf32>
        %sub3A_1389 = arith.subf %masked_cumsum3A_1375, %get3A_1372 : vector<16xf32>
        %add3A_1390 = arith.addf %sub3A_1389, %add3A_1369 : vector<16xf32>
        %swap3A_1391 = arith.index_cast %scan3A_45 : i32 to index
        %swap3A_1392 = arith.constant 816 : index
        %swap3A_1393 = tpu.vector_load %arg6[%swap3A_1391, %swap3A_1392] {strides = array<i32>} : memref<16x1025xf32, #tpu.memory_space<vmem>>, vector<16xf32>,
        tpu.vector_store %arg6[%swap3A_1391, %swap3A_1392], %add3A_1390 {strides = array<i32>} : memref<16x1025xf32, #tpu.memory_space<vmem>>, vector<16xf32>,
        %add3A_1394 = arith.addf %sub3A_1389, %rev3A_1388 : vector<16xf32>
        %add3A_1395 = arith.addf %add3A_1369, %add3A_1394 : vector<16xf32>
        %get3A_1396 = arith.index_cast %scan3A_45 : i32 to index
        %get3A_1397 = arith.constant 832 : index
        %get3A_1398 = tpu.vector_load %arg4[%get3A_1396, %get3A_1397] {strides = array<i32>} : memref<16x1024xf32, #tpu.memory_space<vmem>>, vector<16xf32>,
        %broadcast_in_dim3A_1399 = arith.constant true
        %broadcast_in_dim3A_1400 = vector.broadcast %broadcast_in_dim3A_1399 : i1 to vector<16xi1>
        %masked_cumsum3A_1401 = tpu.scan <sum>, %get3A_1398 masked %broadcast_in_dim3A_1400 : vector<16xf32>, vector<16xi1> -> vector<16xf32>
        %rev3A_1402 = arith.constant 15 : i32
        %rev3A_1403 = vector.broadcast %rev3A_1402 : i32 to vector<16xi32>
        %rev3A_1404 = tpu.iota {dimensions = array<i32: 0>} : vector<16xi32>
        %rev3A_1405 = arith.subi %rev3A_1403, %rev3A_1404 : vector<16xi32>
        %rev3A_1406 = tpu.dynamic_gather %get3A_1398[%rev3A_1405] in [0] : vector<16xf32>, vector<16xi32> -> vector<16xf32>
        %broadcast_in_dim3A_1407 = arith.constant true
        %broadcast_in_dim3A_1408 = vector.broadcast %broadcast_in_dim3A_1407 : i1 to vector<16xi1>
        %masked_cumsum3A_1409 = tpu.scan <sum>, %rev3A_1406 masked %broadcast_in_dim3A_1408 : vector<16xf32>, vector<16xi1> -> vector<16xf32>
        %rev3A_1410 = arith.constant 15 : i32
        %rev3A_1411 = vector.broadcast %rev3A_1410 : i32 to vector<16xi32>
        %rev3A_1412 = tpu.iota {dimensions = array<i32: 0>} : vector<16xi32>
        %rev3A_1413 = arith.subi %rev3A_1411, %rev3A_1412 : vector<16xi32>
        %rev3A_1414 = tpu.dynamic_gather %masked_cumsum3A_1409[%rev3A_1413] in [0] : vector<16xf32>, vector<16xi32> -> vector<16xf32>
        %sub3A_1415 = arith.subf %masked_cumsum3A_1401, %get3A_1398 : vector<16xf32>
        %add3A_1416 = arith.addf %sub3A_1415, %add3A_1395 : vector<16xf32>
        %swap3A_1417 = arith.index_cast %scan3A_45 : i32 to index
        %swap3A_1418 = arith.constant 832 : index
        %swap3A_1419 = tpu.vector_load %arg6[%swap3A_1417, %swap3A_1418] {strides = array<i32>} : memref<16x1025xf32, #tpu.memory_space<vmem>>, vector<16xf32>,
        tpu.vector_store %arg6[%swap3A_1417, %swap3A_1418], %add3A_1416 {strides = array<i32>} : memref<16x1025xf32, #tpu.memory_space<vmem>>, vector<16xf32>,
        %add3A_1420 = arith.addf %sub3A_1415, %rev3A_1414 : vector<16xf32>
        %add3A_1421 = arith.addf %add3A_1395, %add3A_1420 : vector<16xf32>
        %get3A_1422 = arith.index_cast %scan3A_45 : i32 to index
        %get3A_1423 = arith.constant 848 : index
        %get3A_1424 = tpu.vector_load %arg4[%get3A_1422, %get3A_1423] {strides = array<i32>} : memref<16x1024xf32, #tpu.memory_space<vmem>>, vector<16xf32>,
        %broadcast_in_dim3A_1425 = arith.constant true
        %broadcast_in_dim3A_1426 = vector.broadcast %broadcast_in_dim3A_1425 : i1 to vector<16xi1>
        %masked_cumsum3A_1427 = tpu.scan <sum>, %get3A_1424 masked %broadcast_in_dim3A_1426 : vector<16xf32>, vector<16xi1> -> vector<16xf32>
        %rev3A_1428 = arith.constant 15 : i32
        %rev3A_1429 = vector.broadcast %rev3A_1428 : i32 to vector<16xi32>
        %rev3A_1430 = tpu.iota {dimensions = array<i32: 0>} : vector<16xi32>
        %rev3A_1431 = arith.subi %rev3A_1429, %rev3A_1430 : vector<16xi32>
        %rev3A_1432 = tpu.dynamic_gather %get3A_1424[%rev3A_1431] in [0] : vector<16xf32>, vector<16xi32> -> vector<16xf32>
        %broadcast_in_dim3A_1433 = arith.constant true
        %broadcast_in_dim3A_1434 = vector.broadcast %broadcast_in_dim3A_1433 : i1 to vector<16xi1>
        %masked_cumsum3A_1435 = tpu.scan <sum>, %rev3A_1432 masked %broadcast_in_dim3A_1434 : vector<16xf32>, vector<16xi1> -> vector<16xf32>
        %rev3A_1436 = arith.constant 15 : i32
        %rev3A_1437 = vector.broadcast %rev3A_1436 : i32 to vector<16xi32>
        %rev3A_1438 = tpu.iota {dimensions = array<i32: 0>} : vector<16xi32>
        %rev3A_1439 = arith.subi %rev3A_1437, %rev3A_1438 : vector<16xi32>
        %rev3A_1440 = tpu.dynamic_gather %masked_cumsum3A_1435[%rev3A_1439] in [0] : vector<16xf32>, vector<16xi32> -> vector<16xf32>
        %sub3A_1441 = arith.subf %masked_cumsum3A_1427, %get3A_1424 : vector<16xf32>
        %add3A_1442 = arith.addf %sub3A_1441, %add3A_1421 : vector<16xf32>
        %swap3A_1443 = arith.index_cast %scan3A_45 : i32 to index
        %swap3A_1444 = arith.constant 848 : index
        %swap3A_1445 = tpu.vector_load %arg6[%swap3A_1443, %swap3A_1444] {strides = array<i32>} : memref<16x1025xf32, #tpu.memory_space<vmem>>, vector<16xf32>,
        tpu.vector_store %arg6[%swap3A_1443, %swap3A_1444], %add3A_1442 {strides = array<i32>} : memref<16x1025xf32, #tpu.memory_space<vmem>>, vector<16xf32>,
        %add3A_1446 = arith.addf %sub3A_1441, %rev3A_1440 : vector<16xf32>
        %add3A_1447 = arith.addf %add3A_1421, %add3A_1446 : vector<16xf32>
        %get3A_1448 = arith.index_cast %scan3A_45 : i32 to index
        %get3A_1449 = arith.constant 864 : index
        %get3A_1450 = tpu.vector_load %arg4[%get3A_1448, %get3A_1449] {strides = array<i32>} : memref<16x1024xf32, #tpu.memory_space<vmem>>, vector<16xf32>,
        %broadcast_in_dim3A_1451 = arith.constant true
        %broadcast_in_dim3A_1452 = vector.broadcast %broadcast_in_dim3A_1451 : i1 to vector<16xi1>
        %masked_cumsum3A_1453 = tpu.scan <sum>, %get3A_1450 masked %broadcast_in_dim3A_1452 : vector<16xf32>, vector<16xi1> -> vector<16xf32>
        %rev3A_1454 = arith.constant 15 : i32
        %rev3A_1455 = vector.broadcast %rev3A_1454 : i32 to vector<16xi32>
        %rev3A_1456 = tpu.iota {dimensions = array<i32: 0>} : vector<16xi32>
        %rev3A_1457 = arith.subi %rev3A_1455, %rev3A_1456 : vector<16xi32>
        %rev3A_1458 = tpu.dynamic_gather %get3A_1450[%rev3A_1457] in [0] : vector<16xf32>, vector<16xi32> -> vector<16xf32>
        %broadcast_in_dim3A_1459 = arith.constant true
        %broadcast_in_dim3A_1460 = vector.broadcast %broadcast_in_dim3A_1459 : i1 to vector<16xi1>
        %masked_cumsum3A_1461 = tpu.scan <sum>, %rev3A_1458 masked %broadcast_in_dim3A_1460 : vector<16xf32>, vector<16xi1> -> vector<16xf32>
        %rev3A_1462 = arith.constant 15 : i32
        %rev3A_1463 = vector.broadcast %rev3A_1462 : i32 to vector<16xi32>
        %rev3A_1464 = tpu.iota {dimensions = array<i32: 0>} : vector<16xi32>
        %rev3A_1465 = arith.subi %rev3A_1463, %rev3A_1464 : vector<16xi32>
        %rev3A_1466 = tpu.dynamic_gather %masked_cumsum3A_1461[%rev3A_1465] in [0] : vector<16xf32>, vector<16xi32> -> vector<16xf32>
        %sub3A_1467 = arith.subf %masked_cumsum3A_1453, %get3A_1450 : vector<16xf32>
        %add3A_1468 = arith.addf %sub3A_1467, %add3A_1447 : vector<16xf32>
        %swap3A_1469 = arith.index_cast %scan3A_45 : i32 to index
        %swap3A_1470 = arith.constant 864 : index
        %swap3A_1471 = tpu.vector_load %arg6[%swap3A_1469, %swap3A_1470] {strides = array<i32>} : memref<16x1025xf32, #tpu.memory_space<vmem>>, vector<16xf32>,
        tpu.vector_store %arg6[%swap3A_1469, %swap3A_1470], %add3A_1468 {strides = array<i32>} : memref<16x1025xf32, #tpu.memory_space<vmem>>, vector<16xf32>,
        %add3A_1472 = arith.addf %sub3A_1467, %rev3A_1466 : vector<16xf32>
        %add3A_1473 = arith.addf %add3A_1447, %add3A_1472 : vector<16xf32>
        %get3A_1474 = arith.index_cast %scan3A_45 : i32 to index
        %get3A_1475 = arith.constant 880 : index
        %get3A_1476 = tpu.vector_load %arg4[%get3A_1474, %get3A_1475] {strides = array<i32>} : memref<16x1024xf32, #tpu.memory_space<vmem>>, vector<16xf32>,
        %broadcast_in_dim3A_1477 = arith.constant true
        %broadcast_in_dim3A_1478 = vector.broadcast %broadcast_in_dim3A_1477 : i1 to vector<16xi1>
        %masked_cumsum3A_1479 = tpu.scan <sum>, %get3A_1476 masked %broadcast_in_dim3A_1478 : vector<16xf32>, vector<16xi1> -> vector<16xf32>
        %rev3A_1480 = arith.constant 15 : i32
        %rev3A_1481 = vector.broadcast %rev3A_1480 : i32 to vector<16xi32>
        %rev3A_1482 = tpu.iota {dimensions = array<i32: 0>} : vector<16xi32>
        %rev3A_1483 = arith.subi %rev3A_1481, %rev3A_1482 : vector<16xi32>
        %rev3A_1484 = tpu.dynamic_gather %get3A_1476[%rev3A_1483] in [0] : vector<16xf32>, vector<16xi32> -> vector<16xf32>
        %broadcast_in_dim3A_1485 = arith.constant true
        %broadcast_in_dim3A_1486 = vector.broadcast %broadcast_in_dim3A_1485 : i1 to vector<16xi1>
        %masked_cumsum3A_1487 = tpu.scan <sum>, %rev3A_1484 masked %broadcast_in_dim3A_1486 : vector<16xf32>, vector<16xi1> -> vector<16xf32>
        %rev3A_1488 = arith.constant 15 : i32
        %rev3A_1489 = vector.broadcast %rev3A_1488 : i32 to vector<16xi32>
        %rev3A_1490 = tpu.iota {dimensions = array<i32: 0>} : vector<16xi32>
        %rev3A_1491 = arith.subi %rev3A_1489, %rev3A_1490 : vector<16xi32>
        %rev3A_1492 = tpu.dynamic_gather %masked_cumsum3A_1487[%rev3A_1491] in [0] : vector<16xf32>, vector<16xi32> -> vector<16xf32>
        %sub3A_1493 = arith.subf %masked_cumsum3A_1479, %get3A_1476 : vector<16xf32>
        %add3A_1494 = arith.addf %sub3A_1493, %add3A_1473 : vector<16xf32>
        %swap3A_1495 = arith.index_cast %scan3A_45 : i32 to index
        %swap3A_1496 = arith.constant 880 : index
        %swap3A_1497 = tpu.vector_load %arg6[%swap3A_1495, %swap3A_1496] {strides = array<i32>} : memref<16x1025xf32, #tpu.memory_space<vmem>>, vector<16xf32>,
        tpu.vector_store %arg6[%swap3A_1495, %swap3A_1496], %add3A_1494 {strides = array<i32>} : memref<16x1025xf32, #tpu.memory_space<vmem>>, vector<16xf32>,
        %add3A_1498 = arith.addf %sub3A_1493, %rev3A_1492 : vector<16xf32>
        %add3A_1499 = arith.addf %add3A_1473, %add3A_1498 : vector<16xf32>
        %get3A_1500 = arith.index_cast %scan3A_45 : i32 to index
        %get3A_1501 = arith.constant 896 : index
        %get3A_1502 = tpu.vector_load %arg4[%get3A_1500, %get3A_1501] {strides = array<i32>} : memref<16x1024xf32, #tpu.memory_space<vmem>>, vector<16xf32>,
        %broadcast_in_dim3A_1503 = arith.constant true
        %broadcast_in_dim3A_1504 = vector.broadcast %broadcast_in_dim3A_1503 : i1 to vector<16xi1>
        %masked_cumsum3A_1505 = tpu.scan <sum>, %get3A_1502 masked %broadcast_in_dim3A_1504 : vector<16xf32>, vector<16xi1> -> vector<16xf32>
        %rev3A_1506 = arith.constant 15 : i32
        %rev3A_1507 = vector.broadcast %rev3A_1506 : i32 to vector<16xi32>
        %rev3A_1508 = tpu.iota {dimensions = array<i32: 0>} : vector<16xi32>
        %rev3A_1509 = arith.subi %rev3A_1507, %rev3A_1508 : vector<16xi32>
        %rev3A_1510 = tpu.dynamic_gather %get3A_1502[%rev3A_1509] in [0] : vector<16xf32>, vector<16xi32> -> vector<16xf32>
        %broadcast_in_dim3A_1511 = arith.constant true
        %broadcast_in_dim3A_1512 = vector.broadcast %broadcast_in_dim3A_1511 : i1 to vector<16xi1>
        %masked_cumsum3A_1513 = tpu.scan <sum>, %rev3A_1510 masked %broadcast_in_dim3A_1512 : vector<16xf32>, vector<16xi1> -> vector<16xf32>
        %rev3A_1514 = arith.constant 15 : i32
        %rev3A_1515 = vector.broadcast %rev3A_1514 : i32 to vector<16xi32>
        %rev3A_1516 = tpu.iota {dimensions = array<i32: 0>} : vector<16xi32>
        %rev3A_1517 = arith.subi %rev3A_1515, %rev3A_1516 : vector<16xi32>
        %rev3A_1518 = tpu.dynamic_gather %masked_cumsum3A_1513[%rev3A_1517] in [0] : vector<16xf32>, vector<16xi32> -> vector<16xf32>
        %sub3A_1519 = arith.subf %masked_cumsum3A_1505, %get3A_1502 : vector<16xf32>
        %add3A_1520 = arith.addf %sub3A_1519, %add3A_1499 : vector<16xf32>
        %swap3A_1521 = arith.index_cast %scan3A_45 : i32 to index
        %swap3A_1522 = arith.constant 896 : index
        %swap3A_1523 = tpu.vector_load %arg6[%swap3A_1521, %swap3A_1522] {strides = array<i32>} : memref<16x1025xf32, #tpu.memory_space<vmem>>, vector<16xf32>,
        tpu.vector_store %arg6[%swap3A_1521, %swap3A_1522], %add3A_1520 {strides = array<i32>} : memref<16x1025xf32, #tpu.memory_space<vmem>>, vector<16xf32>,
        %add3A_1524 = arith.addf %sub3A_1519, %rev3A_1518 : vector<16xf32>
        %add3A_1525 = arith.addf %add3A_1499, %add3A_1524 : vector<16xf32>
        %get3A_1526 = arith.index_cast %scan3A_45 : i32 to index
        %get3A_1527 = arith.constant 912 : index
        %get3A_1528 = tpu.vector_load %arg4[%get3A_1526, %get3A_1527] {strides = array<i32>} : memref<16x1024xf32, #tpu.memory_space<vmem>>, vector<16xf32>,
        %broadcast_in_dim3A_1529 = arith.constant true
        %broadcast_in_dim3A_1530 = vector.broadcast %broadcast_in_dim3A_1529 : i1 to vector<16xi1>
        %masked_cumsum3A_1531 = tpu.scan <sum>, %get3A_1528 masked %broadcast_in_dim3A_1530 : vector<16xf32>, vector<16xi1> -> vector<16xf32>
        %rev3A_1532 = arith.constant 15 : i32
        %rev3A_1533 = vector.broadcast %rev3A_1532 : i32 to vector<16xi32>
        %rev3A_1534 = tpu.iota {dimensions = array<i32: 0>} : vector<16xi32>
        %rev3A_1535 = arith.subi %rev3A_1533, %rev3A_1534 : vector<16xi32>
        %rev3A_1536 = tpu.dynamic_gather %get3A_1528[%rev3A_1535] in [0] : vector<16xf32>, vector<16xi32> -> vector<16xf32>
        %broadcast_in_dim3A_1537 = arith.constant true
        %broadcast_in_dim3A_1538 = vector.broadcast %broadcast_in_dim3A_1537 : i1 to vector<16xi1>
        %masked_cumsum3A_1539 = tpu.scan <sum>, %rev3A_1536 masked %broadcast_in_dim3A_1538 : vector<16xf32>, vector<16xi1> -> vector<16xf32>
        %rev3A_1540 = arith.constant 15 : i32
        %rev3A_1541 = vector.broadcast %rev3A_1540 : i32 to vector<16xi32>
        %rev3A_1542 = tpu.iota {dimensions = array<i32: 0>} : vector<16xi32>
        %rev3A_1543 = arith.subi %rev3A_1541, %rev3A_1542 : vector<16xi32>
        %rev3A_1544 = tpu.dynamic_gather %masked_cumsum3A_1539[%rev3A_1543] in [0] : vector<16xf32>, vector<16xi32> -> vector<16xf32>
        %sub3A_1545 = arith.subf %masked_cumsum3A_1531, %get3A_1528 : vector<16xf32>
        %add3A_1546 = arith.addf %sub3A_1545, %add3A_1525 : vector<16xf32>
        %swap3A_1547 = arith.index_cast %scan3A_45 : i32 to index
        %swap3A_1548 = arith.constant 912 : index
        %swap3A_1549 = tpu.vector_load %arg6[%swap3A_1547, %swap3A_1548] {strides = array<i32>} : memref<16x1025xf32, #tpu.memory_space<vmem>>, vector<16xf32>,
        tpu.vector_store %arg6[%swap3A_1547, %swap3A_1548], %add3A_1546 {strides = array<i32>} : memref<16x1025xf32, #tpu.memory_space<vmem>>, vector<16xf32>,
        %add3A_1550 = arith.addf %sub3A_1545, %rev3A_1544 : vector<16xf32>
        %add3A_1551 = arith.addf %add3A_1525, %add3A_1550 : vector<16xf32>
        %get3A_1552 = arith.index_cast %scan3A_45 : i32 to index
        %get3A_1553 = arith.constant 928 : index
        %get3A_1554 = tpu.vector_load %arg4[%get3A_1552, %get3A_1553] {strides = array<i32>} : memref<16x1024xf32, #tpu.memory_space<vmem>>, vector<16xf32>,
        %broadcast_in_dim3A_1555 = arith.constant true
        %broadcast_in_dim3A_1556 = vector.broadcast %broadcast_in_dim3A_1555 : i1 to vector<16xi1>
        %masked_cumsum3A_1557 = tpu.scan <sum>, %get3A_1554 masked %broadcast_in_dim3A_1556 : vector<16xf32>, vector<16xi1> -> vector<16xf32>
        %rev3A_1558 = arith.constant 15 : i32
        %rev3A_1559 = vector.broadcast %rev3A_1558 : i32 to vector<16xi32>
        %rev3A_1560 = tpu.iota {dimensions = array<i32: 0>} : vector<16xi32>
        %rev3A_1561 = arith.subi %rev3A_1559, %rev3A_1560 : vector<16xi32>
        %rev3A_1562 = tpu.dynamic_gather %get3A_1554[%rev3A_1561] in [0] : vector<16xf32>, vector<16xi32> -> vector<16xf32>
        %broadcast_in_dim3A_1563 = arith.constant true
        %broadcast_in_dim3A_1564 = vector.broadcast %broadcast_in_dim3A_1563 : i1 to vector<16xi1>
        %masked_cumsum3A_1565 = tpu.scan <sum>, %rev3A_1562 masked %broadcast_in_dim3A_1564 : vector<16xf32>, vector<16xi1> -> vector<16xf32>
        %rev3A_1566 = arith.constant 15 : i32
        %rev3A_1567 = vector.broadcast %rev3A_1566 : i32 to vector<16xi32>
        %rev3A_1568 = tpu.iota {dimensions = array<i32: 0>} : vector<16xi32>
        %rev3A_1569 = arith.subi %rev3A_1567, %rev3A_1568 : vector<16xi32>
        %rev3A_1570 = tpu.dynamic_gather %masked_cumsum3A_1565[%rev3A_1569] in [0] : vector<16xf32>, vector<16xi32> -> vector<16xf32>
        %sub3A_1571 = arith.subf %masked_cumsum3A_1557, %get3A_1554 : vector<16xf32>
        %add3A_1572 = arith.addf %sub3A_1571, %add3A_1551 : vector<16xf32>
        %swap3A_1573 = arith.index_cast %scan3A_45 : i32 to index
        %swap3A_1574 = arith.constant 928 : index
        %swap3A_1575 = tpu.vector_load %arg6[%swap3A_1573, %swap3A_1574] {strides = array<i32>} : memref<16x1025xf32, #tpu.memory_space<vmem>>, vector<16xf32>,
        tpu.vector_store %arg6[%swap3A_1573, %swap3A_1574], %add3A_1572 {strides = array<i32>} : memref<16x1025xf32, #tpu.memory_space<vmem>>, vector<16xf32>,
        %add3A_1576 = arith.addf %sub3A_1571, %rev3A_1570 : vector<16xf32>
        %add3A_1577 = arith.addf %add3A_1551, %add3A_1576 : vector<16xf32>
        %get3A_1578 = arith.index_cast %scan3A_45 : i32 to index
        %get3A_1579 = arith.constant 944 : index
        %get3A_1580 = tpu.vector_load %arg4[%get3A_1578, %get3A_1579] {strides = array<i32>} : memref<16x1024xf32, #tpu.memory_space<vmem>>, vector<16xf32>,
        %broadcast_in_dim3A_1581 = arith.constant true
        %broadcast_in_dim3A_1582 = vector.broadcast %broadcast_in_dim3A_1581 : i1 to vector<16xi1>
        %masked_cumsum3A_1583 = tpu.scan <sum>, %get3A_1580 masked %broadcast_in_dim3A_1582 : vector<16xf32>, vector<16xi1> -> vector<16xf32>
        %rev3A_1584 = arith.constant 15 : i32
        %rev3A_1585 = vector.broadcast %rev3A_1584 : i32 to vector<16xi32>
        %rev3A_1586 = tpu.iota {dimensions = array<i32: 0>} : vector<16xi32>
        %rev3A_1587 = arith.subi %rev3A_1585, %rev3A_1586 : vector<16xi32>
        %rev3A_1588 = tpu.dynamic_gather %get3A_1580[%rev3A_1587] in [0] : vector<16xf32>, vector<16xi32> -> vector<16xf32>
        %broadcast_in_dim3A_1589 = arith.constant true
        %broadcast_in_dim3A_1590 = vector.broadcast %broadcast_in_dim3A_1589 : i1 to vector<16xi1>
        %masked_cumsum3A_1591 = tpu.scan <sum>, %rev3A_1588 masked %broadcast_in_dim3A_1590 : vector<16xf32>, vector<16xi1> -> vector<16xf32>
        %rev3A_1592 = arith.constant 15 : i32
        %rev3A_1593 = vector.broadcast %rev3A_1592 : i32 to vector<16xi32>
        %rev3A_1594 = tpu.iota {dimensions = array<i32: 0>} : vector<16xi32>
        %rev3A_1595 = arith.subi %rev3A_1593, %rev3A_1594 : vector<16xi32>
        %rev3A_1596 = tpu.dynamic_gather %masked_cumsum3A_1591[%rev3A_1595] in [0] : vector<16xf32>, vector<16xi32> -> vector<16xf32>
        %sub3A_1597 = arith.subf %masked_cumsum3A_1583, %get3A_1580 : vector<16xf32>
        %add3A_1598 = arith.addf %sub3A_1597, %add3A_1577 : vector<16xf32>
        %swap3A_1599 = arith.index_cast %scan3A_45 : i32 to index
        %swap3A_1600 = arith.constant 944 : index
        %swap3A_1601 = tpu.vector_load %arg6[%swap3A_1599, %swap3A_1600] {strides = array<i32>} : memref<16x1025xf32, #tpu.memory_space<vmem>>, vector<16xf32>,
        tpu.vector_store %arg6[%swap3A_1599, %swap3A_1600], %add3A_1598 {strides = array<i32>} : memref<16x1025xf32, #tpu.memory_space<vmem>>, vector<16xf32>,
        %add3A_1602 = arith.addf %sub3A_1597, %rev3A_1596 : vector<16xf32>
        %add3A_1603 = arith.addf %add3A_1577, %add3A_1602 : vector<16xf32>
        %get3A_1604 = arith.index_cast %scan3A_45 : i32 to index
        %get3A_1605 = arith.constant 960 : index
        %get3A_1606 = tpu.vector_load %arg4[%get3A_1604, %get3A_1605] {strides = array<i32>} : memref<16x1024xf32, #tpu.memory_space<vmem>>, vector<16xf32>,
        %broadcast_in_dim3A_1607 = arith.constant true
        %broadcast_in_dim3A_1608 = vector.broadcast %broadcast_in_dim3A_1607 : i1 to vector<16xi1>
        %masked_cumsum3A_1609 = tpu.scan <sum>, %get3A_1606 masked %broadcast_in_dim3A_1608 : vector<16xf32>, vector<16xi1> -> vector<16xf32>
        %rev3A_1610 = arith.constant 15 : i32
        %rev3A_1611 = vector.broadcast %rev3A_1610 : i32 to vector<16xi32>
        %rev3A_1612 = tpu.iota {dimensions = array<i32: 0>} : vector<16xi32>
        %rev3A_1613 = arith.subi %rev3A_1611, %rev3A_1612 : vector<16xi32>
        %rev3A_1614 = tpu.dynamic_gather %get3A_1606[%rev3A_1613] in [0] : vector<16xf32>, vector<16xi32> -> vector<16xf32>
        %broadcast_in_dim3A_1615 = arith.constant true
        %broadcast_in_dim3A_1616 = vector.broadcast %broadcast_in_dim3A_1615 : i1 to vector<16xi1>
        %masked_cumsum3A_1617 = tpu.scan <sum>, %rev3A_1614 masked %broadcast_in_dim3A_1616 : vector<16xf32>, vector<16xi1> -> vector<16xf32>
        %rev3A_1618 = arith.constant 15 : i32
        %rev3A_1619 = vector.broadcast %rev3A_1618 : i32 to vector<16xi32>
        %rev3A_1620 = tpu.iota {dimensions = array<i32: 0>} : vector<16xi32>
        %rev3A_1621 = arith.subi %rev3A_1619, %rev3A_1620 : vector<16xi32>
        %rev3A_1622 = tpu.dynamic_gather %masked_cumsum3A_1617[%rev3A_1621] in [0] : vector<16xf32>, vector<16xi32> -> vector<16xf32>
        %sub3A_1623 = arith.subf %masked_cumsum3A_1609, %get3A_1606 : vector<16xf32>
        %add3A_1624 = arith.addf %sub3A_1623, %add3A_1603 : vector<16xf32>
        %swap3A_1625 = arith.index_cast %scan3A_45 : i32 to index
        %swap3A_1626 = arith.constant 960 : index
        %swap3A_1627 = tpu.vector_load %arg6[%swap3A_1625, %swap3A_1626] {strides = array<i32>} : memref<16x1025xf32, #tpu.memory_space<vmem>>, vector<16xf32>,
        tpu.vector_store %arg6[%swap3A_1625, %swap3A_1626], %add3A_1624 {strides = array<i32>} : memref<16x1025xf32, #tpu.memory_space<vmem>>, vector<16xf32>,
        %add3A_1628 = arith.addf %sub3A_1623, %rev3A_1622 : vector<16xf32>
        %add3A_1629 = arith.addf %add3A_1603, %add3A_1628 : vector<16xf32>
        %get3A_1630 = arith.index_cast %scan3A_45 : i32 to index
        %get3A_1631 = arith.constant 976 : index
        %get3A_1632 = tpu.vector_load %arg4[%get3A_1630, %get3A_1631] {strides = array<i32>} : memref<16x1024xf32, #tpu.memory_space<vmem>>, vector<16xf32>,
        %broadcast_in_dim3A_1633 = arith.constant true
        %broadcast_in_dim3A_1634 = vector.broadcast %broadcast_in_dim3A_1633 : i1 to vector<16xi1>
        %masked_cumsum3A_1635 = tpu.scan <sum>, %get3A_1632 masked %broadcast_in_dim3A_1634 : vector<16xf32>, vector<16xi1> -> vector<16xf32>
        %rev3A_1636 = arith.constant 15 : i32
        %rev3A_1637 = vector.broadcast %rev3A_1636 : i32 to vector<16xi32>
        %rev3A_1638 = tpu.iota {dimensions = array<i32: 0>} : vector<16xi32>
        %rev3A_1639 = arith.subi %rev3A_1637, %rev3A_1638 : vector<16xi32>
        %rev3A_1640 = tpu.dynamic_gather %get3A_1632[%rev3A_1639] in [0] : vector<16xf32>, vector<16xi32> -> vector<16xf32>
        %broadcast_in_dim3A_1641 = arith.constant true
        %broadcast_in_dim3A_1642 = vector.broadcast %broadcast_in_dim3A_1641 : i1 to vector<16xi1>
        %masked_cumsum3A_1643 = tpu.scan <sum>, %rev3A_1640 masked %broadcast_in_dim3A_1642 : vector<16xf32>, vector<16xi1> -> vector<16xf32>
        %rev3A_1644 = arith.constant 15 : i32
        %rev3A_1645 = vector.broadcast %rev3A_1644 : i32 to vector<16xi32>
        %rev3A_1646 = tpu.iota {dimensions = array<i32: 0>} : vector<16xi32>
        %rev3A_1647 = arith.subi %rev3A_1645, %rev3A_1646 : vector<16xi32>
        %rev3A_1648 = tpu.dynamic_gather %masked_cumsum3A_1643[%rev3A_1647] in [0] : vector<16xf32>, vector<16xi32> -> vector<16xf32>
        %sub3A_1649 = arith.subf %masked_cumsum3A_1635, %get3A_1632 : vector<16xf32>
        %add3A_1650 = arith.addf %sub3A_1649, %add3A_1629 : vector<16xf32>
        %swap3A_1651 = arith.index_cast %scan3A_45 : i32 to index
        %swap3A_1652 = arith.constant 976 : index
        %swap3A_1653 = tpu.vector_load %arg6[%swap3A_1651, %swap3A_1652] {strides = array<i32>} : memref<16x1025xf32, #tpu.memory_space<vmem>>, vector<16xf32>,
        tpu.vector_store %arg6[%swap3A_1651, %swap3A_1652], %add3A_1650 {strides = array<i32>} : memref<16x1025xf32, #tpu.memory_space<vmem>>, vector<16xf32>,
        %add3A_1654 = arith.addf %sub3A_1649, %rev3A_1648 : vector<16xf32>
        %add3A_1655 = arith.addf %add3A_1629, %add3A_1654 : vector<16xf32>
        %get3A_1656 = arith.index_cast %scan3A_45 : i32 to index
        %get3A_1657 = arith.constant 992 : index
        %get3A_1658 = tpu.vector_load %arg4[%get3A_1656, %get3A_1657] {strides = array<i32>} : memref<16x1024xf32, #tpu.memory_space<vmem>>, vector<16xf32>,
        %broadcast_in_dim3A_1659 = arith.constant true
        %broadcast_in_dim3A_1660 = vector.broadcast %broadcast_in_dim3A_1659 : i1 to vector<16xi1>
        %masked_cumsum3A_1661 = tpu.scan <sum>, %get3A_1658 masked %broadcast_in_dim3A_1660 : vector<16xf32>, vector<16xi1> -> vector<16xf32>
        %rev3A_1662 = arith.constant 15 : i32
        %rev3A_1663 = vector.broadcast %rev3A_1662 : i32 to vector<16xi32>
        %rev3A_1664 = tpu.iota {dimensions = array<i32: 0>} : vector<16xi32>
        %rev3A_1665 = arith.subi %rev3A_1663, %rev3A_1664 : vector<16xi32>
        %rev3A_1666 = tpu.dynamic_gather %get3A_1658[%rev3A_1665] in [0] : vector<16xf32>, vector<16xi32> -> vector<16xf32>
        %broadcast_in_dim3A_1667 = arith.constant true
        %broadcast_in_dim3A_1668 = vector.broadcast %broadcast_in_dim3A_1667 : i1 to vector<16xi1>
        %masked_cumsum3A_1669 = tpu.scan <sum>, %rev3A_1666 masked %broadcast_in_dim3A_1668 : vector<16xf32>, vector<16xi1> -> vector<16xf32>
        %rev3A_1670 = arith.constant 15 : i32
        %rev3A_1671 = vector.broadcast %rev3A_1670 : i32 to vector<16xi32>
        %rev3A_1672 = tpu.iota {dimensions = array<i32: 0>} : vector<16xi32>
        %rev3A_1673 = arith.subi %rev3A_1671, %rev3A_1672 : vector<16xi32>
        %rev3A_1674 = tpu.dynamic_gather %masked_cumsum3A_1669[%rev3A_1673] in [0] : vector<16xf32>, vector<16xi32> -> vector<16xf32>
        %sub3A_1675 = arith.subf %masked_cumsum3A_1661, %get3A_1658 : vector<16xf32>
        %add3A_1676 = arith.addf %sub3A_1675, %add3A_1655 : vector<16xf32>
        %swap3A_1677 = arith.index_cast %scan3A_45 : i32 to index
        %swap3A_1678 = arith.constant 992 : index
        %swap3A_1679 = tpu.vector_load %arg6[%swap3A_1677, %swap3A_1678] {strides = array<i32>} : memref<16x1025xf32, #tpu.memory_space<vmem>>, vector<16xf32>,
        tpu.vector_store %arg6[%swap3A_1677, %swap3A_1678], %add3A_1676 {strides = array<i32>} : memref<16x1025xf32, #tpu.memory_space<vmem>>, vector<16xf32>,
        %add3A_1680 = arith.addf %sub3A_1675, %rev3A_1674 : vector<16xf32>
        %add3A_1681 = arith.addf %add3A_1655, %add3A_1680 : vector<16xf32>
        %get3A_1682 = arith.index_cast %scan3A_45 : i32 to index
        %get3A_1683 = arith.constant 1008 : index
        %get3A_1684 = tpu.vector_load %arg4[%get3A_1682, %get3A_1683] {strides = array<i32>} : memref<16x1024xf32, #tpu.memory_space<vmem>>, vector<16xf32>,
        %broadcast_in_dim3A_1685 = arith.constant true
        %broadcast_in_dim3A_1686 = vector.broadcast %broadcast_in_dim3A_1685 : i1 to vector<16xi1>
        %masked_cumsum3A_1687 = tpu.scan <sum>, %get3A_1684 masked %broadcast_in_dim3A_1686 : vector<16xf32>, vector<16xi1> -> vector<16xf32>
        %rev3A_1688 = arith.constant 15 : i32
        %rev3A_1689 = vector.broadcast %rev3A_1688 : i32 to vector<16xi32>
        %rev3A_1690 = tpu.iota {dimensions = array<i32: 0>} : vector<16xi32>
        %rev3A_1691 = arith.subi %rev3A_1689, %rev3A_1690 : vector<16xi32>
        %rev3A_1692 = tpu.dynamic_gather %get3A_1684[%rev3A_1691] in [0] : vector<16xf32>, vector<16xi32> -> vector<16xf32>
        %broadcast_in_dim3A_1693 = arith.constant true
        %broadcast_in_dim3A_1694 = vector.broadcast %broadcast_in_dim3A_1693 : i1 to vector<16xi1>
        %masked_cumsum3A_1695 = tpu.scan <sum>, %rev3A_1692 masked %broadcast_in_dim3A_1694 : vector<16xf32>, vector<16xi1> -> vector<16xf32>
        %rev3A_1696 = arith.constant 15 : i32
        %rev3A_1697 = vector.broadcast %rev3A_1696 : i32 to vector<16xi32>
        %rev3A_1698 = tpu.iota {dimensions = array<i32: 0>} : vector<16xi32>
        %rev3A_1699 = arith.subi %rev3A_1697, %rev3A_1698 : vector<16xi32>
        %rev3A_1700 = tpu.dynamic_gather %masked_cumsum3A_1695[%rev3A_1699] in [0] : vector<16xf32>, vector<16xi32> -> vector<16xf32>
        %sub3A_1701 = arith.subf %masked_cumsum3A_1687, %get3A_1684 : vector<16xf32>
        %add3A_1702 = arith.addf %sub3A_1701, %add3A_1681 : vector<16xf32>
        %swap3A_1703 = arith.index_cast %scan3A_45 : i32 to index
        %swap3A_1704 = arith.constant 1008 : index
        %swap3A_1705 = tpu.vector_load %arg6[%swap3A_1703, %swap3A_1704] {strides = array<i32>} : memref<16x1025xf32, #tpu.memory_space<vmem>>, vector<16xf32>,
        tpu.vector_store %arg6[%swap3A_1703, %swap3A_1704], %add3A_1702 {strides = array<i32>} : memref<16x1025xf32, #tpu.memory_space<vmem>>, vector<16xf32>,
        %broadcast_in_dim3A_1706 = vector.broadcast %scan3A_45 : i32 to vector<16xi32>
        %add3A_1707 = arith.addf %masked_cumsum3A_1687, %add3A_1681 : vector<16xf32>
        tpu.vector_store_idx %arg6[%broadcast_in_dim3A_1706, %broadcast_in_dim3A_5], %add3A_1707 masked %eq3A_4 : memref<16x1025xf32, #tpu.memory_space<vmem>>[vector<16xi32>, vector<16xi32>], vector<16xf32>, vector<16xi1>
        %add3A_1708 = arith.addf %sub3A_1701, %rev3A_1700 : vector<16xf32>
        %add3A_1709 = arith.addf %add3A_1681, %add3A_1708 : vector<16xf32>
        %scan3A_1710 = arith.constant 0 : i32
        scf.yield %scan3A_1710 : i32
      }
      %scan3A_44 = arith.constant 7 : i32
      "tpu.region"() ({
        %run_scoped3A = tpu.sem_alloc : memref<!tpu.dma_semaphore, #tpu.memory_space<semaphore_mem>>
        %dma_start3A_45 = arith.constant 0 : i32
        %dma_start3A_46 = arith.constant 0 : i32
        %dma_start3A_47 = tpu.memref_slice %arg6[%dma_start3A_45, %dma_start3A_46] : memref<16x1025xf32, #tpu.memory_space<vmem>> -> memref<7x1025xf32, #tpu.memory_space<vmem>>
        %dma_start3A_48 = arith.constant 65528 : i32
        %dma_start3A_49 = arith.constant 0 : i32
        %dma_start3A_50 = tpu.memref_slice %arg3[%dma_start3A_48, %dma_start3A_49] : memref<65535x1025xf32, #tpu.memory_space<hbm>> -> memref<7x1025xf32, #tpu.memory_space<hbm>>
        %dma_start3A_51 = arith.constant 65528 : i32
        %dma_start3A_52 = arith.constant 0 : i32
        %dma_start3A_53 = tpu.memref_slice %arg3[%dma_start3A_51, %dma_start3A_52] : memref<65535x1025xf32, #tpu.memory_space<hbm>> -> memref<7x1025xf32, #tpu.memory_space<hbm>>
        %dma_start3A_54 = arith.constant 0 : i32
        %dma_start3A_55 = arith.constant 0 : i32
        %dma_start3A_56 = tpu.memref_slice %arg6[%dma_start3A_54, %dma_start3A_55] : memref<16x1025xf32, #tpu.memory_space<vmem>> -> memref<7x1025xf32, #tpu.memory_space<vmem>>
        tpu.enqueue_dma source(%dma_start3A_56 : memref<7x1025xf32, #tpu.memory_space<vmem>>) target(%dma_start3A_53 : memref<7x1025xf32, #tpu.memory_space<hbm>>) target_semaphore(%run_scoped3A : memref<!tpu.dma_semaphore, #tpu.memory_space<semaphore_mem>>)
        %dma_wait3A_57 = arith.constant 0 : i32
        %dma_wait3A_58 = arith.constant 0 : i32
        %dma_wait3A_59 = tpu.memref_slice %arg6[%dma_wait3A_57, %dma_wait3A_58] : memref<16x1025xf32, #tpu.memory_space<vmem>> -> memref<7x1025xf32, #tpu.memory_space<vmem>>
        %dma_wait3A_60 = arith.constant 65528 : i32
        %dma_wait3A_61 = arith.constant 0 : i32
        %dma_wait3A_62 = tpu.memref_slice %arg3[%dma_wait3A_60, %dma_wait3A_61] : memref<65535x1025xf32, #tpu.memory_space<hbm>> -> memref<7x1025xf32, #tpu.memory_space<hbm>>
        %dma_wait3A_63 = arith.constant 65528 : i32
        %dma_wait3A_64 = arith.constant 0 : i32
        %dma_wait3A_65 = tpu.memref_slice %arg3[%dma_wait3A_63, %dma_wait3A_64] : memref<65535x1025xf32, #tpu.memory_space<hbm>> -> memref<7x1025xf32, #tpu.memory_space<hbm>>
        %dma_wait3A_66 = arith.constant 0 : i32
        %dma_wait3A_67 = arith.constant 0 : i32
        %dma_wait3A_68 = tpu.memref_slice %arg6[%dma_wait3A_66, %dma_wait3A_67] : memref<16x1025xf32, #tpu.memory_space<vmem>> -> memref<7x1025xf32, #tpu.memory_space<vmem>>
        tpu.wait_dma2 semaphore(%run_scoped3A : memref<!tpu.dma_semaphore, #tpu.memory_space<semaphore_mem>>) src(%dma_wait3A_68 : memref<7x1025xf32, #tpu.memory_space<vmem>>) dst(%dma_wait3A_65 : memref<7x1025xf32, #tpu.memory_space<hbm>>)
        tpu.yield
      }) : () -> ()
    } else {
    }
    return
  }
}

</mosaic_0001>

<sc_bundles>
// kernel: kernel.3.cloned.1.call-start
scs
__scs_entry_jumppad:
0x0: {  	(pc) =	sbr.rel $0x88, $3  }
0x1: {  	(tag) =	ssettag $0x0;
	lr =	simm.s32 $0x1  }
0x2: {  	[smem:$0x3FA0] =	sst lr;
	_ =	strace $0xD0000000  }
0x3: {  	_ = 	snop  }
0x4: {  	_ = 	snop  }
0x5: {  	_ = 	snop  }
0x6: {  	_ = 	snop  }
0x7: {  	_ = 	snop  }
__scs_overlays_trampoline_lowered:
0x8: {  	[smem:$0x3FAF] =	sst s0  }
0x9: {  	[smem:$0x3FB0] =	sst s1  }
0xa: {  	[smem:$0x3FB1] =	sst s2  }
0xb: {  	[smem:$0x3FB2] =	sst s3  }
0xc: {  	[smem:$0x3FB3] =	sst s4  }
0xd: {  	[smem:$0x3FB4] =	sst s5  }
0xe: {  	[smem:$0x3FB5] =	sst s6  }
0xf: {  	[smem:$0x3FB6] =	sst s7  }
0x10: {  	[smem:$0x3FB7] =	sst s8  }
0x11: {  	[smem:$0x3FB8] =	sst s9;
	s0 =	simm.s32 @!p0 $0x0  }
0x12: {  	s1 =	sld [smem:$0x3F9E];
	s0 =	simm.s32 @p0 $0x1  }
0x13: {  	[smem:$0x3FB9] =	sst s0;
	s0 =	simm.s32 @!p1 $0x0  }
0x14: {  	s2 =	sld [smem:$0x3F9D];
	s0 =	simm.s32 @p1 $0x1  }
0x15: {  	[smem:$0x3FBA] =	sst s0;
	s0 =	simm.s32 @!p2 $0x0  }
0x16: {  	s3 =	sld [smem:$0x3FDB];
	s0 =	simm.s32 @p2 $0x1  }
0x17: {  	s4 =	simm.s32 $0x1BF5;
	[smem:$0x3FBC] =	sst s0  }
0x18: {  	s0 =	sld [smem:$0x3F9F];
	_ =	swait.ge [sflag:s4], $0x0  }
0x19: {  	s7 =	sld [smem:$0x3FA0]  }
0x1a: {  	s8 =	sadd.s32 $0xFFFFE003, lr  }
0x1b: {  	s9 =	sadd.s32 $0xFFFFFEF7, lr;
	s5 =	simm.s32 $0xFFFFFFFF;
	p2 =	slt.u32 s8, $0xFFFFF086  }
0x1c: {  	p1 =	slt.u32 s9, $0xF7A;
	s5 =	simm.s32 @!p2 $0x0  }
0x1d: {  	s5 =	simm.s32 @p1 $0x1;
	p0 =	seq.s32 s7, s2  }
0x1e: {  	s7 =	smul.u32 @!p0 $0xF7A, s2;
	p2 =	seq.s32 @!p0 s5, $0x0  }
0x1f: {  	s9 =	smul.u32 $0xF7A, s1;
	s8 =	simm.s32 @!p0 $0x1BF5;
	p2 =	por !p2, p0  }
0x20: {  	[sflag:s8] =	ssyncset.s32 @!p0 $0xFFFFF086;
	s6 =	sadd.s32 @!p0 s3, s7;
	s7 =	simm.s32 @!p0 $0x108  }
0x21: {  	s3 =	sadd.s32 s3, s9;
	s6 =	sadd.s32 @!p0 $0x88, s6;
	s7 =	simm.s32 @p2 $0x1082  }
0x22: {  	[simem:s7], [sflag:s8] =	dma.local @!p0 [hbm:s6], $0xF7A  }
0x23: {  	s9 =	sor.u32 $0xD0000000, s2;
	s6 =	simm.s32 $0x108;
	_ =	swait.ge @!p0 [sflag:s8], $0x0  }
0x24: {  	s3 =	sadd.s32 $0x88, s3;
	s6 =	simm.s32 @!p1 $0x1082;
	[sflag:s4] =	ssyncset.s32 $0xFFFFF086  }
0x25: {  	[simem:s6], [sflag:s4] =	dma.local [hbm:s3], $0xF7A  }
0x26: {  	[smem:$0x3FA0] =	sst s1;
	(tag) =	ssettag s2;
	_ =	strace s9  }
0x27: {  	s1 =	sld [smem:$0x3FB0]  }
0x28: {  	s2 =	sld [smem:$0x3FB1]  }
0x29: {  	s4 =	sld [smem:$0x3FB3]  }
0x2a: {  	p0 =	seq.s32 s5, $0x0;
	s5 =	sld [smem:$0x3FB4]  }
0x2b: {  	s6 =	sld [smem:$0x3FB5]  }
0x2c: {  	s7 =	sld [smem:$0x3FB6]  }
0x2d: {  	s3 =	simm.s32 $0x108;
	s8 =	sld [smem:$0x3FB7]  }
0x2e: {  	s3 =	simm.s32 @!p0 $0x1082;
	s9 =	sld [smem:$0x3FB8]  }
0x2f: {  	lr =	sadd.s32 s0, s3;
	s0 =	sld [smem:$0x3FAF]  }
0x30: {  	s3 =	sld [smem:$0x3FB2]  }
0x31: {  	[smem:$0x3FBB] =	sst s10  }
0x32: {  	s10 =	sld [smem:$0x3FB9];
	_ =	sdelay $0x3  }
0x33: {  	p0 =	seq.s32 s10, $0x1;
	s10 =	sld [smem:$0x3FBB];
	_ =	sdelay $0x3  }
0x34: {  	[smem:$0x3FBB] =	sst s10  }
0x35: {  	s10 =	sld [smem:$0x3FBA];
	_ =	sdelay $0x3  }
0x36: {  	p1 =	seq.s32 s10, $0x1;
	s10 =	sld [smem:$0x3FBB];
	_ =	sdelay $0x3  }
0x37: {  	[smem:$0x3FBB] =	sst s10  }
0x38: {  	s10 =	sld [smem:$0x3FBC]  }
0x39: {  	_ = 	snop;
	(pc) =	sbr.ind lr, $3  }
0x3a: {  	_ = 	snop  }
0x3b: {  	_ = 	snop  }
0x3c: {  	p2 =	seq.s32 s10, $0x1;
	s10 =	sld [smem:$0x3FBB]  }
0x3d: {  	_ =	shalt  }
0x3e: {  	_ =	shalt  }
0x3f: {  	_ =	shalt  }
0x40: {  	_ =	shalt  }
0x41: {  	_ =	shalt  }
0x42: {  	_ =	shalt  }
0x43: {  	_ =	shalt  }
0x44: {  	_ =	shalt  }
0x45: {  	_ =	shalt  }
0x46: {  	_ =	shalt  }
0x47: {  	_ =	shalt  }
0x48: {  	_ =	shalt  }
0x49: {  	_ =	shalt  }
0x4a: {  	_ =	shalt  }
0x4b: {  	_ =	shalt  }
0x4c: {  	_ =	shalt  }
0x4d: {  	_ =	shalt  }
0x4e: {  	_ =	shalt  }
0x4f: {  	_ =	shalt  }
0x50: {  	_ =	shalt  }
0x51: {  	_ =	shalt  }
0x52: {  	_ =	shalt  }
0x53: {  	_ =	shalt  }
0x54: {  	_ =	shalt  }
0x55: {  	_ =	shalt  }
0x56: {  	_ =	shalt  }
0x57: {  	_ =	shalt  }
0x58: {  	_ =	shalt  }
0x59: {  	_ =	shalt  }
0x5a: {  	_ =	shalt  }
0x5b: {  	_ =	shalt  }
0x5c: {  	_ =	shalt  }
0x5d: {  	_ =	shalt  }
0x5e: {  	_ =	shalt  }
0x5f: {  	_ =	shalt  }
0x60: {  	_ =	shalt  }
0x61: {  	_ =	shalt  }
0x62: {  	_ =	shalt  }
0x63: {  	_ =	shalt  }
0x64: {  	_ =	shalt  }
0x65: {  	_ =	shalt  }
0x66: {  	_ =	shalt  }
0x67: {  	_ =	shalt  }
0x68: {  	_ =	shalt  }
0x69: {  	_ =	shalt  }
0x6a: {  	_ =	shalt  }
0x6b: {  	_ =	shalt  }
0x6c: {  	_ =	shalt  }
0x6d: {  	_ =	shalt  }
0x6e: {  	_ =	shalt  }
0x6f: {  	_ =	shalt  }
0x70: {  	_ =	shalt  }
0x71: {  	_ =	shalt  }
0x72: {  	_ =	shalt  }
0x73: {  	_ =	shalt  }
0x74: {  	_ =	shalt  }
0x75: {  	_ =	shalt  }
0x76: {  	_ =	shalt  }
0x77: {  	_ =	shalt  }
0x78: {  	_ =	shalt  }
0x79: {  	_ =	shalt  }
0x7a: {  	_ =	shalt  }
0x7b: {  	_ =	shalt  }
0x7c: {  	_ =	shalt  }
0x7d: {  	_ =	shalt  }
0x7e: {  	_ =	shalt  }
0x7f: {  	_ =	shalt  }
0x80: {  	_ =	shalt  }
0x81: {  	_ =	shalt  }
0x82: {  	_ =	shalt  }
0x83: {  	_ =	shalt  }
0x84: {  	_ =	shalt  }
0x85: {  	_ =	shalt  }
0x86: {  	_ =	shalt  }
0x87: {  	_ =	shalt  }
.Lfunc_end0:
.L_simem_size_0:
called_computation_lowered:
.L_overlay_start_0:
0x88: {  	s2 =	sld [smem:$0x3FD9]  }
0x89: {  	s3 =	sld [smem:$0x3FFE];
	_ =	sdelay $0x1  }
0x8a: {  	s1 =	srdreg.scid  }
0x8b: {  	s0 =	sand.u32 $0x1, s1  }
0x8c: {  	s17 =	sshll.u32 s0, $0xA;
	s2 =	sadd.s32 s3, s2  }
0x8d: {  	s2 =	sadd.s32 s2, s17  }
0x8e: {  	[smem:$0x3FC7] =	sst s2  }
0x8f: {  	_ = 	snop  }
0x90: {  	s2 =	sld [smem:$0x3FC9];
	(tm) =	ssettm $0x1  }
0x91: {  	s18 =	sld [smem:$0x3FFB];
	_ =	sdelay $0x3  }
0x92: {  	_ =	strace s18  }
0x93: {  	s3 =	sld [smem:$0x3FFC];
	_ =	sdelay $0x3  }
0x94: {  	_ =	strace s3  }
0x95: {  	s3 =	sld [smem:$0x3FFD];
	_ =	sdelay $0x3  }
0x96: {  	_ =	strace s3  }
0x97: {  	_ =	strace $0x8FFFFFFF  }
0x98: {  	s19 =	sld [smem:$0x3FDB];
	_ =	sdelay $0x1  }
0x99: {  	s4 =	simm.s32 $_scs_section_size  }
0x9a: {  	s5 =	simm.s32 $_size__tile_overlayer_lowered;
	s6 =	simm.s32 $_tile_overlayer_lowered  }
0x9b: {  	s22 =	simm.s32 $0x1BFF;
	s21 =	sshll.u32 s6, $0x1;
	s3 =	sadd.s32 s4, s19  }
0x9c: {  	s7 =	simm.s32 $0x0;
	s20 =	sshll.u32 s5, $0x1;
	s5 =	sadd.s32 s21, s3  }
0x9d: {  	[timem:s7], [sflag:s22] =	dma.local [hbm:s5], s20  }
0x9e: {  	_ =	swait.ge [sflag:s22], s20  }
0x9f: {  	s4 =	ssub.s32 $0x0, s20;
	[sflag:s22] =	ssyncset.done $0x0  }
0xa0: {  	[sflag:s22] =	ssyncadd.s32 s4;
	_ =	sdelay $0x1  }
0xa1: {  	s23 =	simm.s32 $0x1B8B  }
0xa2: {  	_ =	swait.ge [sflag:s23], $0x1  }
0xa3: {  	[sflag:s23] =	ssyncset.done $0x0  }
0xa4: {  	s25 =	simm.s32 $0x1B8E;
	s24 =	sld [smem:$0x3FFE];
	[sflag:s23] =	ssyncadd.s32 $0xFFFFFFFF  }
0xa5: {  	s26 =	simm.s32 $execute0_lowered;
	[smem:$0x3FD2] =	sst s25  }
0xa6: {  	s5 =	sshll.u32 s26, $0x1;
	_ =	strace $0x80000046;
	[dreg:$0x1] =	wrdreg $0xFFFFFFFF  }
0xa7: {  	s28 =	simm.s32 $_size_execute0_lowered;
	s3 =	sadd.s32 s3, s5;
	[dreg:$0x0] =	wrdreg $0x0  }
0xa8: {  	s5 =	sshll.u32 s28, $0x1;
	[dreg:$0x2] =	wrdreg s3  }
0xa9: {  	[dreg:$0x3] =	wrdreg s5  }
0xaa: {  	[dreg:$0x4] =	wrdreg $0xC0  }
0xab: {  	_ =	task [dreg:s7], $0x5FFFF  }
0xac: {  	[dreg:$0x1] =	wrdreg $0xFFFFFFFF  }
0xad: {  	[dreg:$0x0] =	wrdreg $0x60  }
0xae: {  	[dreg:$0x2] =	wrdreg s2  }
0xaf: {  	[dreg:$0x3] =	wrdreg s24  }
0xb0: {  	[dreg:$0x4] =	wrdreg $0x9  }
0xb1: {  	_ =	task.clear_ibuf [dreg:s7], $0x5FFFF;
	_ =	strace $0x90000046  }
0xb2: {  	s29 =	simm.s32 $0x9;
	_ =	strace $0x80000048  }
0xb3: {  	_ =	swait.ge [sflag:s29], $0x1  }
0xb4: {  	[sflag:s29] =	ssyncadd.s32 $0xFFFFFFFF  }
0xb5: {  	_ =	strace $0x90000048  }
0xb6: {  	_ =	sfence  }
0xb7: {  	s30 =	sld [smem:$0x0];
	_ =	sdelay $0x2  }
0xb8: {  	s31 =	sshll.u32 s1, $0xD;
	s1 =	sshrl.u32 s1, $0x2  }
0xb9: {  	s3 =	sand.u32 $0x4000, s31;
	s1 =	sadd.s32 s1, s30  }
0xba: {  	s0 =	sor.u32 s3, s0;
	s1 =	sshll.u32 s1, $0x11  }
0xbb: {  	s0 =	sor.u32 s1, s0  }
0xbc: {  	s0 =	sadd.s32 $0x8F2B, s0  }
0xbd: {  	[sflag:s0] =	ssyncadd.remote.s32 $0x1  }
0xbe: {  	_ =	sfence.sel $0xFFFF  }
0xbf: {  	[dreg:$0x0] =	wrdreg $0xFFFFFFFF;
	(pc) =	sbr.abs _section_cstart, $3  }
0xc0: {  	[dreg:$0x1] =	wrdreg $0xFFFFFFFF  }
0xc1: {  	_ =	task.clear_ibuf [dreg:s7], $0x2FFFF;
	_ =	strace $0x9FFFFFFF  }
0xc2: {  	(tm) =	ssettm $0x7FFFFFFF  }
0xc3: {  	_ =	shalt  }
tec
execute0_lowered:
.L_overlay_start_1:
0x0: {  	(tag) =	ssettag $0x1  }
0x1: {  	s0 =	rddreg [dreg:$0x0]  }
0x2: {  	s1 =	rddreg [dreg:$0x1];
	s2 =	simm.s32 $0x0;
	s3 =	srdreg.scid  }
0x3: {  	s17 =	stileid.u32;
	s31 =	simm.s32 $0x5;
	s28 =	simm.s32 $0x9800  }
0x4: {  	s29 =	simm.s32 $0x9C00;
	s30 =	simm.s32 $0xA000;
	[smem:$0x7FF] =	sst s2  }
0x5: {  	s12 =	sand.u32 $0x1, s3;
	s16 =	sshll.u32 s17, $0x1;
	s11 =	sshll.u32 s17, $0xC  }
0x6: {  	s25 =	sshll.u32 s17, $0x13;
	s17 =	simm.s32 $0x1;
	_ =	strace $0x80000047  }
0x7: {  	s4 =	ssub.s32 $0x2, s12;
	s24 =	sor.u32 s12, s16;
	s16 =	sadd.s32 $0x400, s1  }
0x8: {  	s14 =	sshll.u32 s12, $0xB;
	s26 =	sshll.u32 s12, $0x12;
	s18 =	sshrl.u32 s4, $0x1  }
0x9: {  	s5 =	sshll.u32 s24, $0x12;
	s10 =	sshll.u32 s24, $0xB;
	s8 =	smul.u32 $0x48000, s24  }
0xa: {  	s14 =	sor.u32 s14, s11;
	p0 =	sne.s32 s24, $0x1F;
	s6 =	ssub.s32 s4, s18  }
0xb: {  	s3 =	sadd.s32 s0, s5;
	s9 =	sor.u32 $0x10, s10;
	s4 =	sadd.s32 $0x7FFC00, s0  }
0xc: {  	s5 =	sadd.s32 $0x8FFF80, s1;
	s10 =	sor.u32 $0x7F0, s10;
	s23 =	sor.u32 $0x20, s14  }
0xd: {  	s14 =	sor.u32 $0x30, s14;
	s6 =	smax.u32 s6, $0x1;
	s19 =	sshll.u32 s9, $0x7  }
0xe: {  	s8 =	sadd.s32 s16, s8;
	s20 =	sshrl.u32 s9, $0x3;
	s9 =	sadd.s32 $0x1000, s3  }
0xf: {  	s13 =	smin.u32 s10, $0xFFE8;
	s14 =	sshrl.u32 s14, $0x3;
	s7 =	sadd.s32 s0, s19  }
0x10: {  	s1 =	smul.u32 $0x480, s20;
	s21 =	sshll.u32 s13, $0x7;
	s22 =	sshrl.u32 s13, $0x3  }
0x11: {  	s13 =	sshrl.u32 s23, $0x3;
	s18 =	smul.u32 $0x480, s14;
	s12 =	sadd.s32 $0x46E00, s8  }
0x12: {  	s19 =	simm.s32 $0x8000;
	s20 =	simm.s32 $0x2;
	s15 =	smul.u32 $0x480, s13  }
.Ltmp0:
0x13: {  	s23 =	simm.s32 $0x4;
	s11 =	sadd.s32 s0, s21;
	(pc) =	sbr.rel .LBB2_1-.Ltmp0, $4  }
0x14: {  	v0 =	vlaneseq.u32;
	s0 =	sadd.s32 s25, s0;
	s21 =	simm.s32 $0xC800;
	s10 =	sadd.s32 s16, s1  }
0x15: {  	v0 =	vmul.u32 $0xFFFFFFFF, v0;
	s1 =	smul.u32 $0x480, s22;
	s0 =	sadd.s32 s26, s0;
	s22 =	simm.s32 $0x3  }
0x16: {  	s14 =	sadd.s32 s15, s16;
	s15 =	sadd.s32 $0x2000, s0;
	s0 =	simm.s32 $0x0  }
0x17: {  	vm0 =	vcmask $0x3F3C;
	v0 =	vadd.s32 $0xF, v0;
	s13 =	sadd.s32 s16, s1;
	s16 =	sadd.s32 s18, s16;
	s18 =	simm.s32 $0x4000  }
.LBB2_7:
0x18: {  	s0 =	sadd.s32 $0x1, s0  }
0x19: {  	p1 =	sne.s32 s0, s6  }
.Ltmp1:
0x1a: {  	_ = 	snop;
	(pc) =	sbr.rel @!p1 .LBB2_8-.Ltmp1, $1  }
0x1b: {  	_ =	sdelay $0x3  }
.LBB2_1:
0x1c: {  	[tilespmem:s2], [sflag:$0x1] =	stream.linear.gather [hbm4b:s3+s2], $0x4000, $0x38;
	[tilespmem:$0x11000] =	vst v63  }
0x1d: {  	_ =	swait.ge [sflag:s17], $0x4000  }
0x1e: {  	[sflag:s17] =	ssyncset.done $0x0  }
0x1f: {  	[sflag:s17] =	ssyncadd.s32 $0xFFFFC000  }
0x20: {  	[tilespmem:s18], [sflag:$0x2] =	stream.linear.gather [hbm4b:s7+s2], $0x4000, $0x38;
	[tilespmem:$0x11000] =	vst v63  }
0x21: {  	_ = 	snop  }
0x22: {  	[hbm4b:s8+s2] =	stream.linear.scatter [tilespmem:s19], [sflag:$0x3], $0x4800, $0x38;
	[tilespmem:$0x11000] =	vst v63  }
0x23: {  	_ =	swait.ge [sflag:s20], $0x4000  }
0x24: {  	[sflag:s20] =	ssyncset.done $0x0  }
0x25: {  	[sflag:s20] =	ssyncadd.s32 $0xFFFFC000  }
0x26: {  	[tilespmem:s2], [sflag:$0x1] =	stream.linear.gather [hbm4b:s9+s2], $0x4000, $0x38;
	[tilespmem:$0x11000] =	vst v63  }
0x27: {  	_ = 	snop  }
0x28: {  	[hbm4b:s10+s2] =	stream.linear.scatter [tilespmem:s21], [sflag:$0x4], $0x4800, $0x38;
	[tilespmem:$0x11000] =	vst v63  }
0x29: {  	_ =	swait.ge [sflag:s17], $0x4000  }
0x2a: {  	[sflag:s17] =	ssyncset.done $0x0  }
0x2b: {  	s1 =	sadd.s32 $0xFFFFF800, s15;
	[sflag:s17] =	ssyncadd.s32 $0xFFFFC000  }
0x2c: {  	[tilespmem:s18], [sflag:$0x2] =	stream.linear.gather [hbm4b:s1+s2], $0x4000, $0x38;
	[tilespmem:$0x11000] =	vst v63  }
0x2d: {  	_ =	swait.ge [sflag:s22], $0x4800  }
0x2e: {  	[sflag:s22] =	ssyncset.done $0x0  }
0x2f: {  	s26 =	sadd.s32 $0x0, s14;
	[sflag:s22] =	ssyncadd.s32 $0xFFFFB800  }
0x30: {  	[hbm4b:s26+s2] =	stream.linear.scatter [tilespmem:s19], [sflag:$0x3], $0x4800, $0x38;
	[tilespmem:$0x11000] =	vst v63  }
0x31: {  	_ =	swait.ge [sflag:s20], $0x4000  }
0x32: {  	[sflag:s20] =	ssyncset.done $0x0  }
0x33: {  	[sflag:s20] =	ssyncadd.s32 $0xFFFFC000  }
0x34: {  	[tilespmem:s2], [sflag:$0x1] =	stream.linear.gather [hbm4b:s15+s2], $0x4000, $0x38;
	[tilespmem:$0x11000] =	vst v63  }
0x35: {  	_ =	swait.ge [sflag:s23], $0x4800  }
0x36: {  	s25 =	sadd.s32 $0x0, s16;
	[sflag:s23] =	ssyncset.done $0x0  }
0x37: {  	s24 =	sadd.s32 $0x1000, s15;
	s1 =	simm.s32 $0x1200;
	[sflag:s23] =	ssyncadd.s32 $0xFFFFB800  }
.LBB2_2:
0x38: {  	[hbm4b:s25+s2] =	stream.linear.scatter [tilespmem:s21], [sflag:$0x4], $0x4800, $0x38;
	[tilespmem:$0x11000] =	vst v63  }
0x39: {  	s25 =	smov.u32 s1  }
0x3a: {  	p1 =	sne.s32 s1, $0x44A00;
	s1 =	sadd.s32 $0x1200, s1;
	_ =	swait.ge [sflag:s17], $0x4000  }
0x3b: {  	[sflag:s17] =	ssyncset.done $0x0  }
0x3c: {  	s26 =	sadd.s32 $0xFFFFF800, s24;
	[sflag:s17] =	ssyncadd.s32 $0xFFFFC000  }
0x3d: {  	[tilespmem:s18], [sflag:$0x2] =	stream.linear.gather [hbm4b:s26+s2], $0x4000, $0x38;
	[tilespmem:$0x11000] =	vst v63  }
0x3e: {  	_ =	swait.ge [sflag:s22], $0x4800  }
0x3f: {  	[sflag:s22] =	ssyncset.done $0x0  }
0x40: {  	s26 =	sadd.s32 s25, s14;
	[sflag:s22] =	ssyncadd.s32 $0xFFFFB800  }
0x41: {  	[hbm4b:s26+s2] =	stream.linear.scatter [tilespmem:s19], [sflag:$0x3], $0x4800, $0x38;
	[tilespmem:$0x11000] =	vst v63  }
0x42: {  	_ =	swait.ge [sflag:s20], $0x4000  }
0x43: {  	[sflag:s20] =	ssyncset.done $0x0  }
.Ltmp2:
0x44: {  	[sflag:s20] =	ssyncadd.s32 $0xFFFFC000;
	(pc) =	sbr.rel @p1 .LBB2_2-.Ltmp2, $4  }
0x45: {  	[tilespmem:s2], [sflag:$0x1] =	stream.linear.gather [hbm4b:s24+s2], $0x4000, $0x38;
	[tilespmem:$0x11000] =	vst v63  }
0x46: {  	_ =	swait.ge [sflag:s23], $0x4800  }
0x47: {  	[sflag:s23] =	ssyncset.done $0x0  }
0x48: {  	s25 =	sadd.s32 s25, s16;
	s24 =	sadd.s32 $0x1000, s24;
	[sflag:s23] =	ssyncadd.s32 $0xFFFFB800  }
0x49: {  	[hbm4b:s25+s2] =	stream.linear.scatter [tilespmem:s21], [sflag:$0x4], $0x4800, $0x38;
	[tilespmem:$0x11000] =	vst v63  }
0x4a: {  	_ =	swait.ge [sflag:s17], $0x4000  }
0x4b: {  	[sflag:s17] =	ssyncset.done $0x0  }
0x4c: {  	[sflag:s17] =	ssyncadd.s32 $0xFFFFC000  }
0x4d: {  	[tilespmem:s18], [sflag:$0x2] =	stream.linear.gather [hbm4b:s11+s2], $0x4000, $0x38;
	[tilespmem:$0x11000] =	vst v63  }
0x4e: {  	_ =	swait.ge [sflag:s22], $0x4800  }
0x4f: {  	[sflag:s22] =	ssyncset.done $0x0  }
0x50: {  	[sflag:s22] =	ssyncadd.s32 $0xFFFFB800  }
0x51: {  	[hbm4b:s12+s2] =	stream.linear.scatter [tilespmem:s19], [sflag:$0x3], $0x4800, $0x38;
	[tilespmem:$0x11000] =	vst v63  }
0x52: {  	_ =	swait.ge [sflag:s20], $0x4000  }
0x53: {  	[sflag:s20] =	ssyncset.done $0x0  }
0x54: {  	[sflag:s20] =	ssyncadd.s32 $0xFFFFC000  }
0x55: {  	_ =	swait.ge [sflag:s23], $0x4800  }
0x56: {  	[sflag:s23] =	ssyncset.done $0x0  }
0x57: {  	[sflag:s23] =	ssyncadd.s32 $0xFFFFB800  }
0x58: {  	[hbm4b:s13+s2] =	stream.linear.scatter [tilespmem:s21], [sflag:$0x4], $0x4800, $0x38;
	[tilespmem:$0x11000] =	vst v63  }
0x59: {  	_ =	swait.ge [sflag:s22], $0x4800  }
.Ltmp3:
0x5a: {  	[sflag:s22] =	ssyncset.done $0x0;
	(pc) =	sbr.rel @p0 .LBB2_7-.Ltmp3, $4  }
0x5b: {  	[sflag:s22] =	ssyncadd.s32 $0xFFFFB800  }
0x5c: {  	_ =	swait.ge [sflag:s23], $0x4800  }
0x5d: {  	[sflag:s23] =	ssyncset.done $0x0  }
0x5e: {  	[sflag:s23] =	ssyncadd.s32 $0xFFFFB800  }
0x5f: {  	s1 =	simm.s32 $0x0  }
0x60: {  	[tilespmem:s1], [sflag:$0x5] =	stream.linear.gather [hbm4b:s4+s1], $0x380, $0x38;
	[tilespmem:$0x11000] =	vst v63  }
0x61: {  	s24 =	sadd.s32 $0x80, s4;
	s25 =	simm.s32 $0x400  }
0x62: {  	[tilespmem:s25], [sflag:$0x5] =	stream.linear.gather [hbm4b:s24+s1], $0x380, $0x38;
	[tilespmem:$0x11000] =	vst v63  }
0x63: {  	s26 =	simm.s32 $0x800;
	s25 =	sadd.s32 $0x100, s4  }
0x64: {  	[tilespmem:s26], [sflag:$0x5] =	stream.linear.gather [hbm4b:s25+s1], $0x380, $0x38;
	[tilespmem:$0x11000] =	vst v63  }
0x65: {  	s25 =	sadd.s32 $0x180, s4;
	s26 =	simm.s32 $0xC00  }
0x66: {  	[tilespmem:s26], [sflag:$0x5] =	stream.linear.gather [hbm4b:s25+s1], $0x380, $0x38;
	[tilespmem:$0x11000] =	vst v63  }
0x67: {  	s24 =	simm.s32 $0x1000;
	s26 =	sadd.s32 $0x200, s4  }
0x68: {  	[tilespmem:s24], [sflag:$0x5] =	stream.linear.gather [hbm4b:s26+s1], $0x380, $0x38;
	[tilespmem:$0x11000] =	vst v63  }
0x69: {  	s25 =	sadd.s32 $0x280, s4;
	s26 =	simm.s32 $0x1400  }
0x6a: {  	[tilespmem:s26], [sflag:$0x5] =	stream.linear.gather [hbm4b:s25+s1], $0x380, $0x38;
	[tilespmem:$0x11000] =	vst v63  }
0x6b: {  	s25 =	sadd.s32 $0x300, s4;
	s26 =	simm.s32 $0x1800  }
0x6c: {  	[tilespmem:s26], [sflag:$0x5] =	stream.linear.gather [hbm4b:s25+s1], $0x380, $0x38;
	[tilespmem:$0x11000] =	vst v63  }
0x6d: {  	s25 =	sadd.s32 $0x380, s4;
	s26 =	simm.s32 $0x1C00  }
0x6e: {  	[tilespmem:s26], [sflag:$0x5] =	stream.linear.gather [hbm4b:s25+s1], $0x380, $0x38;
	[tilespmem:$0x11000] =	vst v63  }
0x6f: {  	_ =	swait.ge [sflag:s31], $0x1C00  }
0x70: {  	[sflag:s31] =	ssyncset.done $0x0  }
0x71: {  	s25 =	simm.s32 $0x9000;
	[sflag:s31] =	ssyncadd.s32 $0xFFFFE400  }
.LBB2_5:
0x72: {  	v1 =	vld [tilespmem:s24+$0xFFFFF000];
	_ =	sdelay $0x4  }
0x73: {  	(xrf2) =	vadd.scan.msk.f32 $0xffff, v1;
	_ =	sdelay $0x9  }
0x74: {  	v2, _, _ =	vpop (xrf2)  }
0x75: {  	v2 =	vsub.f32 v2, v1;
	_ =	sdelay $0x1  }
0x76: {  	v3 =	vadd.f32 $0.0e+00, v2;
	_ =	sdelay $0x1  }
0x77: {  	v1 =	vperm.xlane v1, v0;
	[tilespmem:s25+$0xFFFFF000] =	vst v3  }
0x78: {  	v3 =	vld [tilespmem:s24+$0xFFFFF010]  }
0x79: {  	(xrf2) =	vadd.scan.msk.f32 $0xffff, v1;
	_ =	sdelay $0x3  }
0x7a: {  	(xrf2) =	vadd.scan.msk.f32 $0xffff, v3;
	_ =	sdelay $0x5  }
0x7b: {  	v1, _, _ =	vpop (xrf2)  }
0x7c: {  	v1 =	vperm.xlane v1, v0;
	_ =	sdelay $0x1  }
0x7d: {  	v1 =	vadd.f32 v2, v1  }
0x7e: {  	v2, _, _ =	vpop (xrf2)  }
0x7f: {  	v1 =	vadd.f32 $0.0e+00, v1;
	v2 =	vsub.f32 v2, v3;
	_ =	sdelay $0x1  }
0x80: {  	v4 =	vadd.f32 v2, v1  }
0x81: {  	v3 =	vperm.xlane v3, v0  }
0x82: {  	[tilespmem:s25+$0xFFFFF010] =	vst v4  }
0x83: {  	(xrf2) =	vadd.scan.msk.f32 $0xffff, v3;
	v4 =	vld [tilespmem:s24+$0xFFFFF020];
	_ =	sdelay $0x4  }
0x84: {  	(xrf2) =	vadd.scan.msk.f32 $0xffff, v4;
	_ =	sdelay $0x4  }
0x85: {  	v3, _, _ =	vpop (xrf2)  }
0x86: {  	v3 =	vperm.xlane v3, v0;
	_ =	sdelay $0x2  }
0x87: {  	v2 =	vadd.f32 v2, v3  }
0x88: {  	v3, _, _ =	vpop (xrf2)  }
0x89: {  	v1 =	vadd.f32 v2, v1;
	v2 =	vsub.f32 v3, v4;
	_ =	sdelay $0x1  }
0x8a: {  	v3 =	vadd.f32 v2, v1;
	_ =	sdelay $0x1  }
0x8b: {  	v4 =	vperm.xlane v4, v0;
	[tilespmem:s25+$0xFFFFF020] =	vst v3  }
0x8c: {  	v3 =	vld [tilespmem:s24+$0xFFFFF030]  }
0x8d: {  	(xrf2) =	vadd.scan.msk.f32 $0xffff, v4;
	_ =	sdelay $0x3  }
0x8e: {  	(xrf2) =	vadd.scan.msk.f32 $0xffff, v3;
	_ =	sdelay $0x5  }
0x8f: {  	v4, _, _ =	vpop (xrf2)  }
0x90: {  	v4 =	vperm.xlane v4, v0;
	_ =	sdelay $0x1  }
0x91: {  	v2 =	vadd.f32 v2, v4  }
0x92: {  	v32, _, _ =	vpop (xrf2)  }
0x93: {  	v1 =	vadd.f32 v2, v1;
	v2 =	vsub.f32 v32, v3;
	_ =	sdelay $0x1  }
0x94: {  	v4 =	vadd.f32 v2, v1  }
0x95: {  	v3 =	vperm.xlane v3, v0  }
0x96: {  	[tilespmem:s25+$0xFFFFF030] =	vst v4  }
0x97: {  	(xrf2) =	vadd.scan.msk.f32 $0xffff, v3;
	v4 =	vld [tilespmem:s24+$0xFFFFF040];
	_ =	sdelay $0x4  }
0x98: {  	(xrf2) =	vadd.scan.msk.f32 $0xffff, v4;
	_ =	sdelay $0x4  }
0x99: {  	v3, _, _ =	vpop (xrf2)  }
0x9a: {  	v3 =	vperm.xlane v3, v0;
	_ =	sdelay $0x2  }
0x9b: {  	v2 =	vadd.f32 v2, v3  }
0x9c: {  	v3, _, _ =	vpop (xrf2)  }
0x9d: {  	v1 =	vadd.f32 v2, v1;
	v2 =	vsub.f32 v3, v4;
	_ =	sdelay $0x1  }
0x9e: {  	v3 =	vadd.f32 v2, v1;
	_ =	sdelay $0x1  }
0x9f: {  	v4 =	vperm.xlane v4, v0;
	[tilespmem:s25+$0xFFFFF040] =	vst v3  }
0xa0: {  	v3 =	vld [tilespmem:s24+$0xFFFFF050]  }
0xa1: {  	(xrf2) =	vadd.scan.msk.f32 $0xffff, v4;
	_ =	sdelay $0x3  }
0xa2: {  	(xrf2) =	vadd.scan.msk.f32 $0xffff, v3;
	_ =	sdelay $0x5  }
0xa3: {  	v4, _, _ =	vpop (xrf2)  }
0xa4: {  	v4 =	vperm.xlane v4, v0;
	_ =	sdelay $0x1  }
0xa5: {  	v2 =	vadd.f32 v2, v4  }
0xa6: {  	v33, _, _ =	vpop (xrf2)  }
0xa7: {  	v1 =	vadd.f32 v2, v1;
	v2 =	vsub.f32 v33, v3;
	_ =	sdelay $0x1  }
0xa8: {  	v4 =	vadd.f32 v2, v1  }
0xa9: {  	v3 =	vperm.xlane v3, v0  }
0xaa: {  	[tilespmem:s25+$0xFFFFF050] =	vst v4  }
0xab: {  	(xrf2) =	vadd.scan.msk.f32 $0xffff, v3;
	v4 =	vld [tilespmem:s24+$0xFFFFF060];
	_ =	sdelay $0x4  }
0xac: {  	(xrf2) =	vadd.scan.msk.f32 $0xffff, v4;
	_ =	sdelay $0x4  }
0xad: {  	v3, _, _ =	vpop (xrf2)  }
0xae: {  	v3 =	vperm.xlane v3, v0;
	_ =	sdelay $0x2  }
0xaf: {  	v2 =	vadd.f32 v2, v3  }
0xb0: {  	v3, _, _ =	vpop (xrf2)  }
0xb1: {  	v1 =	vadd.f32 v2, v1;
	v2 =	vsub.f32 v3, v4;
	_ =	sdelay $0x1  }
0xb2: {  	v3 =	vadd.f32 v2, v1;
	_ =	sdelay $0x1  }
0xb3: {  	v4 =	vperm.xlane v4, v0;
	[tilespmem:s25+$0xFFFFF060] =	vst v3  }
0xb4: {  	v3 =	vld [tilespmem:s24+$0xFFFFF070]  }
0xb5: {  	(xrf2) =	vadd.scan.msk.f32 $0xffff, v4;
	_ =	sdelay $0x3  }
0xb6: {  	(xrf2) =	vadd.scan.msk.f32 $0xffff, v3;
	_ =	sdelay $0x5  }
0xb7: {  	v4, _, _ =	vpop (xrf2)  }
0xb8: {  	v4 =	vperm.xlane v4, v0;
	_ =	sdelay $0x1  }
0xb9: {  	v2 =	vadd.f32 v2, v4  }
0xba: {  	v34, _, _ =	vpop (xrf2)  }
0xbb: {  	v1 =	vadd.f32 v2, v1;
	v2 =	vsub.f32 v34, v3;
	_ =	sdelay $0x1  }
0xbc: {  	v4 =	vadd.f32 v2, v1  }
0xbd: {  	v3 =	vperm.xlane v3, v0  }
0xbe: {  	[tilespmem:s25+$0xFFFFF070] =	vst v4  }
0xbf: {  	(xrf2) =	vadd.scan.msk.f32 $0xffff, v3;
	v4 =	vld [tilespmem:s24+$0xFFFFF400];
	_ =	sdelay $0x4  }
0xc0: {  	(xrf2) =	vadd.scan.msk.f32 $0xffff, v4;
	_ =	sdelay $0x4  }
0xc1: {  	v3, _, _ =	vpop (xrf2)  }
0xc2: {  	v3 =	vperm.xlane v3, v0;
	_ =	sdelay $0x2  }
0xc3: {  	v2 =	vadd.f32 v2, v3  }
0xc4: {  	v3, _, _ =	vpop (xrf2)  }
0xc5: {  	v1 =	vadd.f32 v2, v1;
	v2 =	vsub.f32 v3, v4;
	_ =	sdelay $0x1  }
0xc6: {  	v3 =	vadd.f32 v2, v1;
	_ =	sdelay $0x1  }
0xc7: {  	v4 =	vperm.xlane v4, v0;
	[tilespmem:s25+$0xFFFFF400] =	vst v3  }
0xc8: {  	v3 =	vld [tilespmem:s24+$0xFFFFF410]  }
0xc9: {  	(xrf2) =	vadd.scan.msk.f32 $0xffff, v4;
	_ =	sdelay $0x3  }
0xca: {  	(xrf2) =	vadd.scan.msk.f32 $0xffff, v3;
	_ =	sdelay $0x5  }
0xcb: {  	v4, _, _ =	vpop (xrf2)  }
0xcc: {  	v4 =	vperm.xlane v4, v0;
	_ =	sdelay $0x1  }
0xcd: {  	v2 =	vadd.f32 v2, v4  }
0xce: {  	v35, _, _ =	vpop (xrf2)  }
0xcf: {  	v1 =	vadd.f32 v2, v1;
	v2 =	vsub.f32 v35, v3;
	_ =	sdelay $0x1  }
0xd0: {  	v4 =	vadd.f32 v2, v1  }
0xd1: {  	v3 =	vperm.xlane v3, v0  }
0xd2: {  	[tilespmem:s25+$0xFFFFF410] =	vst v4  }
0xd3: {  	(xrf2) =	vadd.scan.msk.f32 $0xffff, v3;
	v4 =	vld [tilespmem:s24+$0xFFFFF420];
	_ =	sdelay $0x4  }
0xd4: {  	(xrf2) =	vadd.scan.msk.f32 $0xffff, v4;
	_ =	sdelay $0x4  }
0xd5: {  	v3, _, _ =	vpop (xrf2)  }
0xd6: {  	v3 =	vperm.xlane v3, v0;
	_ =	sdelay $0x2  }
0xd7: {  	v2 =	vadd.f32 v2, v3  }
0xd8: {  	v3, _, _ =	vpop (xrf2)  }
0xd9: {  	v1 =	vadd.f32 v2, v1;
	v2 =	vsub.f32 v3, v4;
	_ =	sdelay $0x1  }
0xda: {  	v3 =	vadd.f32 v2, v1;
	_ =	sdelay $0x1  }
0xdb: {  	v4 =	vperm.xlane v4, v0;
	[tilespmem:s25+$0xFFFFF420] =	vst v3  }
0xdc: {  	v3 =	vld [tilespmem:s24+$0xFFFFF430]  }
0xdd: {  	(xrf2) =	vadd.scan.msk.f32 $0xffff, v4;
	_ =	sdelay $0x3  }
0xde: {  	(xrf2) =	vadd.scan.msk.f32 $0xffff, v3;
	_ =	sdelay $0x5  }
0xdf: {  	v4, _, _ =	vpop (xrf2)  }
0xe0: {  	v4 =	vperm.xlane v4, v0;
	_ =	sdelay $0x1  }
0xe1: {  	v2 =	vadd.f32 v2, v4  }
0xe2: {  	v36, _, _ =	vpop (xrf2)  }
0xe3: {  	v1 =	vadd.f32 v2, v1;
	v2 =	vsub.f32 v36, v3;
	_ =	sdelay $0x1  }
0xe4: {  	v4 =	vadd.f32 v2, v1  }
0xe5: {  	v3 =	vperm.xlane v3, v0  }
0xe6: {  	[tilespmem:s25+$0xFFFFF430] =	vst v4  }
0xe7: {  	(xrf2) =	vadd.scan.msk.f32 $0xffff, v3;
	v4 =	vld [tilespmem:s24+$0xFFFFF440];
	_ =	sdelay $0x4  }
0xe8: {  	(xrf2) =	vadd.scan.msk.f32 $0xffff, v4;
	_ =	sdelay $0x4  }
0xe9: {  	v3, _, _ =	vpop (xrf2)  }
0xea: {  	v3 =	vperm.xlane v3, v0;
	_ =	sdelay $0x2  }
0xeb: {  	v2 =	vadd.f32 v2, v3  }
0xec: {  	v3, _, _ =	vpop (xrf2)  }
0xed: {  	v1 =	vadd.f32 v2, v1;
	v2 =	vsub.f32 v3, v4;
	_ =	sdelay $0x1  }
0xee: {  	v3 =	vadd.f32 v2, v1;
	_ =	sdelay $0x1  }
0xef: {  	v4 =	vperm.xlane v4, v0;
	[tilespmem:s25+$0xFFFFF440] =	vst v3  }
0xf0: {  	v3 =	vld [tilespmem:s24+$0xFFFFF450]  }
0xf1: {  	(xrf2) =	vadd.scan.msk.f32 $0xffff, v4;
	_ =	sdelay $0x3  }
0xf2: {  	(xrf2) =	vadd.scan.msk.f32 $0xffff, v3;
	_ =	sdelay $0x5  }
0xf3: {  	v4, _, _ =	vpop (xrf2)  }
0xf4: {  	v4 =	vperm.xlane v4, v0;
	_ =	sdelay $0x1  }
0xf5: {  	v2 =	vadd.f32 v2, v4  }
0xf6: {  	v37, _, _ =	vpop (xrf2)  }
0xf7: {  	v1 =	vadd.f32 v2, v1;
	v2 =	vsub.f32 v37, v3;
	_ =	sdelay $0x1  }
0xf8: {  	v4 =	vadd.f32 v2, v1  }
0xf9: {  	v3 =	vperm.xlane v3, v0  }
0xfa: {  	[tilespmem:s25+$0xFFFFF450] =	vst v4  }
0xfb: {  	(xrf2) =	vadd.scan.msk.f32 $0xffff, v3;
	v4 =	vld [tilespmem:s24+$0xFFFFF460];
	_ =	sdelay $0x4  }
0xfc: {  	(xrf2) =	vadd.scan.msk.f32 $0xffff, v4;
	_ =	sdelay $0x4  }
0xfd: {  	v3, _, _ =	vpop (xrf2)  }
0xfe: {  	v3 =	vperm.xlane v3, v0;
	_ =	sdelay $0x2  }
0xff: {  	v2 =	vadd.f32 v2, v3  }
0x100: {  	v3, _, _ =	vpop (xrf2)  }
0x101: {  	v1 =	vadd.f32 v2, v1;
	v2 =	vsub.f32 v3, v4;
	_ =	sdelay $0x1  }
0x102: {  	v3 =	vadd.f32 v2, v1;
	_ =	sdelay $0x1  }
0x103: {  	v4 =	vperm.xlane v4, v0;
	[tilespmem:s25+$0xFFFFF460] =	vst v3  }
0x104: {  	v3 =	vld [tilespmem:s24+$0xFFFFF470]  }
0x105: {  	(xrf2) =	vadd.scan.msk.f32 $0xffff, v4;
	_ =	sdelay $0x3  }
0x106: {  	(xrf2) =	vadd.scan.msk.f32 $0xffff, v3;
	_ =	sdelay $0x5  }
0x107: {  	v4, _, _ =	vpop (xrf2)  }
0x108: {  	v4 =	vperm.xlane v4, v0;
	_ =	sdelay $0x1  }
0x109: {  	v2 =	vadd.f32 v2, v4  }
0x10a: {  	v38, _, _ =	vpop (xrf2)  }
0x10b: {  	v1 =	vadd.f32 v2, v1;
	v2 =	vsub.f32 v38, v3;
	_ =	sdelay $0x1  }
0x10c: {  	v4 =	vadd.f32 v2, v1  }
0x10d: {  	v3 =	vperm.xlane v3, v0  }
0x10e: {  	[tilespmem:s25+$0xFFFFF470] =	vst v4  }
0x10f: {  	(xrf2) =	vadd.scan.msk.f32 $0xffff, v3;
	v4 =	vld [tilespmem:s24+$0xFFFFF800];
	_ =	sdelay $0x4  }
0x110: {  	(xrf2) =	vadd.scan.msk.f32 $0xffff, v4;
	_ =	sdelay $0x4  }
0x111: {  	v3, _, _ =	vpop (xrf2)  }
0x112: {  	v3 =	vperm.xlane v3, v0;
	_ =	sdelay $0x2  }
0x113: {  	v2 =	vadd.f32 v2, v3  }
0x114: {  	v3, _, _ =	vpop (xrf2)  }
0x115: {  	v1 =	vadd.f32 v2, v1;
	v2 =	vsub.f32 v3, v4;
	_ =	sdelay $0x1  }
0x116: {  	v3 =	vadd.f32 v2, v1;
	_ =	sdelay $0x1  }
0x117: {  	v4 =	vperm.xlane v4, v0;
	[tilespmem:s25+$0xFFFFF800] =	vst v3  }
0x118: {  	v3 =	vld [tilespmem:s24+$0xFFFFF810]  }
0x119: {  	(xrf2) =	vadd.scan.msk.f32 $0xffff, v4;
	_ =	sdelay $0x3  }
0x11a: {  	(xrf2) =	vadd.scan.msk.f32 $0xffff, v3;
	_ =	sdelay $0x5  }
0x11b: {  	v4, _, _ =	vpop (xrf2)  }
0x11c: {  	v4 =	vperm.xlane v4, v0;
	_ =	sdelay $0x1  }
0x11d: {  	v2 =	vadd.f32 v2, v4  }
0x11e: {  	v39, _, _ =	vpop (xrf2)  }
0x11f: {  	v1 =	vadd.f32 v2, v1;
	v2 =	vsub.f32 v39, v3;
	_ =	sdelay $0x1  }
0x120: {  	v4 =	vadd.f32 v2, v1  }
0x121: {  	v3 =	vperm.xlane v3, v0  }
0x122: {  	[tilespmem:s25+$0xFFFFF810] =	vst v4  }
0x123: {  	(xrf2) =	vadd.scan.msk.f32 $0xffff, v3;
	v4 =	vld [tilespmem:s24+$0xFFFFF820];
	_ =	sdelay $0x4  }
0x124: {  	(xrf2) =	vadd.scan.msk.f32 $0xffff, v4;
	_ =	sdelay $0x4  }
0x125: {  	v3, _, _ =	vpop (xrf2)  }
0x126: {  	v3 =	vperm.xlane v3, v0;
	_ =	sdelay $0x2  }
0x127: {  	v2 =	vadd.f32 v2, v3  }
0x128: {  	v3, _, _ =	vpop (xrf2)  }
0x129: {  	v1 =	vadd.f32 v2, v1;
	v2 =	vsub.f32 v3, v4;
	_ =	sdelay $0x1  }
0x12a: {  	v3 =	vadd.f32 v2, v1;
	_ =	sdelay $0x1  }
0x12b: {  	v4 =	vperm.xlane v4, v0;
	[tilespmem:s25+$0xFFFFF820] =	vst v3  }
0x12c: {  	v3 =	vld [tilespmem:s24+$0xFFFFF830]  }
0x12d: {  	(xrf2) =	vadd.scan.msk.f32 $0xffff, v4;
	_ =	sdelay $0x3  }
0x12e: {  	(xrf2) =	vadd.scan.msk.f32 $0xffff, v3;
	_ =	sdelay $0x5  }
0x12f: {  	v4, _, _ =	vpop (xrf2)  }
0x130: {  	v4 =	vperm.xlane v4, v0;
	_ =	sdelay $0x1  }
0x131: {  	v2 =	vadd.f32 v2, v4  }
0x132: {  	v40, _, _ =	vpop (xrf2)  }
0x133: {  	v1 =	vadd.f32 v2, v1;
	v2 =	vsub.f32 v40, v3;
	_ =	sdelay $0x1  }
0x134: {  	v4 =	vadd.f32 v2, v1  }
0x135: {  	v3 =	vperm.xlane v3, v0  }
0x136: {  	[tilespmem:s25+$0xFFFFF830] =	vst v4  }
0x137: {  	(xrf2) =	vadd.scan.msk.f32 $0xffff, v3;
	v4 =	vld [tilespmem:s24+$0xFFFFF840];
	_ =	sdelay $0x4  }
0x138: {  	(xrf2) =	vadd.scan.msk.f32 $0xffff, v4;
	_ =	sdelay $0x4  }
0x139: {  	v3, _, _ =	vpop (xrf2)  }
0x13a: {  	v3 =	vperm.xlane v3, v0;
	_ =	sdelay $0x2  }
0x13b: {  	v2 =	vadd.f32 v2, v3  }
0x13c: {  	v3, _, _ =	vpop (xrf2)  }
0x13d: {  	v1 =	vadd.f32 v2, v1;
	v2 =	vsub.f32 v3, v4;
	_ =	sdelay $0x1  }
0x13e: {  	v3 =	vadd.f32 v2, v1;
	_ =	sdelay $0x1  }
0x13f: {  	v4 =	vperm.xlane v4, v0;
	[tilespmem:s25+$0xFFFFF840] =	vst v3  }
0x140: {  	v3 =	vld [tilespmem:s24+$0xFFFFF850]  }
0x141: {  	(xrf2) =	vadd.scan.msk.f32 $0xffff, v4;
	_ =	sdelay $0x3  }
0x142: {  	(xrf2) =	vadd.scan.msk.f32 $0xffff, v3;
	_ =	sdelay $0x5  }
0x143: {  	v4, _, _ =	vpop (xrf2)  }
0x144: {  	v4 =	vperm.xlane v4, v0;
	_ =	sdelay $0x1  }
0x145: {  	v2 =	vadd.f32 v2, v4  }
0x146: {  	v41, _, _ =	vpop (xrf2)  }
0x147: {  	v1 =	vadd.f32 v2, v1;
	v2 =	vsub.f32 v41, v3;
	_ =	sdelay $0x1  }
0x148: {  	v4 =	vadd.f32 v2, v1  }
0x149: {  	v3 =	vperm.xlane v3, v0  }
0x14a: {  	[tilespmem:s25+$0xFFFFF850] =	vst v4  }
0x14b: {  	(xrf2) =	vadd.scan.msk.f32 $0xffff, v3;
	v4 =	vld [tilespmem:s24+$0xFFFFF860];
	_ =	sdelay $0x4  }
0x14c: {  	(xrf2) =	vadd.scan.msk.f32 $0xffff, v4;
	_ =	sdelay $0x4  }
0x14d: {  	v3, _, _ =	vpop (xrf2)  }
0x14e: {  	v3 =	vperm.xlane v3, v0;
	_ =	sdelay $0x2  }
0x14f: {  	v2 =	vadd.f32 v2, v3  }
0x150: {  	v3, _, _ =	vpop (xrf2)  }
0x151: {  	v1 =	vadd.f32 v2, v1;
	v2 =	vsub.f32 v3, v4;
	_ =	sdelay $0x1  }
0x152: {  	v3 =	vadd.f32 v2, v1;
	_ =	sdelay $0x1  }
0x153: {  	v4 =	vperm.xlane v4, v0;
	[tilespmem:s25+$0xFFFFF860] =	vst v3  }
0x154: {  	v3 =	vld [tilespmem:s24+$0xFFFFF870]  }
0x155: {  	(xrf2) =	vadd.scan.msk.f32 $0xffff, v4;
	_ =	sdelay $0x3  }
0x156: {  	(xrf2) =	vadd.scan.msk.f32 $0xffff, v3;
	_ =	sdelay $0x5  }
0x157: {  	v4, _, _ =	vpop (xrf2)  }
0x158: {  	v4 =	vperm.xlane v4, v0;
	_ =	sdelay $0x1  }
0x159: {  	v2 =	vadd.f32 v2, v4  }
0x15a: {  	v42, _, _ =	vpop (xrf2)  }
0x15b: {  	v1 =	vadd.f32 v2, v1;
	v2 =	vsub.f32 v42, v3;
	_ =	sdelay $0x1  }
0x15c: {  	v4 =	vadd.f32 v2, v1  }
0x15d: {  	v3 =	vperm.xlane v3, v0  }
0x15e: {  	[tilespmem:s25+$0xFFFFF870] =	vst v4  }
0x15f: {  	(xrf2) =	vadd.scan.msk.f32 $0xffff, v3;
	v4 =	vld [tilespmem:s24+$0xFFFFFC00];
	_ =	sdelay $0x4  }
0x160: {  	(xrf2) =	vadd.scan.msk.f32 $0xffff, v4;
	_ =	sdelay $0x4  }
0x161: {  	v3, _, _ =	vpop (xrf2)  }
0x162: {  	v3 =	vperm.xlane v3, v0;
	_ =	sdelay $0x2  }
0x163: {  	v2 =	vadd.f32 v2, v3  }
0x164: {  	v3, _, _ =	vpop (xrf2)  }
0x165: {  	v1 =	vadd.f32 v2, v1;
	v2 =	vsub.f32 v3, v4;
	_ =	sdelay $0x1  }
0x166: {  	v3 =	vadd.f32 v2, v1;
	_ =	sdelay $0x1  }
0x167: {  	v4 =	vperm.xlane v4, v0;
	[tilespmem:s25+$0xFFFFFC00] =	vst v3  }
0x168: {  	v3 =	vld [tilespmem:s24+$0xFFFFFC10]  }
0x169: {  	(xrf2) =	vadd.scan.msk.f32 $0xffff, v4;
	_ =	sdelay $0x3  }
0x16a: {  	(xrf2) =	vadd.scan.msk.f32 $0xffff, v3;
	_ =	sdelay $0x5  }
0x16b: {  	v4, _, _ =	vpop (xrf2)  }
0x16c: {  	v4 =	vperm.xlane v4, v0;
	_ =	sdelay $0x1  }
0x16d: {  	v2 =	vadd.f32 v2, v4  }
0x16e: {  	v43, _, _ =	vpop (xrf2)  }
0x16f: {  	v1 =	vadd.f32 v2, v1;
	v2 =	vsub.f32 v43, v3;
	_ =	sdelay $0x1  }
0x170: {  	v4 =	vadd.f32 v2, v1  }
0x171: {  	v3 =	vperm.xlane v3, v0  }
0x172: {  	[tilespmem:s25+$0xFFFFFC10] =	vst v4  }
0x173: {  	(xrf2) =	vadd.scan.msk.f32 $0xffff, v3;
	v4 =	vld [tilespmem:s24+$0xFFFFFC20];
	_ =	sdelay $0x4  }
0x174: {  	(xrf2) =	vadd.scan.msk.f32 $0xffff, v4;
	_ =	sdelay $0x4  }
0x175: {  	v3, _, _ =	vpop (xrf2)  }
0x176: {  	v3 =	vperm.xlane v3, v0;
	_ =	sdelay $0x2  }
0x177: {  	v2 =	vadd.f32 v2, v3  }
0x178: {  	v3, _, _ =	vpop (xrf2)  }
0x179: {  	v1 =	vadd.f32 v2, v1;
	v2 =	vsub.f32 v3, v4;
	_ =	sdelay $0x1  }
0x17a: {  	v3 =	vadd.f32 v2, v1;
	_ =	sdelay $0x1  }
0x17b: {  	v4 =	vperm.xlane v4, v0;
	[tilespmem:s25+$0xFFFFFC20] =	vst v3  }
0x17c: {  	v3 =	vld [tilespmem:s24+$0xFFFFFC30]  }
0x17d: {  	(xrf2) =	vadd.scan.msk.f32 $0xffff, v4;
	_ =	sdelay $0x3  }
0x17e: {  	(xrf2) =	vadd.scan.msk.f32 $0xffff, v3;
	_ =	sdelay $0x5  }
0x17f: {  	v4, _, _ =	vpop (xrf2)  }
0x180: {  	v4 =	vperm.xlane v4, v0;
	_ =	sdelay $0x1  }
0x181: {  	v2 =	vadd.f32 v2, v4  }
0x182: {  	v44, _, _ =	vpop (xrf2)  }
0x183: {  	v1 =	vadd.f32 v2, v1;
	v2 =	vsub.f32 v44, v3;
	_ =	sdelay $0x1  }
0x184: {  	v4 =	vadd.f32 v2, v1  }
0x185: {  	v3 =	vperm.xlane v3, v0  }
0x186: {  	[tilespmem:s25+$0xFFFFFC30] =	vst v4  }
0x187: {  	(xrf2) =	vadd.scan.msk.f32 $0xffff, v3;
	v4 =	vld [tilespmem:s24+$0xFFFFFC40];
	_ =	sdelay $0x4  }
0x188: {  	(xrf2) =	vadd.scan.msk.f32 $0xffff, v4;
	_ =	sdelay $0x4  }
0x189: {  	v3, _, _ =	vpop (xrf2)  }
0x18a: {  	v3 =	vperm.xlane v3, v0;
	_ =	sdelay $0x2  }
0x18b: {  	v2 =	vadd.f32 v2, v3  }
0x18c: {  	v3, _, _ =	vpop (xrf2)  }
0x18d: {  	v1 =	vadd.f32 v2, v1;
	v2 =	vsub.f32 v3, v4;
	_ =	sdelay $0x1  }
0x18e: {  	v3 =	vadd.f32 v2, v1;
	_ =	sdelay $0x1  }
0x18f: {  	v4 =	vperm.xlane v4, v0;
	[tilespmem:s25+$0xFFFFFC40] =	vst v3  }
0x190: {  	v3 =	vld [tilespmem:s24+$0xFFFFFC50]  }
0x191: {  	(xrf2) =	vadd.scan.msk.f32 $0xffff, v4;
	_ =	sdelay $0x3  }
0x192: {  	(xrf2) =	vadd.scan.msk.f32 $0xffff, v3;
	_ =	sdelay $0x5  }
0x193: {  	v4, _, _ =	vpop (xrf2)  }
0x194: {  	v4 =	vperm.xlane v4, v0;
	_ =	sdelay $0x1  }
0x195: {  	v2 =	vadd.f32 v2, v4  }
0x196: {  	v45, _, _ =	vpop (xrf2)  }
0x197: {  	v1 =	vadd.f32 v2, v1;
	v2 =	vsub.f32 v45, v3;
	_ =	sdelay $0x1  }
0x198: {  	v4 =	vadd.f32 v2, v1  }
0x199: {  	v3 =	vperm.xlane v3, v0  }
0x19a: {  	[tilespmem:s25+$0xFFFFFC50] =	vst v4  }
0x19b: {  	(xrf2) =	vadd.scan.msk.f32 $0xffff, v3;
	v4 =	vld [tilespmem:s24+$0xFFFFFC60];
	_ =	sdelay $0x4  }
0x19c: {  	(xrf2) =	vadd.scan.msk.f32 $0xffff, v4;
	_ =	sdelay $0x4  }
0x19d: {  	v3, _, _ =	vpop (xrf2)  }
0x19e: {  	v3 =	vperm.xlane v3, v0;
	_ =	sdelay $0x2  }
0x19f: {  	v2 =	vadd.f32 v2, v3  }
0x1a0: {  	v3, _, _ =	vpop (xrf2)  }
0x1a1: {  	v1 =	vadd.f32 v2, v1;
	v2 =	vsub.f32 v3, v4;
	_ =	sdelay $0x1  }
0x1a2: {  	v3 =	vadd.f32 v2, v1;
	_ =	sdelay $0x1  }
0x1a3: {  	v4 =	vperm.xlane v4, v0;
	[tilespmem:s25+$0xFFFFFC60] =	vst v3  }
0x1a4: {  	v3 =	vld [tilespmem:s24+$0xFFFFFC70]  }
0x1a5: {  	(xrf2) =	vadd.scan.msk.f32 $0xffff, v4;
	_ =	sdelay $0x3  }
0x1a6: {  	(xrf2) =	vadd.scan.msk.f32 $0xffff, v3;
	_ =	sdelay $0x5  }
0x1a7: {  	v4, _, _ =	vpop (xrf2)  }
0x1a8: {  	v4 =	vperm.xlane v4, v0;
	_ =	sdelay $0x1  }
0x1a9: {  	v2 =	vadd.f32 v2, v4  }
0x1aa: {  	v46, _, _ =	vpop (xrf2)  }
0x1ab: {  	v1 =	vadd.f32 v2, v1;
	v2 =	vsub.f32 v46, v3;
	_ =	sdelay $0x1  }
0x1ac: {  	v4 =	vadd.f32 v2, v1  }
0x1ad: {  	v3 =	vperm.xlane v3, v0  }
0x1ae: {  	[tilespmem:s25+$0xFFFFFC70] =	vst v4  }
0x1af: {  	(xrf2) =	vadd.scan.msk.f32 $0xffff, v3;
	v4 =	vld [tilespmem:s24+$0x0];
	_ =	sdelay $0x4  }
0x1b0: {  	(xrf2) =	vadd.scan.msk.f32 $0xffff, v4;
	_ =	sdelay $0x4  }
0x1b1: {  	v3, _, _ =	vpop (xrf2)  }
0x1b2: {  	v3 =	vperm.xlane v3, v0;
	_ =	sdelay $0x2  }
0x1b3: {  	v2 =	vadd.f32 v2, v3  }
0x1b4: {  	v3, _, _ =	vpop (xrf2)  }
0x1b5: {  	v1 =	vadd.f32 v2, v1;
	v2 =	vsub.f32 v3, v4;
	_ =	sdelay $0x1  }
0x1b6: {  	v3 =	vadd.f32 v2, v1;
	_ =	sdelay $0x1  }
0x1b7: {  	v4 =	vperm.xlane v4, v0;
	[tilespmem:s25+$0x0] =	vst v3  }
0x1b8: {  	v3 =	vld [tilespmem:s24+$0x10]  }
0x1b9: {  	(xrf2) =	vadd.scan.msk.f32 $0xffff, v4;
	_ =	sdelay $0x3  }
0x1ba: {  	(xrf2) =	vadd.scan.msk.f32 $0xffff, v3;
	_ =	sdelay $0x5  }
0x1bb: {  	v4, _, _ =	vpop (xrf2)  }
0x1bc: {  	v4 =	vperm.xlane v4, v0;
	_ =	sdelay $0x1  }
0x1bd: {  	v2 =	vadd.f32 v2, v4  }
0x1be: {  	v47, _, _ =	vpop (xrf2)  }
0x1bf: {  	v1 =	vadd.f32 v2, v1;
	v2 =	vsub.f32 v47, v3;
	_ =	sdelay $0x1  }
0x1c0: {  	v4 =	vadd.f32 v2, v1  }
0x1c1: {  	v3 =	vperm.xlane v3, v0  }
0x1c2: {  	[tilespmem:s25+$0x10] =	vst v4  }
0x1c3: {  	(xrf2) =	vadd.scan.msk.f32 $0xffff, v3;
	v4 =	vld [tilespmem:s24+$0x20];
	_ =	sdelay $0x4  }
0x1c4: {  	(xrf2) =	vadd.scan.msk.f32 $0xffff, v4;
	_ =	sdelay $0x4  }
0x1c5: {  	v3, _, _ =	vpop (xrf2)  }
0x1c6: {  	v3 =	vperm.xlane v3, v0;
	_ =	sdelay $0x2  }
0x1c7: {  	v2 =	vadd.f32 v2, v3  }
0x1c8: {  	v3, _, _ =	vpop (xrf2)  }
0x1c9: {  	v1 =	vadd.f32 v2, v1;
	v2 =	vsub.f32 v3, v4;
	_ =	sdelay $0x1  }
0x1ca: {  	v3 =	vadd.f32 v2, v1;
	_ =	sdelay $0x1  }
0x1cb: {  	v4 =	vperm.xlane v4, v0;
	[tilespmem:s25+$0x20] =	vst v3  }
0x1cc: {  	v3 =	vld [tilespmem:s24+$0x30]  }
0x1cd: {  	(xrf2) =	vadd.scan.msk.f32 $0xffff, v4;
	_ =	sdelay $0x3  }
0x1ce: {  	(xrf2) =	vadd.scan.msk.f32 $0xffff, v3;
	_ =	sdelay $0x5  }
0x1cf: {  	v4, _, _ =	vpop (xrf2)  }
0x1d0: {  	v4 =	vperm.xlane v4, v0;
	_ =	sdelay $0x1  }
0x1d1: {  	v2 =	vadd.f32 v2, v4  }
0x1d2: {  	v48, _, _ =	vpop (xrf2)  }
0x1d3: {  	v1 =	vadd.f32 v2, v1;
	v2 =	vsub.f32 v48, v3;
	_ =	sdelay $0x1  }
0x1d4: {  	v4 =	vadd.f32 v2, v1  }
0x1d5: {  	v3 =	vperm.xlane v3, v0  }
0x1d6: {  	[tilespmem:s25+$0x30] =	vst v4  }
0x1d7: {  	(xrf2) =	vadd.scan.msk.f32 $0xffff, v3;
	v4 =	vld [tilespmem:s24+$0x40];
	_ =	sdelay $0x4  }
0x1d8: {  	(xrf2) =	vadd.scan.msk.f32 $0xffff, v4;
	_ =	sdelay $0x4  }
0x1d9: {  	v3, _, _ =	vpop (xrf2)  }
0x1da: {  	v3 =	vperm.xlane v3, v0;
	_ =	sdelay $0x2  }
0x1db: {  	v2 =	vadd.f32 v2, v3  }
0x1dc: {  	v3, _, _ =	vpop (xrf2)  }
0x1dd: {  	v1 =	vadd.f32 v2, v1;
	v2 =	vsub.f32 v3, v4;
	_ =	sdelay $0x1  }
0x1de: {  	v3 =	vadd.f32 v2, v1;
	_ =	sdelay $0x1  }
0x1df: {  	v4 =	vperm.xlane v4, v0;
	[tilespmem:s25+$0x40] =	vst v3  }
0x1e0: {  	v3 =	vld [tilespmem:s24+$0x50]  }
0x1e1: {  	(xrf2) =	vadd.scan.msk.f32 $0xffff, v4;
	_ =	sdelay $0x3  }
0x1e2: {  	(xrf2) =	vadd.scan.msk.f32 $0xffff, v3;
	_ =	sdelay $0x5  }
0x1e3: {  	v4, _, _ =	vpop (xrf2)  }
0x1e4: {  	v4 =	vperm.xlane v4, v0;
	_ =	sdelay $0x1  }
0x1e5: {  	v2 =	vadd.f32 v2, v4  }
0x1e6: {  	v49, _, _ =	vpop (xrf2)  }
0x1e7: {  	v1 =	vadd.f32 v2, v1;
	v2 =	vsub.f32 v49, v3;
	_ =	sdelay $0x1  }
0x1e8: {  	v4 =	vadd.f32 v2, v1  }
0x1e9: {  	v3 =	vperm.xlane v3, v0  }
0x1ea: {  	[tilespmem:s25+$0x50] =	vst v4  }
0x1eb: {  	(xrf2) =	vadd.scan.msk.f32 $0xffff, v3;
	v4 =	vld [tilespmem:s24+$0x60];
	_ =	sdelay $0x4  }
0x1ec: {  	(xrf2) =	vadd.scan.msk.f32 $0xffff, v4;
	_ =	sdelay $0x4  }
0x1ed: {  	v3, _, _ =	vpop (xrf2)  }
0x1ee: {  	v3 =	vperm.xlane v3, v0;
	_ =	sdelay $0x2  }
0x1ef: {  	v2 =	vadd.f32 v2, v3  }
0x1f0: {  	v3, _, _ =	vpop (xrf2)  }
0x1f1: {  	v1 =	vadd.f32 v2, v1;
	v2 =	vsub.f32 v3, v4;
	_ =	sdelay $0x1  }
0x1f2: {  	v3 =	vadd.f32 v2, v1;
	_ =	sdelay $0x1  }
0x1f3: {  	v4 =	vperm.xlane v4, v0;
	[tilespmem:s25+$0x60] =	vst v3  }
0x1f4: {  	v3 =	vld [tilespmem:s24+$0x70]  }
0x1f5: {  	(xrf2) =	vadd.scan.msk.f32 $0xffff, v4;
	_ =	sdelay $0x3  }
0x1f6: {  	(xrf2) =	vadd.scan.msk.f32 $0xffff, v3;
	_ =	sdelay $0x5  }
0x1f7: {  	v4, _, _ =	vpop (xrf2)  }
0x1f8: {  	v4 =	vperm.xlane v4, v0;
	_ =	sdelay $0x1  }
0x1f9: {  	v2 =	vadd.f32 v2, v4  }
0x1fa: {  	v50, _, _ =	vpop (xrf2)  }
0x1fb: {  	v1 =	vadd.f32 v2, v1;
	v2 =	vsub.f32 v50, v3;
	_ =	sdelay $0x1  }
0x1fc: {  	v4 =	vadd.f32 v2, v1  }
0x1fd: {  	v3 =	vperm.xlane v3, v0  }
0x1fe: {  	[tilespmem:s25+$0x70] =	vst v4  }
0x1ff: {  	(xrf2) =	vadd.scan.msk.f32 $0xffff, v3;
	v4 =	vld [tilespmem:s24+$0x400];
	_ =	sdelay $0x4  }
0x200: {  	(xrf2) =	vadd.scan.msk.f32 $0xffff, v4;
	_ =	sdelay $0x4  }
0x201: {  	v3, _, _ =	vpop (xrf2)  }
0x202: {  	v3 =	vperm.xlane v3, v0;
	_ =	sdelay $0x2  }
0x203: {  	v2 =	vadd.f32 v2, v3  }
0x204: {  	v3, _, _ =	vpop (xrf2)  }
0x205: {  	v1 =	vadd.f32 v2, v1;
	v2 =	vsub.f32 v3, v4;
	_ =	sdelay $0x1  }
0x206: {  	v3 =	vadd.f32 v2, v1;
	_ =	sdelay $0x1  }
0x207: {  	v4 =	vperm.xlane v4, v0;
	[tilespmem:s25+$0x400] =	vst v3  }
0x208: {  	v3 =	vld [tilespmem:s24+$0x410]  }
0x209: {  	(xrf2) =	vadd.scan.msk.f32 $0xffff, v4;
	_ =	sdelay $0x3  }
0x20a: {  	(xrf2) =	vadd.scan.msk.f32 $0xffff, v3;
	_ =	sdelay $0x5  }
0x20b: {  	v4, _, _ =	vpop (xrf2)  }
0x20c: {  	v4 =	vperm.xlane v4, v0;
	_ =	sdelay $0x1  }
0x20d: {  	v2 =	vadd.f32 v2, v4  }
0x20e: {  	v51, _, _ =	vpop (xrf2)  }
0x20f: {  	v1 =	vadd.f32 v2, v1;
	v2 =	vsub.f32 v51, v3;
	_ =	sdelay $0x1  }
0x210: {  	v4 =	vadd.f32 v2, v1  }
0x211: {  	v3 =	vperm.xlane v3, v0  }
0x212: {  	[tilespmem:s25+$0x410] =	vst v4  }
0x213: {  	(xrf2) =	vadd.scan.msk.f32 $0xffff, v3;
	v4 =	vld [tilespmem:s24+$0x420];
	_ =	sdelay $0x4  }
0x214: {  	(xrf2) =	vadd.scan.msk.f32 $0xffff, v4;
	_ =	sdelay $0x4  }
0x215: {  	v3, _, _ =	vpop (xrf2)  }
0x216: {  	v3 =	vperm.xlane v3, v0;
	_ =	sdelay $0x2  }
0x217: {  	v2 =	vadd.f32 v2, v3  }
0x218: {  	v3, _, _ =	vpop (xrf2)  }
0x219: {  	v1 =	vadd.f32 v2, v1;
	v2 =	vsub.f32 v3, v4;
	_ =	sdelay $0x1  }
0x21a: {  	v3 =	vadd.f32 v2, v1;
	_ =	sdelay $0x1  }
0x21b: {  	v4 =	vperm.xlane v4, v0;
	[tilespmem:s25+$0x420] =	vst v3  }
0x21c: {  	v3 =	vld [tilespmem:s24+$0x430]  }
0x21d: {  	(xrf2) =	vadd.scan.msk.f32 $0xffff, v4;
	_ =	sdelay $0x3  }
0x21e: {  	(xrf2) =	vadd.scan.msk.f32 $0xffff, v3;
	_ =	sdelay $0x5  }
0x21f: {  	v4, _, _ =	vpop (xrf2)  }
0x220: {  	v4 =	vperm.xlane v4, v0;
	_ =	sdelay $0x1  }
0x221: {  	v2 =	vadd.f32 v2, v4  }
0x222: {  	v52, _, _ =	vpop (xrf2)  }
0x223: {  	v1 =	vadd.f32 v2, v1;
	v2 =	vsub.f32 v52, v3;
	_ =	sdelay $0x1  }
0x224: {  	v4 =	vadd.f32 v2, v1  }
0x225: {  	v3 =	vperm.xlane v3, v0  }
0x226: {  	[tilespmem:s25+$0x430] =	vst v4  }
0x227: {  	(xrf2) =	vadd.scan.msk.f32 $0xffff, v3;
	v4 =	vld [tilespmem:s24+$0x440];
	_ =	sdelay $0x4  }
0x228: {  	(xrf2) =	vadd.scan.msk.f32 $0xffff, v4;
	_ =	sdelay $0x4  }
0x229: {  	v3, _, _ =	vpop (xrf2)  }
0x22a: {  	v3 =	vperm.xlane v3, v0;
	_ =	sdelay $0x2  }
0x22b: {  	v2 =	vadd.f32 v2, v3  }
0x22c: {  	v3, _, _ =	vpop (xrf2)  }
0x22d: {  	v1 =	vadd.f32 v2, v1;
	v2 =	vsub.f32 v3, v4;
	_ =	sdelay $0x1  }
0x22e: {  	v3 =	vadd.f32 v2, v1;
	_ =	sdelay $0x1  }
0x22f: {  	v4 =	vperm.xlane v4, v0;
	[tilespmem:s25+$0x440] =	vst v3  }
0x230: {  	v3 =	vld [tilespmem:s24+$0x450]  }
0x231: {  	(xrf2) =	vadd.scan.msk.f32 $0xffff, v4;
	_ =	sdelay $0x3  }
0x232: {  	(xrf2) =	vadd.scan.msk.f32 $0xffff, v3;
	_ =	sdelay $0x5  }
0x233: {  	v4, _, _ =	vpop (xrf2)  }
0x234: {  	v4 =	vperm.xlane v4, v0;
	_ =	sdelay $0x1  }
0x235: {  	v2 =	vadd.f32 v2, v4  }
0x236: {  	v53, _, _ =	vpop (xrf2)  }
0x237: {  	v1 =	vadd.f32 v2, v1;
	v2 =	vsub.f32 v53, v3;
	_ =	sdelay $0x1  }
0x238: {  	v4 =	vadd.f32 v2, v1  }
0x239: {  	v3 =	vperm.xlane v3, v0  }
0x23a: {  	[tilespmem:s25+$0x450] =	vst v4  }
0x23b: {  	(xrf2) =	vadd.scan.msk.f32 $0xffff, v3;
	v4 =	vld [tilespmem:s24+$0x460];
	_ =	sdelay $0x4  }
0x23c: {  	(xrf2) =	vadd.scan.msk.f32 $0xffff, v4;
	_ =	sdelay $0x4  }
0x23d: {  	v3, _, _ =	vpop (xrf2)  }
0x23e: {  	v3 =	vperm.xlane v3, v0;
	_ =	sdelay $0x2  }
0x23f: {  	v2 =	vadd.f32 v2, v3  }
0x240: {  	v3, _, _ =	vpop (xrf2)  }
0x241: {  	v1 =	vadd.f32 v2, v1;
	v2 =	vsub.f32 v3, v4;
	_ =	sdelay $0x1  }
0x242: {  	v3 =	vadd.f32 v2, v1;
	_ =	sdelay $0x1  }
0x243: {  	v4 =	vperm.xlane v4, v0;
	[tilespmem:s25+$0x460] =	vst v3  }
0x244: {  	v3 =	vld [tilespmem:s24+$0x470]  }
0x245: {  	(xrf2) =	vadd.scan.msk.f32 $0xffff, v4;
	_ =	sdelay $0x3  }
0x246: {  	(xrf2) =	vadd.scan.msk.f32 $0xffff, v3;
	_ =	sdelay $0x5  }
0x247: {  	v4, _, _ =	vpop (xrf2)  }
0x248: {  	v4 =	vperm.xlane v4, v0;
	_ =	sdelay $0x1  }
0x249: {  	v2 =	vadd.f32 v2, v4  }
0x24a: {  	v54, _, _ =	vpop (xrf2)  }
0x24b: {  	v1 =	vadd.f32 v2, v1;
	v2 =	vsub.f32 v54, v3;
	_ =	sdelay $0x1  }
0x24c: {  	v4 =	vadd.f32 v2, v1  }
0x24d: {  	v3 =	vperm.xlane v3, v0  }
0x24e: {  	[tilespmem:s25+$0x470] =	vst v4  }
0x24f: {  	(xrf2) =	vadd.scan.msk.f32 $0xffff, v3;
	v4 =	vld [tilespmem:s24+$0x800];
	_ =	sdelay $0x4  }
0x250: {  	(xrf2) =	vadd.scan.msk.f32 $0xffff, v4;
	_ =	sdelay $0x4  }
0x251: {  	v3, _, _ =	vpop (xrf2)  }
0x252: {  	v3 =	vperm.xlane v3, v0;
	_ =	sdelay $0x2  }
0x253: {  	v2 =	vadd.f32 v2, v3  }
0x254: {  	v3, _, _ =	vpop (xrf2)  }
0x255: {  	v1 =	vadd.f32 v2, v1;
	v2 =	vsub.f32 v3, v4;
	_ =	sdelay $0x1  }
0x256: {  	v3 =	vadd.f32 v2, v1;
	_ =	sdelay $0x1  }
0x257: {  	v4 =	vperm.xlane v4, v0;
	[tilespmem:s25+$0x800] =	vst v3  }
0x258: {  	v3 =	vld [tilespmem:s24+$0x810]  }
0x259: {  	(xrf2) =	vadd.scan.msk.f32 $0xffff, v4;
	_ =	sdelay $0x3  }
0x25a: {  	(xrf2) =	vadd.scan.msk.f32 $0xffff, v3;
	_ =	sdelay $0x5  }
0x25b: {  	v4, _, _ =	vpop (xrf2)  }
0x25c: {  	v4 =	vperm.xlane v4, v0;
	_ =	sdelay $0x1  }
0x25d: {  	v2 =	vadd.f32 v2, v4  }
0x25e: {  	v55, _, _ =	vpop (xrf2)  }
0x25f: {  	v1 =	vadd.f32 v2, v1;
	v2 =	vsub.f32 v55, v3;
	_ =	sdelay $0x1  }
0x260: {  	v4 =	vadd.f32 v2, v1  }
0x261: {  	v3 =	vperm.xlane v3, v0  }
0x262: {  	[tilespmem:s25+$0x810] =	vst v4  }
0x263: {  	(xrf2) =	vadd.scan.msk.f32 $0xffff, v3;
	v4 =	vld [tilespmem:s24+$0x820];
	_ =	sdelay $0x4  }
0x264: {  	(xrf2) =	vadd.scan.msk.f32 $0xffff, v4;
	_ =	sdelay $0x4  }
0x265: {  	v3, _, _ =	vpop (xrf2)  }
0x266: {  	v3 =	vperm.xlane v3, v0;
	_ =	sdelay $0x2  }
0x267: {  	v2 =	vadd.f32 v2, v3  }
0x268: {  	v3, _, _ =	vpop (xrf2)  }
0x269: {  	v1 =	vadd.f32 v2, v1;
	v2 =	vsub.f32 v3, v4;
	_ =	sdelay $0x1  }
0x26a: {  	v3 =	vadd.f32 v2, v1;
	_ =	sdelay $0x1  }
0x26b: {  	v4 =	vperm.xlane v4, v0;
	[tilespmem:s25+$0x820] =	vst v3  }
0x26c: {  	v3 =	vld [tilespmem:s24+$0x830]  }
0x26d: {  	(xrf2) =	vadd.scan.msk.f32 $0xffff, v4;
	_ =	sdelay $0x3  }
0x26e: {  	(xrf2) =	vadd.scan.msk.f32 $0xffff, v3;
	_ =	sdelay $0x5  }
0x26f: {  	v4, _, _ =	vpop (xrf2)  }
0x270: {  	v4 =	vperm.xlane v4, v0;
	_ =	sdelay $0x1  }
0x271: {  	v2 =	vadd.f32 v2, v4  }
0x272: {  	v56, _, _ =	vpop (xrf2)  }
0x273: {  	v1 =	vadd.f32 v2, v1;
	v2 =	vsub.f32 v56, v3;
	_ =	sdelay $0x1  }
0x274: {  	v4 =	vadd.f32 v2, v1  }
0x275: {  	v3 =	vperm.xlane v3, v0  }
0x276: {  	[tilespmem:s25+$0x830] =	vst v4  }
0x277: {  	(xrf2) =	vadd.scan.msk.f32 $0xffff, v3;
	v4 =	vld [tilespmem:s24+$0x840];
	_ =	sdelay $0x4  }
0x278: {  	(xrf2) =	vadd.scan.msk.f32 $0xffff, v4;
	_ =	sdelay $0x4  }
0x279: {  	v3, _, _ =	vpop (xrf2)  }
0x27a: {  	v3 =	vperm.xlane v3, v0;
	_ =	sdelay $0x2  }
0x27b: {  	v2 =	vadd.f32 v2, v3  }
0x27c: {  	v3, _, _ =	vpop (xrf2)  }
0x27d: {  	v1 =	vadd.f32 v2, v1;
	v2 =	vsub.f32 v3, v4;
	_ =	sdelay $0x1  }
0x27e: {  	v3 =	vadd.f32 v2, v1;
	_ =	sdelay $0x1  }
0x27f: {  	v4 =	vperm.xlane v4, v0;
	[tilespmem:s25+$0x840] =	vst v3  }
0x280: {  	v3 =	vld [tilespmem:s24+$0x850]  }
0x281: {  	(xrf2) =	vadd.scan.msk.f32 $0xffff, v4;
	_ =	sdelay $0x3  }
0x282: {  	(xrf2) =	vadd.scan.msk.f32 $0xffff, v3;
	_ =	sdelay $0x5  }
0x283: {  	v4, _, _ =	vpop (xrf2)  }
0x284: {  	v4 =	vperm.xlane v4, v0;
	_ =	sdelay $0x1  }
0x285: {  	v2 =	vadd.f32 v2, v4  }
0x286: {  	v57, _, _ =	vpop (xrf2)  }
0x287: {  	v1 =	vadd.f32 v2, v1;
	v2 =	vsub.f32 v57, v3;
	_ =	sdelay $0x1  }
0x288: {  	v4 =	vadd.f32 v2, v1  }
0x289: {  	v3 =	vperm.xlane v3, v0  }
0x28a: {  	[tilespmem:s25+$0x850] =	vst v4  }
0x28b: {  	(xrf2) =	vadd.scan.msk.f32 $0xffff, v3;
	v4 =	vld [tilespmem:s24+$0x860];
	_ =	sdelay $0x4  }
0x28c: {  	(xrf2) =	vadd.scan.msk.f32 $0xffff, v4;
	_ =	sdelay $0x4  }
0x28d: {  	v3, _, _ =	vpop (xrf2)  }
0x28e: {  	v3 =	vperm.xlane v3, v0;
	_ =	sdelay $0x2  }
0x28f: {  	v2 =	vadd.f32 v2, v3  }
0x290: {  	v3, _, _ =	vpop (xrf2)  }
0x291: {  	v1 =	vadd.f32 v2, v1;
	v2 =	vsub.f32 v3, v4;
	_ =	sdelay $0x1  }
0x292: {  	v3 =	vadd.f32 v2, v1;
	_ =	sdelay $0x1  }
0x293: {  	v4 =	vperm.xlane v4, v0;
	[tilespmem:s25+$0x860] =	vst v3  }
0x294: {  	v3 =	vld [tilespmem:s24+$0x870]  }
0x295: {  	(xrf2) =	vadd.scan.msk.f32 $0xffff, v4;
	_ =	sdelay $0x3  }
0x296: {  	(xrf2) =	vadd.scan.msk.f32 $0xffff, v3;
	_ =	sdelay $0x5  }
0x297: {  	v4, _, _ =	vpop (xrf2)  }
0x298: {  	v4 =	vperm.xlane v4, v0;
	_ =	sdelay $0x1  }
0x299: {  	v2 =	vadd.f32 v2, v4  }
0x29a: {  	v58, _, _ =	vpop (xrf2)  }
0x29b: {  	v1 =	vadd.f32 v2, v1;
	v2 =	vsub.f32 v58, v3;
	_ =	sdelay $0x1  }
0x29c: {  	v4 =	vadd.f32 v2, v1  }
0x29d: {  	v3 =	vperm.xlane v3, v0  }
0x29e: {  	[tilespmem:s25+$0x870] =	vst v4  }
0x29f: {  	(xrf2) =	vadd.scan.msk.f32 $0xffff, v3;
	v4 =	vld [tilespmem:s24+$0xC00];
	_ =	sdelay $0x4  }
0x2a0: {  	(xrf2) =	vadd.scan.msk.f32 $0xffff, v4;
	_ =	sdelay $0x4  }
0x2a1: {  	v3, _, _ =	vpop (xrf2)  }
0x2a2: {  	v3 =	vperm.xlane v3, v0;
	_ =	sdelay $0x2  }
0x2a3: {  	v2 =	vadd.f32 v2, v3  }
0x2a4: {  	v3, _, _ =	vpop (xrf2)  }
0x2a5: {  	v1 =	vadd.f32 v2, v1;
	v2 =	vsub.f32 v3, v4;
	_ =	sdelay $0x1  }
0x2a6: {  	v3 =	vadd.f32 v2, v1;
	_ =	sdelay $0x1  }
0x2a7: {  	v4 =	vperm.xlane v4, v0;
	[tilespmem:s25+$0xC00] =	vst v3  }
0x2a8: {  	v3 =	vld [tilespmem:s24+$0xC10]  }
0x2a9: {  	(xrf2) =	vadd.scan.msk.f32 $0xffff, v4;
	_ =	sdelay $0x3  }
0x2aa: {  	(xrf2) =	vadd.scan.msk.f32 $0xffff, v3;
	_ =	sdelay $0x5  }
0x2ab: {  	v4, _, _ =	vpop (xrf2)  }
0x2ac: {  	v4 =	vperm.xlane v4, v0;
	_ =	sdelay $0x1  }
0x2ad: {  	v2 =	vadd.f32 v2, v4  }
0x2ae: {  	v59, _, _ =	vpop (xrf2)  }
0x2af: {  	v1 =	vadd.f32 v2, v1;
	v2 =	vsub.f32 v59, v3;
	_ =	sdelay $0x1  }
0x2b0: {  	v4 =	vadd.f32 v2, v1  }
0x2b1: {  	v3 =	vperm.xlane v3, v0  }
0x2b2: {  	[tilespmem:s25+$0xC10] =	vst v4  }
0x2b3: {  	(xrf2) =	vadd.scan.msk.f32 $0xffff, v3;
	v4 =	vld [tilespmem:s24+$0xC20];
	_ =	sdelay $0x4  }
0x2b4: {  	(xrf2) =	vadd.scan.msk.f32 $0xffff, v4;
	_ =	sdelay $0x4  }
0x2b5: {  	v3, _, _ =	vpop (xrf2)  }
0x2b6: {  	v3 =	vperm.xlane v3, v0;
	_ =	sdelay $0x2  }
0x2b7: {  	v2 =	vadd.f32 v2, v3  }
0x2b8: {  	v3, _, _ =	vpop (xrf2)  }
0x2b9: {  	v1 =	vadd.f32 v2, v1;
	v2 =	vsub.f32 v3, v4;
	_ =	sdelay $0x1  }
0x2ba: {  	v3 =	vadd.f32 v2, v1;
	_ =	sdelay $0x1  }
0x2bb: {  	v4 =	vperm.xlane v4, v0;
	[tilespmem:s25+$0xC20] =	vst v3  }
0x2bc: {  	v3 =	vld [tilespmem:s24+$0xC30]  }
0x2bd: {  	(xrf2) =	vadd.scan.msk.f32 $0xffff, v4;
	_ =	sdelay $0x3  }
0x2be: {  	(xrf2) =	vadd.scan.msk.f32 $0xffff, v3;
	_ =	sdelay $0x5  }
0x2bf: {  	v4, _, _ =	vpop (xrf2)  }
0x2c0: {  	v4 =	vperm.xlane v4, v0;
	_ =	sdelay $0x1  }
0x2c1: {  	v2 =	vadd.f32 v2, v4  }
0x2c2: {  	v60, _, _ =	vpop (xrf2)  }
0x2c3: {  	v1 =	vadd.f32 v2, v1;
	v2 =	vsub.f32 v60, v3;
	_ =	sdelay $0x1  }
0x2c4: {  	v4 =	vadd.f32 v2, v1  }
0x2c5: {  	v3 =	vperm.xlane v3, v0  }
0x2c6: {  	[tilespmem:s25+$0xC30] =	vst v4  }
0x2c7: {  	(xrf2) =	vadd.scan.msk.f32 $0xffff, v3;
	v4 =	vld [tilespmem:s24+$0xC40];
	_ =	sdelay $0x4  }
0x2c8: {  	(xrf2) =	vadd.scan.msk.f32 $0xffff, v4;
	_ =	sdelay $0x4  }
0x2c9: {  	v3, _, _ =	vpop (xrf2)  }
0x2ca: {  	v3 =	vperm.xlane v3, v0;
	_ =	sdelay $0x2  }
0x2cb: {  	v2 =	vadd.f32 v2, v3  }
0x2cc: {  	v3, _, _ =	vpop (xrf2)  }
0x2cd: {  	v1 =	vadd.f32 v2, v1;
	v2 =	vsub.f32 v3, v4;
	_ =	sdelay $0x1  }
0x2ce: {  	v3 =	vadd.f32 v2, v1;
	_ =	sdelay $0x1  }
0x2cf: {  	v4 =	vperm.xlane v4, v0;
	[tilespmem:s25+$0xC40] =	vst v3  }
0x2d0: {  	v3 =	vld [tilespmem:s24+$0xC50]  }
0x2d1: {  	(xrf2) =	vadd.scan.msk.f32 $0xffff, v4;
	_ =	sdelay $0x3  }
0x2d2: {  	(xrf2) =	vadd.scan.msk.f32 $0xffff, v3;
	_ =	sdelay $0x5  }
0x2d3: {  	v4, _, _ =	vpop (xrf2)  }
0x2d4: {  	v4 =	vperm.xlane v4, v0;
	_ =	sdelay $0x1  }
0x2d5: {  	v2 =	vadd.f32 v2, v4  }
0x2d6: {  	v61, _, _ =	vpop (xrf2)  }
0x2d7: {  	v1 =	vadd.f32 v2, v1;
	v2 =	vsub.f32 v61, v3;
	_ =	sdelay $0x1  }
0x2d8: {  	v4 =	vadd.f32 v2, v1  }
0x2d9: {  	v3 =	vperm.xlane v3, v0  }
0x2da: {  	[tilespmem:s25+$0xC50] =	vst v4  }
0x2db: {  	(xrf2) =	vadd.scan.msk.f32 $0xffff, v3;
	v4 =	vld [tilespmem:s24+$0xC60];
	_ =	sdelay $0x4  }
0x2dc: {  	(xrf2) =	vadd.scan.msk.f32 $0xffff, v4;
	_ =	sdelay $0x4  }
0x2dd: {  	v3, _, _ =	vpop (xrf2)  }
0x2de: {  	v3 =	vperm.xlane v3, v0;
	_ =	sdelay $0x2  }
0x2df: {  	v2 =	vadd.f32 v2, v3  }
0x2e0: {  	v3, _, _ =	vpop (xrf2)  }
0x2e1: {  	v1 =	vadd.f32 v2, v1;
	v2 =	vsub.f32 v3, v4;
	_ =	sdelay $0x1  }
0x2e2: {  	v3 =	vadd.f32 v2, v1;
	_ =	sdelay $0x1  }
0x2e3: {  	v4 =	vperm.xlane v4, v0;
	[tilespmem:s25+$0xC60] =	vst v3  }
0x2e4: {  	v3 =	vld [tilespmem:s24+$0xC70]  }
0x2e5: {  	(xrf2) =	vadd.scan.msk.f32 $0xffff, v4;
	_ =	sdelay $0x3  }
0x2e6: {  	(xrf2) =	vadd.scan.msk.f32 $0xffff, v3;
	_ =	sdelay $0x5  }
0x2e7: {  	v5 =	vmov s1;
	v4, _, _ =	vpop (xrf2)  }
0x2e8: {  	v5 =	vshll.u32 v5, $0x7;
	v4 =	vperm.xlane v4, v0  }
0x2e9: {  	v5 =	vand.u32 $0x380, v5  }
0x2ea: {  	v62 =	vor.u32 $0x2000, v5;
	v2 =	vadd.f32 v2, v4  }
0x2eb: {  	v4 =	vbroadcast v62, $0x0;
	v63, _, _ =	vpop (xrf2)  }
0x2ec: {  	p1 =	sne.s32 s1, $0x6;
	v1 =	vadd.f32 v2, v1;
	v2 =	vsub.f32 v63, v3  }
.Ltmp4:
0x2ed: {  	_ = 	snop;
	(pc) =	sbr.rel @p1 .LBB2_5-.Ltmp4, $4  }
0x2ee: {  	v2 =	vadd.f32 v2, v1  }
0x2ef: {  	v1 =	vadd.f32 v63, v1  }
0x2f0: {  	[tilespmem:s25+$0xC70] =	vst v2  }
0x2f1: {  	s1 =	sadd.s32 $0x1, s1;
	s24 =	sadd.s32 $0x80, s24;
	s25 =	sadd.s32 $0x80, s25;
	[tilespmem:v4+s19+$0x0] =	vst.idx.msk vm0, v1  }
0x2f2: {  	[hbm4b:s5+s2] =	stream.linear.scatter [tilespmem:s19], [sflag:$0x5], $0x380, $0x38;
	[tilespmem:$0x11000] =	vst v63  }
0x2f3: {  	s1 =	sadd.s32 $0x80, s5;
	s24 =	simm.s32 $0x8400  }
0x2f4: {  	[hbm4b:s1+s2] =	stream.linear.scatter [tilespmem:s24], [sflag:$0x5], $0x380, $0x38;
	[tilespmem:$0x11000] =	vst v63  }
0x2f5: {  	s25 =	sadd.s32 $0x100, s5;
	s26 =	simm.s32 $0x8800  }
0x2f6: {  	[hbm4b:s25+s2] =	stream.linear.scatter [tilespmem:s26], [sflag:$0x5], $0x380, $0x38;
	[tilespmem:$0x11000] =	vst v63  }
0x2f7: {  	s25 =	sadd.s32 $0x180, s5;
	s26 =	simm.s32 $0x8C00  }
0x2f8: {  	[hbm4b:s25+s2] =	stream.linear.scatter [tilespmem:s26], [sflag:$0x5], $0x380, $0x38;
	[tilespmem:$0x11000] =	vst v63  }
0x2f9: {  	s25 =	sadd.s32 $0x200, s5;
	s26 =	simm.s32 $0x9000  }
0x2fa: {  	[hbm4b:s25+s2] =	stream.linear.scatter [tilespmem:s26], [sflag:$0x5], $0x380, $0x38;
	[tilespmem:$0x11000] =	vst v63  }
0x2fb: {  	s25 =	sadd.s32 $0x280, s5;
	s26 =	simm.s32 $0x9400  }
0x2fc: {  	[hbm4b:s25+s2] =	stream.linear.scatter [tilespmem:s26], [sflag:$0x5], $0x380, $0x38;
	[tilespmem:$0x11000] =	vst v63  }
0x2fd: {  	s24 =	sadd.s32 $0x300, s5  }
0x2fe: {  	[hbm4b:s24+s2] =	stream.linear.scatter [tilespmem:s28], [sflag:$0x5], $0x380, $0x38;
	[tilespmem:$0x11000] =	vst v63  }
0x2ff: {  	s25 =	sadd.s32 $0x380, s5  }
0x300: {  	[hbm4b:s25+s2] =	stream.linear.scatter [tilespmem:s29], [sflag:$0x5], $0x380, $0x38;
	[tilespmem:$0x11000] =	vst v63  }
.Ltmp5:
0x301: {  	s26 =	sadd.s32 $0x400, s5;
	(pc) =	sbr.rel .LBB2_7-.Ltmp5, $4  }
0x302: {  	[hbm4b:s26+s2] =	stream.linear.scatter [tilespmem:s30], [sflag:$0x5], $0x380, $0x38;
	[tilespmem:$0x11000] =	vst v63  }
0x303: {  	_ =	swait.ge [sflag:s31], $0x1F80  }
0x304: {  	[sflag:s31] =	ssyncset.done $0x0  }
0x305: {  	[sflag:s31] =	ssyncadd.s32 $0xFFFFE080  }
.LBB2_8:
0x306: {  	_ =	sfence.sel $0x180000  }
0x307: {  	[bflag:$0x0] =	sbarrier.arrive $0xFFFF  }
0x308: {  	_ =	strace $0x90000047  }
0x309: {  	s0 =	stileid.u32;
	[bflag:$0x2] =	sbarrier.arrive $0xFFFF  }
0x30a: {  	p0 =	sne.s32 s0, $0x0;
	s0 =	rddreg [dreg:$0x2]  }
0x30b: {  	s0 =	sadd.s32 @!p0 $0x100000, s0  }
0x30c: {  	[sflag:s0] =	ssyncadd.tile.s32 @!p0 $0x1;
	_ =	shalt  }
.Lfunc_end2:
_tile_overlayer_lowered:
.L_overlay_start_2:
0x30d: {  	(tag) =	ssettag $0x2  }
0x30e: {  	s0 =	rddreg [dreg:$0x0];
	s2 =	stileid.u32  }
0x30f: {  	s1 =	rddreg [dreg:$0x1];
	p0 =	sne.s32 s2, $0x0  }
0x310: {  	s3 =	rddreg [dreg:$0x2];
	[bflag:$0x3] =	sbarrier.arrive $0xFFFF;
	s2 =	simm.s32 @!p0 $0x1C05  }
0x311: {  	[timem:s3], [sflag:s2] =	dma.local @!p0 [hbm:s0], s1  }
0x312: {  	s0 =	simm.s32 @!p0 $0x5  }
0x313: {  	_ =	swait.ge @!p0 [sflag:s0], s1  }
0x314: {  	s1 =	ssub.s32 @!p0 $0x0, s1;
	[sflag:s0] =	ssyncset.done @!p0 $0x0  }
0x315: {  	[sflag:s0] =	ssyncadd.s32 @!p0 s1  }
0x316: {  	[bflag:$0x3] =	sbarrier.arrive $0xFFFF  }
0x317: {  	_ =	shalt  }

</sc_bundles>
